<compile_context>
chip_gen: v7x
topology: tpu7x:2x2x1
jax: 0.10.2.dev20260603
libtpu: 0.0.44.dev20260713+nightly
codegen_flags: <defaults>
</compile_context>

<pallas_src>
import functools

import jax
import jax.numpy as jnp
from jax import lax
from jax.experimental import pallas as pl
from jax.experimental.pallas import tpu as pltpu
from jax.experimental.pallas import tpu_sc as plsc

K = 255
NB = K + 1
C = 19
CNB = C * NB
HSIZE = 2 * CNB
CH = 2048
LANES = 16


def _sc_histogram(logits, labels, num_cores, num_subcores):
    B, C_, P = logits.shape
    NW = num_cores * num_subcores
    wpi = NW // B
    span = P // wpi
    nchunks = span // CH
    assert nchunks % 2 == 0
    mesh = plsc.VectorSubcoreMesh(
        core_axis_name="c", subcore_axis_name="s", num_cores=num_cores,
        num_subcores=num_subcores)

    @functools.partial(
        pl.kernel,
        out_type=jax.ShapeDtypeStruct((NW, HSIZE), jnp.float32),
        mesh=mesh,
        scratch_types=[
            pltpu.VMEM((C_, CH), jnp.float32),
            pltpu.VMEM((C_, CH), jnp.float32),
            pltpu.VMEM((CH,), jnp.int32),
            pltpu.VMEM((CH,), jnp.int32),
            pltpu.VMEM((HSIZE,), jnp.float32),
            pltpu.SemaphoreType.DMA,
            pltpu.SemaphoreType.DMA,
            pltpu.SemaphoreType.DMA,
            pltpu.SemaphoreType.DMA,
        ],
        compiler_params=pltpu.CompilerParams(needs_layout_passes=False),
    )
    def hist_kernel(logits_hbm, labels_hbm, out_hbm,
                    ck0, ck1, lb0, lb1, hist_v, sL0, sL1, sB0, sB1):
        wid = lax.axis_index("s") * num_cores + lax.axis_index("c")
        img = wid // wpi
        base = (wid % wpi) * span

        def zero_body(i, _):
            hist_v[pl.ds(i * LANES, LANES)] = jnp.zeros((LANES,), jnp.float32)
            return _
        lax.fori_loop(0, HSIZE // LANES, zero_body, None)

        def start(j, ck, lb, sL, sB):
            st = base + j * CH
            pltpu.make_async_copy(
                logits_hbm.at[img, :, pl.ds(st, CH)], ck, sL).start()
            pltpu.make_async_copy(
                labels_hbm.at[img, pl.ds(st, CH)], lb, sB).start()

        def wait(ck, lb, sL, sB):
            pltpu.make_async_copy(
                logits_hbm.at[img, :, pl.ds(0, CH)], ck, sL).wait()
            pltpu.make_async_copy(
                labels_hbm.at[img, pl.ds(0, CH)], lb, sB).wait()

        ones = jnp.ones((LANES,), jnp.float32)
        kf = float(K)

        def process(ck, lb):
            @plsc.parallel_loop(0, CH // LANES, unroll=6)
            def pix_body(i):
                if True:
                    off = i * LANES
                    lbl = lb[pl.ds(off, LANES)]
                    es = [jnp.exp(ck[c, pl.ds(off, LANES)]) for c in range(C_)]
                    acc = list(es)
                    while len(acc) > 1:
                        acc = [acc[k] + acc[k + 1] for k in range(0, len(acc) - 1, 2)] + (
                            [acc[-1]] if len(acc) % 2 else [])
                    invk = kf / acc[0]
                    for c in range(C_):
                        qc = es[c] * invk
                        fg = lbl == c
                        bg_f = qc + jnp.float32(0.5 + c * NB)
                        fg_f = jnp.float32(kf + 0.5 + CNB + c * NB) - qc
                        binidx = jnp.where(fg, fg_f, bg_f).astype(jnp.int32)
                        plsc.addupdate_scatter(hist_v, [binidx], ones)

        start(0, ck0, lb0, sL0, sB0)

        def chunk_body(g, _):
            start(2 * g + 1, ck1, lb1, sL1, sB1)
            wait(ck0, lb0, sL0, sB0)
            process(ck0, lb0)
            start((2 * g + 2) % nchunks, ck0, lb0, sL0, sB0)
            wait(ck1, lb1, sL1, sB1)
            process(ck1, lb1)
            return _
        lax.fori_loop(0, nchunks // 2, chunk_body, None)
        wait(ck0, lb0, sL0, sB0)

        pltpu.sync_copy(hist_v, out_hbm.at[wid])

    return hist_kernel(logits, labels)


def _tc_finish(hists, B, wpi):

    def fin_kernel(h_ref, out_ref):
        X = h_ref[...]
        Xs = X.reshape(B, wpi, 2 * C, NB)
        Xr = jnp.sum(Xs, axis=1)
        h0 = Xr[:, 0:C, :].reshape(B * C, NB)
        h1 = Xr[:, C:2 * C, :].reshape(B * C, NB)
        ii = lax.broadcasted_iota(jnp.int32, (NB, NB), 0)
        jj = lax.broadcasted_iota(jnp.int32, (NB, NB), 1)
        U = (ii >= jj).astype(jnp.float32)
        S0 = jnp.dot(h0, U, preferred_element_type=jnp.float32)
        S1 = jnp.dot(h1, U, preferred_element_type=jnp.float32)
        G = S1[:, 0:1]
        J = 1.0 - (G - S1) / jnp.maximum(G + S0, 1.0)
        lossc = (jnp.sum(J, axis=1, keepdims=True) - 1.0) / float(K)
        pres = (G > 0.0).astype(jnp.float32)
        bi = lax.broadcasted_iota(jnp.int32, (B, B * C), 0)
        ci = lax.broadcasted_iota(jnp.int32, (B, B * C), 1) // C
        sel = (bi == ci).astype(jnp.float32)
        num = jnp.dot(sel, lossc * pres, preferred_element_type=jnp.float32)
        den = jnp.dot(sel, pres, preferred_element_type=jnp.float32)
        per = num / jnp.maximum(den, 1.0)
        out_ref[...] = jnp.broadcast_to(jnp.sum(per) / float(B), (1, 1))

    return pl.pallas_call(
        fin_kernel,
        out_shape=jax.ShapeDtypeStruct((1, 1), jnp.float32),
    )(hists)


def kernel(output, target):
    B, C_, H, W = output.shape
    P = H * W
    logits = output.reshape(B, C_, P)
    labels = target.reshape(B, P).astype(jnp.int32)
    info = plsc.get_sparse_core_info()
    nc, ns = info.num_cores, info.num_subcores
    hists = _sc_histogram(logits, labels, nc, ns)
    wpi = (nc * ns) // B
    loss = _tc_finish(hists.reshape(B * wpi * 2 * C_, NB), B, wpi)
    return loss[0, 0]

# --- scband reference (transcript-rebuilt; emitter-appended) ---
"""Pipeline reference for scband-lovasz-softmax-46840913330359 (READ-ONLY COPY).

The authoritative reference and input builder live on the scoring server;
editing this copy changes nothing except your own understanding.
"""

import jax, jax.numpy as jnp
import numpy as np


def lovasz_grad(gt_sorted):
    gts = jnp.sum(gt_sorted)
    intersection = gts - jnp.cumsum(gt_sorted)
    union = gts + jnp.cumsum(1.0 - gt_sorted)
    jaccard = 1.0 - intersection / union
    # jaccard[1:] = jaccard[1:] - jaccard[:-1]
    jaccard = jnp.concatenate([jaccard[:1], jaccard[1:] - jaccard[:-1]])
    return jaccard


def _lovasz_softmax_flat(probas, labels):
    # probas: [P, C] softmax probabilities, labels: [P] int
    C = probas.shape[1]

    def class_loss(c):
        fg = (labels == c).astype(jnp.float32)
        errors = jnp.abs(fg - probas[:, c])
        perm = jnp.argsort(-errors)  # descending sort of errors
        errors_sorted = errors[perm]
        fg_sorted = fg[perm]
        loss = jnp.dot(errors_sorted, lovasz_grad(fg_sorted))
        present = (jnp.sum(fg) > 0).astype(jnp.float32)
        return loss, present

    losses, presents = jax.vmap(class_loss)(jnp.arange(C))
    # classes='present': average only over classes present in the image
    return jnp.sum(losses * presents) / jnp.maximum(jnp.sum(presents), 1.0)


def setup_inputs(seed: int = 0) -> dict:
    key = jax.random.key(seed)
    k1, k2 = jax.random.split(key)
    output = jax.random.normal(k1, (4, 19, 512, 512), dtype=jnp.float32)
    target = jax.random.randint(k2, (4, 512, 512), 0, 19, dtype=jnp.int32)
    return {"output": output, "target": target}


def reference(output, target):
    probas = jax.nn.softmax(output, axis=1)
    B, C, H, W = probas.shape
    p = jnp.transpose(probas, (0, 2, 3, 1)).reshape(B, H * W, C)
    l = target.reshape(B, H * W)
    per_image_losses = jax.vmap(_lovasz_softmax_flat)(p, l)
    return jnp.mean(per_image_losses)

if __name__ == "__main__":
    import jax
    _d = setup_inputs()
    print(jax.jit(kernel)(*tuple(_d.values())))

</pallas_src>

<mosaic_0001>
#map = affine_map<(d0, d1) -> (0, 0, 0)>
#map1 = affine_map<(d0, d1) -> (0, 0)>
module attributes {stable_mosaic.version = 14 : i64} {
  func.func @hist_kernel(%arg0: i32, %arg1: i32, %arg2: memref<4x19x262144xf32, #tpu.memory_space<hbm>>, %arg3: memref<4x262144xi32, #tpu.memory_space<hbm>>, %arg4: memref<32x9728xf32, #tpu.memory_space<hbm>>, %arg5: memref<19x2048xf32, #tpu.memory_space<vmem>>, %arg6: memref<19x2048xf32, #tpu.memory_space<vmem>>, %arg7: memref<2048xi32, #tpu.memory_space<vmem>>, %arg8: memref<2048xi32, #tpu.memory_space<vmem>>, %arg9: memref<9728xf32, #tpu.memory_space<vmem>>, %arg10: memref<!tpu.dma_semaphore, #tpu.memory_space<semaphore_mem>>, %arg11: memref<!tpu.dma_semaphore, #tpu.memory_space<semaphore_mem>>, %arg12: memref<!tpu.dma_semaphore, #tpu.memory_space<semaphore_mem>>, %arg13: memref<!tpu.dma_semaphore, #tpu.memory_space<semaphore_mem>>) attributes {dimension_semantics = [#tpu.dimension_semantics<core_parallel>, #tpu.dimension_semantics<subcore_parallel>], iteration_bounds = array<i64: 2, 16>, scalar_prefetch = 0 : i64, scratch_operands = 9 : i64, tpu.core_type = #tpu.core_type<sc_vector_subcore>, window_params = [{transform_indices = #map}, {transform_indices = #map1}, {transform_indices = #map1}]} {
    %mul3A = arith.constant 2 : i32
    %mul3A_0 = arith.muli %arg1, %mul3A : i32
    %add3A = arith.addi %mul3A_0, %arg0 : i32
    %jit3A = arith.constant 8 : i32
    %div3A = arith.divsi %add3A, %jit3A : i32
    %sign3A = arith.constant 0 : i32
    %sign3A_1 = arith.cmpi sgt, %add3A, %sign3A : i32
    %sign3A_2 = arith.extui %sign3A_1 : i1 to i32
    %sign3A_3 = arith.constant 0 : i32
    %sign3A_4 = arith.cmpi slt, %add3A, %sign3A_3 : i32
    %sign3A_5 = arith.extui %sign3A_4 : i1 to i32
    %sign3A_6 = arith.subi %sign3A_2, %sign3A_5 : i32
    %sign3A_7 = arith.constant 0 : i32
    %sign3A_8 = arith.cmpi sgt, %jit3A, %sign3A_7 : i32
    %sign3A_9 = arith.extui %sign3A_8 : i1 to i32
    %sign3A_10 = arith.constant 0 : i32
    %sign3A_11 = arith.cmpi slt, %jit3A, %sign3A_10 : i32
    %sign3A_12 = arith.extui %sign3A_11 : i1 to i32
    %sign3A_13 = arith.subi %sign3A_9, %sign3A_12 : i32
    %ne3A = arith.cmpi ne, %sign3A_6, %sign3A_13 : i32
    %rem3A = arith.remsi %add3A, %jit3A : i32
    %ne3A_14 = arith.constant 0 : i32
    %ne3A_15 = arith.cmpi ne, %rem3A, %ne3A_14 : i32
    %and3A = arith.andi %ne3A, %ne3A_15 : i1
    %sub3A = arith.constant 1 : i32
    %sub3A_16 = arith.subi %div3A, %sub3A : i32
    %select_n3A = arith.select %and3A, %sub3A_16, %div3A : i32
    %jit3A_17 = arith.constant 8 : i32
    %eq3A = arith.constant 0 : i32
    %eq3A_18 = arith.cmpi eq, %jit3A_17, %eq3A : i32
    %jit3A_19 = arith.constant 1 : i32
    %select_n3A_20 = arith.select %eq3A_18, %jit3A_19, %jit3A_17 : i32
    %rem3A_21 = arith.remsi %add3A, %select_n3A_20 : i32
    %ne3A_22 = arith.constant 0 : i32
    %ne3A_23 = arith.cmpi ne, %rem3A_21, %ne3A_22 : i32
    %lt3A = arith.constant 0 : i32
    %lt3A_24 = arith.cmpi slt, %rem3A_21, %lt3A : i32
    %lt3A_25 = arith.constant 0 : i32
    %lt3A_26 = arith.cmpi slt, %select_n3A_20, %lt3A_25 : i32
    %ne3A_27 = arith.xori %lt3A_24, %lt3A_26 : i1
    %and3A_28 = arith.andi %ne3A_27, %ne3A_23 : i1
    %add3A_29 = arith.addi %rem3A_21, %select_n3A_20 : i32
    %select_n3A_30 = arith.select %and3A_28, %add3A_29, %rem3A_21 : i32
    %mul3A_31 = arith.constant 32768 : i32
    %mul3A_32 = arith.muli %select_n3A_30, %mul3A_31 : i32
    %scan3A = arith.constant 0 : i32
    %scan3A_33 = arith.constant 608 : i32
    %scan3A_34 = arith.addi %scan3A, %scan3A_33 : i32
    %scan3A_35 = arith.constant 1 : i32
    scf.for %scan3A_67 = %scan3A to %scan3A_34 step %scan3A_35  : i32 {
      %broadcast_in_dim3A_68 = arith.constant 0.000000e+00 : f32
      %broadcast_in_dim3A_69 = vector.broadcast %broadcast_in_dim3A_68 : f32 to vector<16xf32>
      %mul3A_70 = arith.constant 16 : i32
      %mul3A_71 = arith.muli %scan3A_67, %mul3A_70 : i32
      %swap3A = arith.index_cast %mul3A_71 : i32 to index
      %swap3A_72 = tpu.vector_load %arg9[%swap3A] {strides = array<i32>} : memref<9728xf32, #tpu.memory_space<vmem>>, vector<16xf32>,
      tpu.vector_store %arg9[%swap3A], %broadcast_in_dim3A_69 {strides = array<i32>} : memref<9728xf32, #tpu.memory_space<vmem>>, vector<16xf32>,
    }
    %scan3A_36 = arith.constant 608 : i32
    %broadcast_in_dim3A = arith.constant 1.000000e+00 : f32
    %broadcast_in_dim3A_37 = vector.broadcast %broadcast_in_dim3A : f32 to vector<16xf32>
    %add3A_38 = arith.constant 0 : i32
    %add3A_39 = arith.addi %mul3A_32, %add3A_38 : i32
    %dma_start3A = arith.constant 0 : i32
    %dma_start3A_40 = tpu.memref_slice %arg2[%select_n3A, %dma_start3A, %add3A_39] : memref<4x19x262144xf32, #tpu.memory_space<hbm>> -> memref<1x19x2048xf32, #tpu.memory_space<hbm>>
    %dma_start3A_41 = tpu.memref_squeeze %dma_start3A_40 : memref<1x19x2048xf32, #tpu.memory_space<hbm>> -> memref<19x2048xf32, #tpu.memory_space<hbm>>
    %dma_start3A_42 = arith.constant 0 : i32
    %dma_start3A_43 = tpu.memref_slice %arg2[%select_n3A, %dma_start3A_42, %add3A_39] : memref<4x19x262144xf32, #tpu.memory_space<hbm>> -> memref<1x19x2048xf32, #tpu.memory_space<hbm>>
    %dma_start3A_44 = tpu.memref_squeeze %dma_start3A_43 : memref<1x19x2048xf32, #tpu.memory_space<hbm>> -> memref<19x2048xf32, #tpu.memory_space<hbm>>
    tpu.enqueue_dma source(%dma_start3A_44 : memref<19x2048xf32, #tpu.memory_space<hbm>>) target(%arg5 : memref<19x2048xf32, #tpu.memory_space<vmem>>) target_semaphore(%arg10 : memref<!tpu.dma_semaphore, #tpu.memory_space<semaphore_mem>>)
    %dma_start3A_45 = tpu.memref_slice %arg3[%select_n3A, %add3A_39] : memref<4x262144xi32, #tpu.memory_space<hbm>> -> memref<1x2048xi32, #tpu.memory_space<hbm>>
    %dma_start3A_46 = tpu.memref_squeeze %dma_start3A_45 : memref<1x2048xi32, #tpu.memory_space<hbm>> -> memref<2048xi32, #tpu.memory_space<hbm>>
    %dma_start3A_47 = tpu.memref_slice %arg3[%select_n3A, %add3A_39] : memref<4x262144xi32, #tpu.memory_space<hbm>> -> memref<1x2048xi32, #tpu.memory_space<hbm>>
    %dma_start3A_48 = tpu.memref_squeeze %dma_start3A_47 : memref<1x2048xi32, #tpu.memory_space<hbm>> -> memref<2048xi32, #tpu.memory_space<hbm>>
    tpu.enqueue_dma source(%dma_start3A_48 : memref<2048xi32, #tpu.memory_space<hbm>>) target(%arg7 : memref<2048xi32, #tpu.memory_space<vmem>>) target_semaphore(%arg12 : memref<!tpu.dma_semaphore, #tpu.memory_space<semaphore_mem>>)
    %scan3A_49 = arith.constant 0 : i32
    %scan3A_50 = arith.constant 8 : i32
    %scan3A_51 = arith.addi %scan3A_49, %scan3A_50 : i32
    %scan3A_52 = arith.constant 1 : i32
    scf.for %scan3A_67 = %scan3A_49 to %scan3A_51 step %scan3A_52  : i32 {
      %mul3A_68 = arith.constant 2 : i32
      %mul3A_69 = arith.muli %mul3A_68, %scan3A_67 : i32
      %add3A_70 = arith.constant 1 : i32
      %add3A_71 = arith.addi %mul3A_69, %add3A_70 : i32
      %mul3A_72 = arith.constant 2048 : i32
      %mul3A_73 = arith.muli %add3A_71, %mul3A_72 : i32
      %add3A_74 = arith.addi %mul3A_32, %mul3A_73 : i32
      %dma_start3A_75 = arith.constant 0 : i32
      %dma_start3A_76 = tpu.memref_slice %arg2[%select_n3A, %dma_start3A_75, %add3A_74] : memref<4x19x262144xf32, #tpu.memory_space<hbm>> -> memref<1x19x2048xf32, #tpu.memory_space<hbm>>
      %dma_start3A_77 = tpu.memref_squeeze %dma_start3A_76 : memref<1x19x2048xf32, #tpu.memory_space<hbm>> -> memref<19x2048xf32, #tpu.memory_space<hbm>>
      %dma_start3A_78 = arith.constant 0 : i32
      %dma_start3A_79 = tpu.memref_slice %arg2[%select_n3A, %dma_start3A_78, %add3A_74] : memref<4x19x262144xf32, #tpu.memory_space<hbm>> -> memref<1x19x2048xf32, #tpu.memory_space<hbm>>
      %dma_start3A_80 = tpu.memref_squeeze %dma_start3A_79 : memref<1x19x2048xf32, #tpu.memory_space<hbm>> -> memref<19x2048xf32, #tpu.memory_space<hbm>>
      tpu.enqueue_dma source(%dma_start3A_80 : memref<19x2048xf32, #tpu.memory_space<hbm>>) target(%arg6 : memref<19x2048xf32, #tpu.memory_space<vmem>>) target_semaphore(%arg11 : memref<!tpu.dma_semaphore, #tpu.memory_space<semaphore_mem>>)
      %dma_start3A_81 = tpu.memref_slice %arg3[%select_n3A, %add3A_74] : memref<4x262144xi32, #tpu.memory_space<hbm>> -> memref<1x2048xi32, #tpu.memory_space<hbm>>
      %dma_start3A_82 = tpu.memref_squeeze %dma_start3A_81 : memref<1x2048xi32, #tpu.memory_space<hbm>> -> memref<2048xi32, #tpu.memory_space<hbm>>
      %dma_start3A_83 = tpu.memref_slice %arg3[%select_n3A, %add3A_74] : memref<4x262144xi32, #tpu.memory_space<hbm>> -> memref<1x2048xi32, #tpu.memory_space<hbm>>
      %dma_start3A_84 = tpu.memref_squeeze %dma_start3A_83 : memref<1x2048xi32, #tpu.memory_space<hbm>> -> memref<2048xi32, #tpu.memory_space<hbm>>
      tpu.enqueue_dma source(%dma_start3A_84 : memref<2048xi32, #tpu.memory_space<hbm>>) target(%arg8 : memref<2048xi32, #tpu.memory_space<vmem>>) target_semaphore(%arg13 : memref<!tpu.dma_semaphore, #tpu.memory_space<semaphore_mem>>)
      %dma_wait3A_85 = arith.constant 0 : i32
      %dma_wait3A_86 = arith.constant 0 : i32
      %dma_wait3A_87 = tpu.memref_slice %arg2[%select_n3A, %dma_wait3A_85, %dma_wait3A_86] : memref<4x19x262144xf32, #tpu.memory_space<hbm>> -> memref<1x19x2048xf32, #tpu.memory_space<hbm>>
      %dma_wait3A_88 = tpu.memref_squeeze %dma_wait3A_87 : memref<1x19x2048xf32, #tpu.memory_space<hbm>> -> memref<19x2048xf32, #tpu.memory_space<hbm>>
      %dma_wait3A_89 = arith.constant 0 : i32
      %dma_wait3A_90 = arith.constant 0 : i32
      %dma_wait3A_91 = tpu.memref_slice %arg2[%select_n3A, %dma_wait3A_89, %dma_wait3A_90] : memref<4x19x262144xf32, #tpu.memory_space<hbm>> -> memref<1x19x2048xf32, #tpu.memory_space<hbm>>
      %dma_wait3A_92 = tpu.memref_squeeze %dma_wait3A_91 : memref<1x19x2048xf32, #tpu.memory_space<hbm>> -> memref<19x2048xf32, #tpu.memory_space<hbm>>
      tpu.wait_dma2 semaphore(%arg10 : memref<!tpu.dma_semaphore, #tpu.memory_space<semaphore_mem>>) src(%dma_wait3A_92 : memref<19x2048xf32, #tpu.memory_space<hbm>>) dst(%arg5 : memref<19x2048xf32, #tpu.memory_space<vmem>>)
      %dma_wait3A_93 = arith.constant 0 : i32
      %dma_wait3A_94 = tpu.memref_slice %arg3[%select_n3A, %dma_wait3A_93] : memref<4x262144xi32, #tpu.memory_space<hbm>> -> memref<1x2048xi32, #tpu.memory_space<hbm>>
      %dma_wait3A_95 = tpu.memref_squeeze %dma_wait3A_94 : memref<1x2048xi32, #tpu.memory_space<hbm>> -> memref<2048xi32, #tpu.memory_space<hbm>>
      %dma_wait3A_96 = arith.constant 0 : i32
      %dma_wait3A_97 = tpu.memref_slice %arg3[%select_n3A, %dma_wait3A_96] : memref<4x262144xi32, #tpu.memory_space<hbm>> -> memref<1x2048xi32, #tpu.memory_space<hbm>>
      %dma_wait3A_98 = tpu.memref_squeeze %dma_wait3A_97 : memref<1x2048xi32, #tpu.memory_space<hbm>> -> memref<2048xi32, #tpu.memory_space<hbm>>
      tpu.wait_dma2 semaphore(%arg12 : memref<!tpu.dma_semaphore, #tpu.memory_space<semaphore_mem>>) src(%dma_wait3A_98 : memref<2048xi32, #tpu.memory_space<hbm>>) dst(%arg7 : memref<2048xi32, #tpu.memory_space<vmem>>)
      %parallel_loop3A = arith.constant 0 : i32
      %parallel_loop3A_99 = arith.constant 128 : i32
      %parallel_loop3A_100 = arith.constant 1 : i32
      scf.for %parallel_loop3A_151 = %parallel_loop3A to %parallel_loop3A_99 step %parallel_loop3A_100  : i32 {
        %parallel_loop3A_152 = arith.constant 16 : i32
        %parallel_loop3A_153 = arith.muli %parallel_loop3A_151, %parallel_loop3A_152 : i32
        %parallel_loop3A_154 = arith.index_cast %parallel_loop3A_153 : i32 to index
        %parallel_loop3A_155 = tpu.vector_load %arg7[%parallel_loop3A_154] {strides = array<i32>} : memref<2048xi32, #tpu.memory_space<vmem>>, vector<16xi32>,
        %parallel_loop3A_156 = arith.constant 0 : i32
        %parallel_loop3A_157 = arith.index_cast %parallel_loop3A_156 : i32 to index
        %parallel_loop3A_158 = arith.index_cast %parallel_loop3A_153 : i32 to index
        %parallel_loop3A_159 = tpu.vector_load %arg5[%parallel_loop3A_157, %parallel_loop3A_158] {strides = array<i32>} : memref<19x2048xf32, #tpu.memory_space<vmem>>, vector<16xf32>,
        %parallel_loop3A_160 = math.exp %parallel_loop3A_159 : vector<16xf32>
        %parallel_loop3A_161 = arith.constant 1 : i32
        %parallel_loop3A_162 = arith.index_cast %parallel_loop3A_161 : i32 to index
        %parallel_loop3A_163 = arith.index_cast %parallel_loop3A_153 : i32 to index
        %parallel_loop3A_164 = tpu.vector_load %arg5[%parallel_loop3A_162, %parallel_loop3A_163] {strides = array<i32>} : memref<19x2048xf32, #tpu.memory_space<vmem>>, vector<16xf32>,
        %parallel_loop3A_165 = math.exp %parallel_loop3A_164 : vector<16xf32>
        %parallel_loop3A_166 = arith.constant 2 : i32
        %parallel_loop3A_167 = arith.index_cast %parallel_loop3A_166 : i32 to index
        %parallel_loop3A_168 = arith.index_cast %parallel_loop3A_153 : i32 to index
        %parallel_loop3A_169 = tpu.vector_load %arg5[%parallel_loop3A_167, %parallel_loop3A_168] {strides = array<i32>} : memref<19x2048xf32, #tpu.memory_space<vmem>>, vector<16xf32>,
        %parallel_loop3A_170 = math.exp %parallel_loop3A_169 : vector<16xf32>
        %parallel_loop3A_171 = arith.constant 3 : i32
        %parallel_loop3A_172 = arith.index_cast %parallel_loop3A_171 : i32 to index
        %parallel_loop3A_173 = arith.index_cast %parallel_loop3A_153 : i32 to index
        %parallel_loop3A_174 = tpu.vector_load %arg5[%parallel_loop3A_172, %parallel_loop3A_173] {strides = array<i32>} : memref<19x2048xf32, #tpu.memory_space<vmem>>, vector<16xf32>,
        %parallel_loop3A_175 = math.exp %parallel_loop3A_174 : vector<16xf32>
        %parallel_loop3A_176 = arith.constant 4 : i32
        %parallel_loop3A_177 = arith.index_cast %parallel_loop3A_176 : i32 to index
        %parallel_loop3A_178 = arith.index_cast %parallel_loop3A_153 : i32 to index
        %parallel_loop3A_179 = tpu.vector_load %arg5[%parallel_loop3A_177, %parallel_loop3A_178] {strides = array<i32>} : memref<19x2048xf32, #tpu.memory_space<vmem>>, vector<16xf32>,
        %parallel_loop3A_180 = math.exp %parallel_loop3A_179 : vector<16xf32>
        %parallel_loop3A_181 = arith.constant 5 : i32
        %parallel_loop3A_182 = arith.index_cast %parallel_loop3A_181 : i32 to index
        %parallel_loop3A_183 = arith.index_cast %parallel_loop3A_153 : i32 to index
        %parallel_loop3A_184 = tpu.vector_load %arg5[%parallel_loop3A_182, %parallel_loop3A_183] {strides = array<i32>} : memref<19x2048xf32, #tpu.memory_space<vmem>>, vector<16xf32>,
        %parallel_loop3A_185 = math.exp %parallel_loop3A_184 : vector<16xf32>
        %parallel_loop3A_186 = arith.constant 6 : i32
        %parallel_loop3A_187 = arith.index_cast %parallel_loop3A_186 : i32 to index
        %parallel_loop3A_188 = arith.index_cast %parallel_loop3A_153 : i32 to index
        %parallel_loop3A_189 = tpu.vector_load %arg5[%parallel_loop3A_187, %parallel_loop3A_188] {strides = array<i32>} : memref<19x2048xf32, #tpu.memory_space<vmem>>, vector<16xf32>,
        %parallel_loop3A_190 = math.exp %parallel_loop3A_189 : vector<16xf32>
        %parallel_loop3A_191 = arith.constant 7 : i32
        %parallel_loop3A_192 = arith.index_cast %parallel_loop3A_191 : i32 to index
        %parallel_loop3A_193 = arith.index_cast %parallel_loop3A_153 : i32 to index
        %parallel_loop3A_194 = tpu.vector_load %arg5[%parallel_loop3A_192, %parallel_loop3A_193] {strides = array<i32>} : memref<19x2048xf32, #tpu.memory_space<vmem>>, vector<16xf32>,
        %parallel_loop3A_195 = math.exp %parallel_loop3A_194 : vector<16xf32>
        %parallel_loop3A_196 = arith.constant 8 : i32
        %parallel_loop3A_197 = arith.index_cast %parallel_loop3A_196 : i32 to index
        %parallel_loop3A_198 = arith.index_cast %parallel_loop3A_153 : i32 to index
        %parallel_loop3A_199 = tpu.vector_load %arg5[%parallel_loop3A_197, %parallel_loop3A_198] {strides = array<i32>} : memref<19x2048xf32, #tpu.memory_space<vmem>>, vector<16xf32>,
        %parallel_loop3A_200 = math.exp %parallel_loop3A_199 : vector<16xf32>
        %parallel_loop3A_201 = arith.constant 9 : i32
        %parallel_loop3A_202 = arith.index_cast %parallel_loop3A_201 : i32 to index
        %parallel_loop3A_203 = arith.index_cast %parallel_loop3A_153 : i32 to index
        %parallel_loop3A_204 = tpu.vector_load %arg5[%parallel_loop3A_202, %parallel_loop3A_203] {strides = array<i32>} : memref<19x2048xf32, #tpu.memory_space<vmem>>, vector<16xf32>,
        %parallel_loop3A_205 = math.exp %parallel_loop3A_204 : vector<16xf32>
        %parallel_loop3A_206 = arith.constant 10 : i32
        %parallel_loop3A_207 = arith.index_cast %parallel_loop3A_206 : i32 to index
        %parallel_loop3A_208 = arith.index_cast %parallel_loop3A_153 : i32 to index
        %parallel_loop3A_209 = tpu.vector_load %arg5[%parallel_loop3A_207, %parallel_loop3A_208] {strides = array<i32>} : memref<19x2048xf32, #tpu.memory_space<vmem>>, vector<16xf32>,
        %parallel_loop3A_210 = math.exp %parallel_loop3A_209 : vector<16xf32>
        %parallel_loop3A_211 = arith.constant 11 : i32
        %parallel_loop3A_212 = arith.index_cast %parallel_loop3A_211 : i32 to index
        %parallel_loop3A_213 = arith.index_cast %parallel_loop3A_153 : i32 to index
        %parallel_loop3A_214 = tpu.vector_load %arg5[%parallel_loop3A_212, %parallel_loop3A_213] {strides = array<i32>} : memref<19x2048xf32, #tpu.memory_space<vmem>>, vector<16xf32>,
        %parallel_loop3A_215 = math.exp %parallel_loop3A_214 : vector<16xf32>
        %parallel_loop3A_216 = arith.constant 12 : i32
        %parallel_loop3A_217 = arith.index_cast %parallel_loop3A_216 : i32 to index
        %parallel_loop3A_218 = arith.index_cast %parallel_loop3A_153 : i32 to index
        %parallel_loop3A_219 = tpu.vector_load %arg5[%parallel_loop3A_217, %parallel_loop3A_218] {strides = array<i32>} : memref<19x2048xf32, #tpu.memory_space<vmem>>, vector<16xf32>,
        %parallel_loop3A_220 = math.exp %parallel_loop3A_219 : vector<16xf32>
        %parallel_loop3A_221 = arith.constant 13 : i32
        %parallel_loop3A_222 = arith.index_cast %parallel_loop3A_221 : i32 to index
        %parallel_loop3A_223 = arith.index_cast %parallel_loop3A_153 : i32 to index
        %parallel_loop3A_224 = tpu.vector_load %arg5[%parallel_loop3A_222, %parallel_loop3A_223] {strides = array<i32>} : memref<19x2048xf32, #tpu.memory_space<vmem>>, vector<16xf32>,
        %parallel_loop3A_225 = math.exp %parallel_loop3A_224 : vector<16xf32>
        %parallel_loop3A_226 = arith.constant 14 : i32
        %parallel_loop3A_227 = arith.index_cast %parallel_loop3A_226 : i32 to index
        %parallel_loop3A_228 = arith.index_cast %parallel_loop3A_153 : i32 to index
        %parallel_loop3A_229 = tpu.vector_load %arg5[%parallel_loop3A_227, %parallel_loop3A_228] {strides = array<i32>} : memref<19x2048xf32, #tpu.memory_space<vmem>>, vector<16xf32>,
        %parallel_loop3A_230 = math.exp %parallel_loop3A_229 : vector<16xf32>
        %parallel_loop3A_231 = arith.constant 15 : i32
        %parallel_loop3A_232 = arith.index_cast %parallel_loop3A_231 : i32 to index
        %parallel_loop3A_233 = arith.index_cast %parallel_loop3A_153 : i32 to index
        %parallel_loop3A_234 = tpu.vector_load %arg5[%parallel_loop3A_232, %parallel_loop3A_233] {strides = array<i32>} : memref<19x2048xf32, #tpu.memory_space<vmem>>, vector<16xf32>,
        %parallel_loop3A_235 = math.exp %parallel_loop3A_234 : vector<16xf32>
        %parallel_loop3A_236 = arith.constant 16 : i32
        %parallel_loop3A_237 = arith.index_cast %parallel_loop3A_236 : i32 to index
        %parallel_loop3A_238 = arith.index_cast %parallel_loop3A_153 : i32 to index
        %parallel_loop3A_239 = tpu.vector_load %arg5[%parallel_loop3A_237, %parallel_loop3A_238] {strides = array<i32>} : memref<19x2048xf32, #tpu.memory_space<vmem>>, vector<16xf32>,
        %parallel_loop3A_240 = math.exp %parallel_loop3A_239 : vector<16xf32>
        %parallel_loop3A_241 = arith.constant 17 : i32
        %parallel_loop3A_242 = arith.index_cast %parallel_loop3A_241 : i32 to index
        %parallel_loop3A_243 = arith.index_cast %parallel_loop3A_153 : i32 to index
        %parallel_loop3A_244 = tpu.vector_load %arg5[%parallel_loop3A_242, %parallel_loop3A_243] {strides = array<i32>} : memref<19x2048xf32, #tpu.memory_space<vmem>>, vector<16xf32>,
        %parallel_loop3A_245 = math.exp %parallel_loop3A_244 : vector<16xf32>
        %parallel_loop3A_246 = arith.constant 18 : i32
        %parallel_loop3A_247 = arith.index_cast %parallel_loop3A_246 : i32 to index
        %parallel_loop3A_248 = arith.index_cast %parallel_loop3A_153 : i32 to index
        %parallel_loop3A_249 = tpu.vector_load %arg5[%parallel_loop3A_247, %parallel_loop3A_248] {strides = array<i32>} : memref<19x2048xf32, #tpu.memory_space<vmem>>, vector<16xf32>,
        %parallel_loop3A_250 = math.exp %parallel_loop3A_249 : vector<16xf32>
        %parallel_loop3A_251 = arith.addf %parallel_loop3A_160, %parallel_loop3A_165 : vector<16xf32>
        %parallel_loop3A_252 = arith.addf %parallel_loop3A_170, %parallel_loop3A_175 : vector<16xf32>
        %parallel_loop3A_253 = arith.addf %parallel_loop3A_180, %parallel_loop3A_185 : vector<16xf32>
        %parallel_loop3A_254 = arith.addf %parallel_loop3A_190, %parallel_loop3A_195 : vector<16xf32>
        %parallel_loop3A_255 = arith.addf %parallel_loop3A_200, %parallel_loop3A_205 : vector<16xf32>
        %parallel_loop3A_256 = arith.addf %parallel_loop3A_210, %parallel_loop3A_215 : vector<16xf32>
        %parallel_loop3A_257 = arith.addf %parallel_loop3A_220, %parallel_loop3A_225 : vector<16xf32>
        %parallel_loop3A_258 = arith.addf %parallel_loop3A_230, %parallel_loop3A_235 : vector<16xf32>
        %parallel_loop3A_259 = arith.addf %parallel_loop3A_240, %parallel_loop3A_245 : vector<16xf32>
        %parallel_loop3A_260 = arith.addf %parallel_loop3A_251, %parallel_loop3A_252 : vector<16xf32>
        %parallel_loop3A_261 = arith.addf %parallel_loop3A_253, %parallel_loop3A_254 : vector<16xf32>
        %parallel_loop3A_262 = arith.addf %parallel_loop3A_255, %parallel_loop3A_256 : vector<16xf32>
        %parallel_loop3A_263 = arith.addf %parallel_loop3A_257, %parallel_loop3A_258 : vector<16xf32>
        %parallel_loop3A_264 = arith.addf %parallel_loop3A_259, %parallel_loop3A_250 : vector<16xf32>
        %parallel_loop3A_265 = arith.addf %parallel_loop3A_260, %parallel_loop3A_261 : vector<16xf32>
        %parallel_loop3A_266 = arith.addf %parallel_loop3A_262, %parallel_loop3A_263 : vector<16xf32>
        %parallel_loop3A_267 = arith.addf %parallel_loop3A_265, %parallel_loop3A_266 : vector<16xf32>
        %parallel_loop3A_268 = arith.addf %parallel_loop3A_267, %parallel_loop3A_264 : vector<16xf32>
        %parallel_loop3A_269 = arith.constant 2.550000e+02 : f32
        %parallel_loop3A_270 = vector.broadcast %parallel_loop3A_269 : f32 to vector<16xf32>
        %parallel_loop3A_271 = arith.divf %parallel_loop3A_270, %parallel_loop3A_268 : vector<16xf32>
        %parallel_loop3A_272 = arith.mulf %parallel_loop3A_160, %parallel_loop3A_271 : vector<16xf32>
        %parallel_loop3A_273 = arith.constant 0 : i32
        %parallel_loop3A_274 = vector.broadcast %parallel_loop3A_273 : i32 to vector<16xi32>
        %parallel_loop3A_275 = arith.cmpi eq, %parallel_loop3A_155, %parallel_loop3A_274 : vector<16xi32>
        %parallel_loop3A_276 = arith.constant 5.000000e-01 : f32
        %parallel_loop3A_277 = vector.broadcast %parallel_loop3A_276 : f32 to vector<16xf32>
        %parallel_loop3A_278 = arith.addf %parallel_loop3A_272, %parallel_loop3A_277 : vector<16xf32>
        %parallel_loop3A_279 = arith.constant 5.119500e+03 : f32
        %parallel_loop3A_280 = vector.broadcast %parallel_loop3A_279 : f32 to vector<16xf32>
        %parallel_loop3A_281 = arith.subf %parallel_loop3A_280, %parallel_loop3A_272 : vector<16xf32>
        %parallel_loop3A_282 = arith.select %parallel_loop3A_275, %parallel_loop3A_281, %parallel_loop3A_278 : vector<16xi1>, vector<16xf32>
        %parallel_loop3A_283 = arith.fptosi %parallel_loop3A_282 : vector<16xf32> to vector<16xi32>
        tpu.vector_store_idx %arg9[%parallel_loop3A_283], %broadcast_in_dim3A_37 {add = true} : memref<9728xf32, #tpu.memory_space<vmem>>[vector<16xi32>], vector<16xf32>,
        %parallel_loop3A_284 = arith.mulf %parallel_loop3A_165, %parallel_loop3A_271 : vector<16xf32>
        %parallel_loop3A_285 = arith.constant 1 : i32
        %parallel_loop3A_286 = vector.broadcast %parallel_loop3A_285 : i32 to vector<16xi32>
        %parallel_loop3A_287 = arith.cmpi eq, %parallel_loop3A_155, %parallel_loop3A_286 : vector<16xi32>
        %parallel_loop3A_288 = arith.constant 2.565000e+02 : f32
        %parallel_loop3A_289 = vector.broadcast %parallel_loop3A_288 : f32 to vector<16xf32>
        %parallel_loop3A_290 = arith.addf %parallel_loop3A_284, %parallel_loop3A_289 : vector<16xf32>
        %parallel_loop3A_291 = arith.constant 5.375500e+03 : f32
        %parallel_loop3A_292 = vector.broadcast %parallel_loop3A_291 : f32 to vector<16xf32>
        %parallel_loop3A_293 = arith.subf %parallel_loop3A_292, %parallel_loop3A_284 : vector<16xf32>
        %parallel_loop3A_294 = arith.select %parallel_loop3A_287, %parallel_loop3A_293, %parallel_loop3A_290 : vector<16xi1>, vector<16xf32>
        %parallel_loop3A_295 = arith.fptosi %parallel_loop3A_294 : vector<16xf32> to vector<16xi32>
        tpu.vector_store_idx %arg9[%parallel_loop3A_295], %broadcast_in_dim3A_37 {add = true} : memref<9728xf32, #tpu.memory_space<vmem>>[vector<16xi32>], vector<16xf32>,
        %parallel_loop3A_296 = arith.mulf %parallel_loop3A_170, %parallel_loop3A_271 : vector<16xf32>
        %parallel_loop3A_297 = arith.constant 2 : i32
        %parallel_loop3A_298 = vector.broadcast %parallel_loop3A_297 : i32 to vector<16xi32>
        %parallel_loop3A_299 = arith.cmpi eq, %parallel_loop3A_155, %parallel_loop3A_298 : vector<16xi32>
        %parallel_loop3A_300 = arith.constant 5.125000e+02 : f32
        %parallel_loop3A_301 = vector.broadcast %parallel_loop3A_300 : f32 to vector<16xf32>
        %parallel_loop3A_302 = arith.addf %parallel_loop3A_296, %parallel_loop3A_301 : vector<16xf32>
        %parallel_loop3A_303 = arith.constant 5.631500e+03 : f32
        %parallel_loop3A_304 = vector.broadcast %parallel_loop3A_303 : f32 to vector<16xf32>
        %parallel_loop3A_305 = arith.subf %parallel_loop3A_304, %parallel_loop3A_296 : vector<16xf32>
        %parallel_loop3A_306 = arith.select %parallel_loop3A_299, %parallel_loop3A_305, %parallel_loop3A_302 : vector<16xi1>, vector<16xf32>
        %parallel_loop3A_307 = arith.fptosi %parallel_loop3A_306 : vector<16xf32> to vector<16xi32>
        tpu.vector_store_idx %arg9[%parallel_loop3A_307], %broadcast_in_dim3A_37 {add = true} : memref<9728xf32, #tpu.memory_space<vmem>>[vector<16xi32>], vector<16xf32>,
        %parallel_loop3A_308 = arith.mulf %parallel_loop3A_175, %parallel_loop3A_271 : vector<16xf32>
        %parallel_loop3A_309 = arith.constant 3 : i32
        %parallel_loop3A_310 = vector.broadcast %parallel_loop3A_309 : i32 to vector<16xi32>
        %parallel_loop3A_311 = arith.cmpi eq, %parallel_loop3A_155, %parallel_loop3A_310 : vector<16xi32>
        %parallel_loop3A_312 = arith.constant 7.685000e+02 : f32
        %parallel_loop3A_313 = vector.broadcast %parallel_loop3A_312 : f32 to vector<16xf32>
        %parallel_loop3A_314 = arith.addf %parallel_loop3A_308, %parallel_loop3A_313 : vector<16xf32>
        %parallel_loop3A_315 = arith.constant 5.887500e+03 : f32
        %parallel_loop3A_316 = vector.broadcast %parallel_loop3A_315 : f32 to vector<16xf32>
        %parallel_loop3A_317 = arith.subf %parallel_loop3A_316, %parallel_loop3A_308 : vector<16xf32>
        %parallel_loop3A_318 = arith.select %parallel_loop3A_311, %parallel_loop3A_317, %parallel_loop3A_314 : vector<16xi1>, vector<16xf32>
        %parallel_loop3A_319 = arith.fptosi %parallel_loop3A_318 : vector<16xf32> to vector<16xi32>
        tpu.vector_store_idx %arg9[%parallel_loop3A_319], %broadcast_in_dim3A_37 {add = true} : memref<9728xf32, #tpu.memory_space<vmem>>[vector<16xi32>], vector<16xf32>,
        %parallel_loop3A_320 = arith.mulf %parallel_loop3A_180, %parallel_loop3A_271 : vector<16xf32>
        %parallel_loop3A_321 = arith.constant 4 : i32
        %parallel_loop3A_322 = vector.broadcast %parallel_loop3A_321 : i32 to vector<16xi32>
        %parallel_loop3A_323 = arith.cmpi eq, %parallel_loop3A_155, %parallel_loop3A_322 : vector<16xi32>
        %parallel_loop3A_324 = arith.constant 1.024500e+03 : f32
        %parallel_loop3A_325 = vector.broadcast %parallel_loop3A_324 : f32 to vector<16xf32>
        %parallel_loop3A_326 = arith.addf %parallel_loop3A_320, %parallel_loop3A_325 : vector<16xf32>
        %parallel_loop3A_327 = arith.constant 6.143500e+03 : f32
        %parallel_loop3A_328 = vector.broadcast %parallel_loop3A_327 : f32 to vector<16xf32>
        %parallel_loop3A_329 = arith.subf %parallel_loop3A_328, %parallel_loop3A_320 : vector<16xf32>
        %parallel_loop3A_330 = arith.select %parallel_loop3A_323, %parallel_loop3A_329, %parallel_loop3A_326 : vector<16xi1>, vector<16xf32>
        %parallel_loop3A_331 = arith.fptosi %parallel_loop3A_330 : vector<16xf32> to vector<16xi32>
        tpu.vector_store_idx %arg9[%parallel_loop3A_331], %broadcast_in_dim3A_37 {add = true} : memref<9728xf32, #tpu.memory_space<vmem>>[vector<16xi32>], vector<16xf32>,
        %parallel_loop3A_332 = arith.mulf %parallel_loop3A_185, %parallel_loop3A_271 : vector<16xf32>
        %parallel_loop3A_333 = arith.constant 5 : i32
        %parallel_loop3A_334 = vector.broadcast %parallel_loop3A_333 : i32 to vector<16xi32>
        %parallel_loop3A_335 = arith.cmpi eq, %parallel_loop3A_155, %parallel_loop3A_334 : vector<16xi32>
        %parallel_loop3A_336 = arith.constant 1.280500e+03 : f32
        %parallel_loop3A_337 = vector.broadcast %parallel_loop3A_336 : f32 to vector<16xf32>
        %parallel_loop3A_338 = arith.addf %parallel_loop3A_332, %parallel_loop3A_337 : vector<16xf32>
        %parallel_loop3A_339 = arith.constant 6.399500e+03 : f32
        %parallel_loop3A_340 = vector.broadcast %parallel_loop3A_339 : f32 to vector<16xf32>
        %parallel_loop3A_341 = arith.subf %parallel_loop3A_340, %parallel_loop3A_332 : vector<16xf32>
        %parallel_loop3A_342 = arith.select %parallel_loop3A_335, %parallel_loop3A_341, %parallel_loop3A_338 : vector<16xi1>, vector<16xf32>
        %parallel_loop3A_343 = arith.fptosi %parallel_loop3A_342 : vector<16xf32> to vector<16xi32>
        tpu.vector_store_idx %arg9[%parallel_loop3A_343], %broadcast_in_dim3A_37 {add = true} : memref<9728xf32, #tpu.memory_space<vmem>>[vector<16xi32>], vector<16xf32>,
        %parallel_loop3A_344 = arith.mulf %parallel_loop3A_190, %parallel_loop3A_271 : vector<16xf32>
        %parallel_loop3A_345 = arith.constant 6 : i32
        %parallel_loop3A_346 = vector.broadcast %parallel_loop3A_345 : i32 to vector<16xi32>
        %parallel_loop3A_347 = arith.cmpi eq, %parallel_loop3A_155, %parallel_loop3A_346 : vector<16xi32>
        %parallel_loop3A_348 = arith.constant 1.536500e+03 : f32
        %parallel_loop3A_349 = vector.broadcast %parallel_loop3A_348 : f32 to vector<16xf32>
        %parallel_loop3A_350 = arith.addf %parallel_loop3A_344, %parallel_loop3A_349 : vector<16xf32>
        %parallel_loop3A_351 = arith.constant 6.655500e+03 : f32
        %parallel_loop3A_352 = vector.broadcast %parallel_loop3A_351 : f32 to vector<16xf32>
        %parallel_loop3A_353 = arith.subf %parallel_loop3A_352, %parallel_loop3A_344 : vector<16xf32>
        %parallel_loop3A_354 = arith.select %parallel_loop3A_347, %parallel_loop3A_353, %parallel_loop3A_350 : vector<16xi1>, vector<16xf32>
        %parallel_loop3A_355 = arith.fptosi %parallel_loop3A_354 : vector<16xf32> to vector<16xi32>
        tpu.vector_store_idx %arg9[%parallel_loop3A_355], %broadcast_in_dim3A_37 {add = true} : memref<9728xf32, #tpu.memory_space<vmem>>[vector<16xi32>], vector<16xf32>,
        %parallel_loop3A_356 = arith.mulf %parallel_loop3A_195, %parallel_loop3A_271 : vector<16xf32>
        %parallel_loop3A_357 = arith.constant 7 : i32
        %parallel_loop3A_358 = vector.broadcast %parallel_loop3A_357 : i32 to vector<16xi32>
        %parallel_loop3A_359 = arith.cmpi eq, %parallel_loop3A_155, %parallel_loop3A_358 : vector<16xi32>
        %parallel_loop3A_360 = arith.constant 1.792500e+03 : f32
        %parallel_loop3A_361 = vector.broadcast %parallel_loop3A_360 : f32 to vector<16xf32>
        %parallel_loop3A_362 = arith.addf %parallel_loop3A_356, %parallel_loop3A_361 : vector<16xf32>
        %parallel_loop3A_363 = arith.constant 6.911500e+03 : f32
        %parallel_loop3A_364 = vector.broadcast %parallel_loop3A_363 : f32 to vector<16xf32>
        %parallel_loop3A_365 = arith.subf %parallel_loop3A_364, %parallel_loop3A_356 : vector<16xf32>
        %parallel_loop3A_366 = arith.select %parallel_loop3A_359, %parallel_loop3A_365, %parallel_loop3A_362 : vector<16xi1>, vector<16xf32>
        %parallel_loop3A_367 = arith.fptosi %parallel_loop3A_366 : vector<16xf32> to vector<16xi32>
        tpu.vector_store_idx %arg9[%parallel_loop3A_367], %broadcast_in_dim3A_37 {add = true} : memref<9728xf32, #tpu.memory_space<vmem>>[vector<16xi32>], vector<16xf32>,
        %parallel_loop3A_368 = arith.mulf %parallel_loop3A_200, %parallel_loop3A_271 : vector<16xf32>
        %parallel_loop3A_369 = arith.constant 8 : i32
        %parallel_loop3A_370 = vector.broadcast %parallel_loop3A_369 : i32 to vector<16xi32>
        %parallel_loop3A_371 = arith.cmpi eq, %parallel_loop3A_155, %parallel_loop3A_370 : vector<16xi32>
        %parallel_loop3A_372 = arith.constant 2.048500e+03 : f32
        %parallel_loop3A_373 = vector.broadcast %parallel_loop3A_372 : f32 to vector<16xf32>
        %parallel_loop3A_374 = arith.addf %parallel_loop3A_368, %parallel_loop3A_373 : vector<16xf32>
        %parallel_loop3A_375 = arith.constant 7.167500e+03 : f32
        %parallel_loop3A_376 = vector.broadcast %parallel_loop3A_375 : f32 to vector<16xf32>
        %parallel_loop3A_377 = arith.subf %parallel_loop3A_376, %parallel_loop3A_368 : vector<16xf32>
        %parallel_loop3A_378 = arith.select %parallel_loop3A_371, %parallel_loop3A_377, %parallel_loop3A_374 : vector<16xi1>, vector<16xf32>
        %parallel_loop3A_379 = arith.fptosi %parallel_loop3A_378 : vector<16xf32> to vector<16xi32>
        tpu.vector_store_idx %arg9[%parallel_loop3A_379], %broadcast_in_dim3A_37 {add = true} : memref<9728xf32, #tpu.memory_space<vmem>>[vector<16xi32>], vector<16xf32>,
        %parallel_loop3A_380 = arith.mulf %parallel_loop3A_205, %parallel_loop3A_271 : vector<16xf32>
        %parallel_loop3A_381 = arith.constant 9 : i32
        %parallel_loop3A_382 = vector.broadcast %parallel_loop3A_381 : i32 to vector<16xi32>
        %parallel_loop3A_383 = arith.cmpi eq, %parallel_loop3A_155, %parallel_loop3A_382 : vector<16xi32>
        %parallel_loop3A_384 = arith.constant 2.304500e+03 : f32
        %parallel_loop3A_385 = vector.broadcast %parallel_loop3A_384 : f32 to vector<16xf32>
        %parallel_loop3A_386 = arith.addf %parallel_loop3A_380, %parallel_loop3A_385 : vector<16xf32>
        %parallel_loop3A_387 = arith.constant 7.423500e+03 : f32
        %parallel_loop3A_388 = vector.broadcast %parallel_loop3A_387 : f32 to vector<16xf32>
        %parallel_loop3A_389 = arith.subf %parallel_loop3A_388, %parallel_loop3A_380 : vector<16xf32>
        %parallel_loop3A_390 = arith.select %parallel_loop3A_383, %parallel_loop3A_389, %parallel_loop3A_386 : vector<16xi1>, vector<16xf32>
        %parallel_loop3A_391 = arith.fptosi %parallel_loop3A_390 : vector<16xf32> to vector<16xi32>
        tpu.vector_store_idx %arg9[%parallel_loop3A_391], %broadcast_in_dim3A_37 {add = true} : memref<9728xf32, #tpu.memory_space<vmem>>[vector<16xi32>], vector<16xf32>,
        %parallel_loop3A_392 = arith.mulf %parallel_loop3A_210, %parallel_loop3A_271 : vector<16xf32>
        %parallel_loop3A_393 = arith.constant 10 : i32
        %parallel_loop3A_394 = vector.broadcast %parallel_loop3A_393 : i32 to vector<16xi32>
        %parallel_loop3A_395 = arith.cmpi eq, %parallel_loop3A_155, %parallel_loop3A_394 : vector<16xi32>
        %parallel_loop3A_396 = arith.constant 2.560500e+03 : f32
        %parallel_loop3A_397 = vector.broadcast %parallel_loop3A_396 : f32 to vector<16xf32>
        %parallel_loop3A_398 = arith.addf %parallel_loop3A_392, %parallel_loop3A_397 : vector<16xf32>
        %parallel_loop3A_399 = arith.constant 7.679500e+03 : f32
        %parallel_loop3A_400 = vector.broadcast %parallel_loop3A_399 : f32 to vector<16xf32>
        %parallel_loop3A_401 = arith.subf %parallel_loop3A_400, %parallel_loop3A_392 : vector<16xf32>
        %parallel_loop3A_402 = arith.select %parallel_loop3A_395, %parallel_loop3A_401, %parallel_loop3A_398 : vector<16xi1>, vector<16xf32>
        %parallel_loop3A_403 = arith.fptosi %parallel_loop3A_402 : vector<16xf32> to vector<16xi32>
        tpu.vector_store_idx %arg9[%parallel_loop3A_403], %broadcast_in_dim3A_37 {add = true} : memref<9728xf32, #tpu.memory_space<vmem>>[vector<16xi32>], vector<16xf32>,
        %parallel_loop3A_404 = arith.mulf %parallel_loop3A_215, %parallel_loop3A_271 : vector<16xf32>
        %parallel_loop3A_405 = arith.constant 11 : i32
        %parallel_loop3A_406 = vector.broadcast %parallel_loop3A_405 : i32 to vector<16xi32>
        %parallel_loop3A_407 = arith.cmpi eq, %parallel_loop3A_155, %parallel_loop3A_406 : vector<16xi32>
        %parallel_loop3A_408 = arith.constant 2.816500e+03 : f32
        %parallel_loop3A_409 = vector.broadcast %parallel_loop3A_408 : f32 to vector<16xf32>
        %parallel_loop3A_410 = arith.addf %parallel_loop3A_404, %parallel_loop3A_409 : vector<16xf32>
        %parallel_loop3A_411 = arith.constant 7.935500e+03 : f32
        %parallel_loop3A_412 = vector.broadcast %parallel_loop3A_411 : f32 to vector<16xf32>
        %parallel_loop3A_413 = arith.subf %parallel_loop3A_412, %parallel_loop3A_404 : vector<16xf32>
        %parallel_loop3A_414 = arith.select %parallel_loop3A_407, %parallel_loop3A_413, %parallel_loop3A_410 : vector<16xi1>, vector<16xf32>
        %parallel_loop3A_415 = arith.fptosi %parallel_loop3A_414 : vector<16xf32> to vector<16xi32>
        tpu.vector_store_idx %arg9[%parallel_loop3A_415], %broadcast_in_dim3A_37 {add = true} : memref<9728xf32, #tpu.memory_space<vmem>>[vector<16xi32>], vector<16xf32>,
        %parallel_loop3A_416 = arith.mulf %parallel_loop3A_220, %parallel_loop3A_271 : vector<16xf32>
        %parallel_loop3A_417 = arith.constant 12 : i32
        %parallel_loop3A_418 = vector.broadcast %parallel_loop3A_417 : i32 to vector<16xi32>
        %parallel_loop3A_419 = arith.cmpi eq, %parallel_loop3A_155, %parallel_loop3A_418 : vector<16xi32>
        %parallel_loop3A_420 = arith.constant 3.072500e+03 : f32
        %parallel_loop3A_421 = vector.broadcast %parallel_loop3A_420 : f32 to vector<16xf32>
        %parallel_loop3A_422 = arith.addf %parallel_loop3A_416, %parallel_loop3A_421 : vector<16xf32>
        %parallel_loop3A_423 = arith.constant 8.191500e+03 : f32
        %parallel_loop3A_424 = vector.broadcast %parallel_loop3A_423 : f32 to vector<16xf32>
        %parallel_loop3A_425 = arith.subf %parallel_loop3A_424, %parallel_loop3A_416 : vector<16xf32>
        %parallel_loop3A_426 = arith.select %parallel_loop3A_419, %parallel_loop3A_425, %parallel_loop3A_422 : vector<16xi1>, vector<16xf32>
        %parallel_loop3A_427 = arith.fptosi %parallel_loop3A_426 : vector<16xf32> to vector<16xi32>
        tpu.vector_store_idx %arg9[%parallel_loop3A_427], %broadcast_in_dim3A_37 {add = true} : memref<9728xf32, #tpu.memory_space<vmem>>[vector<16xi32>], vector<16xf32>,
        %parallel_loop3A_428 = arith.mulf %parallel_loop3A_225, %parallel_loop3A_271 : vector<16xf32>
        %parallel_loop3A_429 = arith.constant 13 : i32
        %parallel_loop3A_430 = vector.broadcast %parallel_loop3A_429 : i32 to vector<16xi32>
        %parallel_loop3A_431 = arith.cmpi eq, %parallel_loop3A_155, %parallel_loop3A_430 : vector<16xi32>
        %parallel_loop3A_432 = arith.constant 3.328500e+03 : f32
        %parallel_loop3A_433 = vector.broadcast %parallel_loop3A_432 : f32 to vector<16xf32>
        %parallel_loop3A_434 = arith.addf %parallel_loop3A_428, %parallel_loop3A_433 : vector<16xf32>
        %parallel_loop3A_435 = arith.constant 8.447500e+03 : f32
        %parallel_loop3A_436 = vector.broadcast %parallel_loop3A_435 : f32 to vector<16xf32>
        %parallel_loop3A_437 = arith.subf %parallel_loop3A_436, %parallel_loop3A_428 : vector<16xf32>
        %parallel_loop3A_438 = arith.select %parallel_loop3A_431, %parallel_loop3A_437, %parallel_loop3A_434 : vector<16xi1>, vector<16xf32>
        %parallel_loop3A_439 = arith.fptosi %parallel_loop3A_438 : vector<16xf32> to vector<16xi32>
        tpu.vector_store_idx %arg9[%parallel_loop3A_439], %broadcast_in_dim3A_37 {add = true} : memref<9728xf32, #tpu.memory_space<vmem>>[vector<16xi32>], vector<16xf32>,
        %parallel_loop3A_440 = arith.mulf %parallel_loop3A_230, %parallel_loop3A_271 : vector<16xf32>
        %parallel_loop3A_441 = arith.constant 14 : i32
        %parallel_loop3A_442 = vector.broadcast %parallel_loop3A_441 : i32 to vector<16xi32>
        %parallel_loop3A_443 = arith.cmpi eq, %parallel_loop3A_155, %parallel_loop3A_442 : vector<16xi32>
        %parallel_loop3A_444 = arith.constant 3.584500e+03 : f32
        %parallel_loop3A_445 = vector.broadcast %parallel_loop3A_444 : f32 to vector<16xf32>
        %parallel_loop3A_446 = arith.addf %parallel_loop3A_440, %parallel_loop3A_445 : vector<16xf32>
        %parallel_loop3A_447 = arith.constant 8.703500e+03 : f32
        %parallel_loop3A_448 = vector.broadcast %parallel_loop3A_447 : f32 to vector<16xf32>
        %parallel_loop3A_449 = arith.subf %parallel_loop3A_448, %parallel_loop3A_440 : vector<16xf32>
        %parallel_loop3A_450 = arith.select %parallel_loop3A_443, %parallel_loop3A_449, %parallel_loop3A_446 : vector<16xi1>, vector<16xf32>
        %parallel_loop3A_451 = arith.fptosi %parallel_loop3A_450 : vector<16xf32> to vector<16xi32>
        tpu.vector_store_idx %arg9[%parallel_loop3A_451], %broadcast_in_dim3A_37 {add = true} : memref<9728xf32, #tpu.memory_space<vmem>>[vector<16xi32>], vector<16xf32>,
        %parallel_loop3A_452 = arith.mulf %parallel_loop3A_235, %parallel_loop3A_271 : vector<16xf32>
        %parallel_loop3A_453 = arith.constant 15 : i32
        %parallel_loop3A_454 = vector.broadcast %parallel_loop3A_453 : i32 to vector<16xi32>
        %parallel_loop3A_455 = arith.cmpi eq, %parallel_loop3A_155, %parallel_loop3A_454 : vector<16xi32>
        %parallel_loop3A_456 = arith.constant 3.840500e+03 : f32
        %parallel_loop3A_457 = vector.broadcast %parallel_loop3A_456 : f32 to vector<16xf32>
        %parallel_loop3A_458 = arith.addf %parallel_loop3A_452, %parallel_loop3A_457 : vector<16xf32>
        %parallel_loop3A_459 = arith.constant 8.959500e+03 : f32
        %parallel_loop3A_460 = vector.broadcast %parallel_loop3A_459 : f32 to vector<16xf32>
        %parallel_loop3A_461 = arith.subf %parallel_loop3A_460, %parallel_loop3A_452 : vector<16xf32>
        %parallel_loop3A_462 = arith.select %parallel_loop3A_455, %parallel_loop3A_461, %parallel_loop3A_458 : vector<16xi1>, vector<16xf32>
        %parallel_loop3A_463 = arith.fptosi %parallel_loop3A_462 : vector<16xf32> to vector<16xi32>
        tpu.vector_store_idx %arg9[%parallel_loop3A_463], %broadcast_in_dim3A_37 {add = true} : memref<9728xf32, #tpu.memory_space<vmem>>[vector<16xi32>], vector<16xf32>,
        %parallel_loop3A_464 = arith.mulf %parallel_loop3A_240, %parallel_loop3A_271 : vector<16xf32>
        %parallel_loop3A_465 = arith.constant 16 : i32
        %parallel_loop3A_466 = vector.broadcast %parallel_loop3A_465 : i32 to vector<16xi32>
        %parallel_loop3A_467 = arith.cmpi eq, %parallel_loop3A_155, %parallel_loop3A_466 : vector<16xi32>
        %parallel_loop3A_468 = arith.constant 4.096500e+03 : f32
        %parallel_loop3A_469 = vector.broadcast %parallel_loop3A_468 : f32 to vector<16xf32>
        %parallel_loop3A_470 = arith.addf %parallel_loop3A_464, %parallel_loop3A_469 : vector<16xf32>
        %parallel_loop3A_471 = arith.constant 9.215500e+03 : f32
        %parallel_loop3A_472 = vector.broadcast %parallel_loop3A_471 : f32 to vector<16xf32>
        %parallel_loop3A_473 = arith.subf %parallel_loop3A_472, %parallel_loop3A_464 : vector<16xf32>
        %parallel_loop3A_474 = arith.select %parallel_loop3A_467, %parallel_loop3A_473, %parallel_loop3A_470 : vector<16xi1>, vector<16xf32>
        %parallel_loop3A_475 = arith.fptosi %parallel_loop3A_474 : vector<16xf32> to vector<16xi32>
        tpu.vector_store_idx %arg9[%parallel_loop3A_475], %broadcast_in_dim3A_37 {add = true} : memref<9728xf32, #tpu.memory_space<vmem>>[vector<16xi32>], vector<16xf32>,
        %parallel_loop3A_476 = arith.mulf %parallel_loop3A_245, %parallel_loop3A_271 : vector<16xf32>
        %parallel_loop3A_477 = arith.constant 17 : i32
        %parallel_loop3A_478 = vector.broadcast %parallel_loop3A_477 : i32 to vector<16xi32>
        %parallel_loop3A_479 = arith.cmpi eq, %parallel_loop3A_155, %parallel_loop3A_478 : vector<16xi32>
        %parallel_loop3A_480 = arith.constant 4.352500e+03 : f32
        %parallel_loop3A_481 = vector.broadcast %parallel_loop3A_480 : f32 to vector<16xf32>
        %parallel_loop3A_482 = arith.addf %parallel_loop3A_476, %parallel_loop3A_481 : vector<16xf32>
        %parallel_loop3A_483 = arith.constant 9.471500e+03 : f32
        %parallel_loop3A_484 = vector.broadcast %parallel_loop3A_483 : f32 to vector<16xf32>
        %parallel_loop3A_485 = arith.subf %parallel_loop3A_484, %parallel_loop3A_476 : vector<16xf32>
        %parallel_loop3A_486 = arith.select %parallel_loop3A_479, %parallel_loop3A_485, %parallel_loop3A_482 : vector<16xi1>, vector<16xf32>
        %parallel_loop3A_487 = arith.fptosi %parallel_loop3A_486 : vector<16xf32> to vector<16xi32>
        tpu.vector_store_idx %arg9[%parallel_loop3A_487], %broadcast_in_dim3A_37 {add = true} : memref<9728xf32, #tpu.memory_space<vmem>>[vector<16xi32>], vector<16xf32>,
        %parallel_loop3A_488 = arith.mulf %parallel_loop3A_250, %parallel_loop3A_271 : vector<16xf32>
        %parallel_loop3A_489 = arith.constant 18 : i32
        %parallel_loop3A_490 = vector.broadcast %parallel_loop3A_489 : i32 to vector<16xi32>
        %parallel_loop3A_491 = arith.cmpi eq, %parallel_loop3A_155, %parallel_loop3A_490 : vector<16xi32>
        %parallel_loop3A_492 = arith.constant 4.608500e+03 : f32
        %parallel_loop3A_493 = vector.broadcast %parallel_loop3A_492 : f32 to vector<16xf32>
        %parallel_loop3A_494 = arith.addf %parallel_loop3A_488, %parallel_loop3A_493 : vector<16xf32>
        %parallel_loop3A_495 = arith.constant 9.727500e+03 : f32
        %parallel_loop3A_496 = vector.broadcast %parallel_loop3A_495 : f32 to vector<16xf32>
        %parallel_loop3A_497 = arith.subf %parallel_loop3A_496, %parallel_loop3A_488 : vector<16xf32>
        %parallel_loop3A_498 = arith.select %parallel_loop3A_491, %parallel_loop3A_497, %parallel_loop3A_494 : vector<16xi1>, vector<16xf32>
        %parallel_loop3A_499 = arith.fptosi %parallel_loop3A_498 : vector<16xf32> to vector<16xi32>
        tpu.vector_store_idx %arg9[%parallel_loop3A_499], %broadcast_in_dim3A_37 {add = true} : memref<9728xf32, #tpu.memory_space<vmem>>[vector<16xi32>], vector<16xf32>,
      } {sc.loop_unroll_factor = 6 : i64, sc.parallel_access}
      %mul3A_101 = arith.constant 2 : i32
      %mul3A_102 = arith.muli %mul3A_101, %scan3A_67 : i32
      %add3A_103 = arith.constant 2 : i32
      %add3A_104 = arith.addi %mul3A_102, %add3A_103 : i32
      %jit3A_105 = arith.constant 16 : i32
      %eq3A_106 = arith.constant 0 : i32
      %eq3A_107 = arith.cmpi eq, %jit3A_105, %eq3A_106 : i32
      %jit3A_108 = arith.constant 1 : i32
      %select_n3A_109 = arith.select %eq3A_107, %jit3A_108, %jit3A_105 : i32
      %rem3A_110 = arith.remsi %add3A_104, %select_n3A_109 : i32
      %ne3A_111 = arith.constant 0 : i32
      %ne3A_112 = arith.cmpi ne, %rem3A_110, %ne3A_111 : i32
      %lt3A_113 = arith.constant 0 : i32
      %lt3A_114 = arith.cmpi slt, %rem3A_110, %lt3A_113 : i32
      %lt3A_115 = arith.constant 0 : i32
      %lt3A_116 = arith.cmpi slt, %select_n3A_109, %lt3A_115 : i32
      %ne3A_117 = arith.xori %lt3A_114, %lt3A_116 : i1
      %and3A_118 = arith.andi %ne3A_117, %ne3A_112 : i1
      %add3A_119 = arith.addi %rem3A_110, %select_n3A_109 : i32
      %select_n3A_120 = arith.select %and3A_118, %add3A_119, %rem3A_110 : i32
      %mul3A_121 = arith.constant 2048 : i32
      %mul3A_122 = arith.muli %select_n3A_120, %mul3A_121 : i32
      %add3A_123 = arith.addi %mul3A_32, %mul3A_122 : i32
      %dma_start3A_124 = arith.constant 0 : i32
      %dma_start3A_125 = tpu.memref_slice %arg2[%select_n3A, %dma_start3A_124, %add3A_123] : memref<4x19x262144xf32, #tpu.memory_space<hbm>> -> memref<1x19x2048xf32, #tpu.memory_space<hbm>>
      %dma_start3A_126 = tpu.memref_squeeze %dma_start3A_125 : memref<1x19x2048xf32, #tpu.memory_space<hbm>> -> memref<19x2048xf32, #tpu.memory_space<hbm>>
      %dma_start3A_127 = arith.constant 0 : i32
      %dma_start3A_128 = tpu.memref_slice %arg2[%select_n3A, %dma_start3A_127, %add3A_123] : memref<4x19x262144xf32, #tpu.memory_space<hbm>> -> memref<1x19x2048xf32, #tpu.memory_space<hbm>>
      %dma_start3A_129 = tpu.memref_squeeze %dma_start3A_128 : memref<1x19x2048xf32, #tpu.memory_space<hbm>> -> memref<19x2048xf32, #tpu.memory_space<hbm>>
      tpu.enqueue_dma source(%dma_start3A_129 : memref<19x2048xf32, #tpu.memory_space<hbm>>) target(%arg5 : memref<19x2048xf32, #tpu.memory_space<vmem>>) target_semaphore(%arg10 : memref<!tpu.dma_semaphore, #tpu.memory_space<semaphore_mem>>)
      %dma_start3A_130 = tpu.memref_slice %arg3[%select_n3A, %add3A_123] : memref<4x262144xi32, #tpu.memory_space<hbm>> -> memref<1x2048xi32, #tpu.memory_space<hbm>>
      %dma_start3A_131 = tpu.memref_squeeze %dma_start3A_130 : memref<1x2048xi32, #tpu.memory_space<hbm>> -> memref<2048xi32, #tpu.memory_space<hbm>>
      %dma_start3A_132 = tpu.memref_slice %arg3[%select_n3A, %add3A_123] : memref<4x262144xi32, #tpu.memory_space<hbm>> -> memref<1x2048xi32, #tpu.memory_space<hbm>>
      %dma_start3A_133 = tpu.memref_squeeze %dma_start3A_132 : memref<1x2048xi32, #tpu.memory_space<hbm>> -> memref<2048xi32, #tpu.memory_space<hbm>>
      tpu.enqueue_dma source(%dma_start3A_133 : memref<2048xi32, #tpu.memory_space<hbm>>) target(%arg7 : memref<2048xi32, #tpu.memory_space<vmem>>) target_semaphore(%arg12 : memref<!tpu.dma_semaphore, #tpu.memory_space<semaphore_mem>>)
      %dma_wait3A_134 = arith.constant 0 : i32
      %dma_wait3A_135 = arith.constant 0 : i32
      %dma_wait3A_136 = tpu.memref_slice %arg2[%select_n3A, %dma_wait3A_134, %dma_wait3A_135] : memref<4x19x262144xf32, #tpu.memory_space<hbm>> -> memref<1x19x2048xf32, #tpu.memory_space<hbm>>
      %dma_wait3A_137 = tpu.memref_squeeze %dma_wait3A_136 : memref<1x19x2048xf32, #tpu.memory_space<hbm>> -> memref<19x2048xf32, #tpu.memory_space<hbm>>
      %dma_wait3A_138 = arith.constant 0 : i32
      %dma_wait3A_139 = arith.constant 0 : i32
      %dma_wait3A_140 = tpu.memref_slice %arg2[%select_n3A, %dma_wait3A_138, %dma_wait3A_139] : memref<4x19x262144xf32, #tpu.memory_space<hbm>> -> memref<1x19x2048xf32, #tpu.memory_space<hbm>>
      %dma_wait3A_141 = tpu.memref_squeeze %dma_wait3A_140 : memref<1x19x2048xf32, #tpu.memory_space<hbm>> -> memref<19x2048xf32, #tpu.memory_space<hbm>>
      tpu.wait_dma2 semaphore(%arg11 : memref<!tpu.dma_semaphore, #tpu.memory_space<semaphore_mem>>) src(%dma_wait3A_141 : memref<19x2048xf32, #tpu.memory_space<hbm>>) dst(%arg6 : memref<19x2048xf32, #tpu.memory_space<vmem>>)
      %dma_wait3A_142 = arith.constant 0 : i32
      %dma_wait3A_143 = tpu.memref_slice %arg3[%select_n3A, %dma_wait3A_142] : memref<4x262144xi32, #tpu.memory_space<hbm>> -> memref<1x2048xi32, #tpu.memory_space<hbm>>
      %dma_wait3A_144 = tpu.memref_squeeze %dma_wait3A_143 : memref<1x2048xi32, #tpu.memory_space<hbm>> -> memref<2048xi32, #tpu.memory_space<hbm>>
      %dma_wait3A_145 = arith.constant 0 : i32
      %dma_wait3A_146 = tpu.memref_slice %arg3[%select_n3A, %dma_wait3A_145] : memref<4x262144xi32, #tpu.memory_space<hbm>> -> memref<1x2048xi32, #tpu.memory_space<hbm>>
      %dma_wait3A_147 = tpu.memref_squeeze %dma_wait3A_146 : memref<1x2048xi32, #tpu.memory_space<hbm>> -> memref<2048xi32, #tpu.memory_space<hbm>>
      tpu.wait_dma2 semaphore(%arg13 : memref<!tpu.dma_semaphore, #tpu.memory_space<semaphore_mem>>) src(%dma_wait3A_147 : memref<2048xi32, #tpu.memory_space<hbm>>) dst(%arg8 : memref<2048xi32, #tpu.memory_space<vmem>>)
      %parallel_loop3A_148 = arith.constant 0 : i32
      %parallel_loop3A_149 = arith.constant 128 : i32
      %parallel_loop3A_150 = arith.constant 1 : i32
      scf.for %parallel_loop3A_151 = %parallel_loop3A_148 to %parallel_loop3A_149 step %parallel_loop3A_150  : i32 {
        %parallel_loop3A_152 = arith.constant 16 : i32
        %parallel_loop3A_153 = arith.muli %parallel_loop3A_151, %parallel_loop3A_152 : i32
        %parallel_loop3A_154 = arith.index_cast %parallel_loop3A_153 : i32 to index
        %parallel_loop3A_155 = tpu.vector_load %arg8[%parallel_loop3A_154] {strides = array<i32>} : memref<2048xi32, #tpu.memory_space<vmem>>, vector<16xi32>,
        %parallel_loop3A_156 = arith.constant 0 : i32
        %parallel_loop3A_157 = arith.index_cast %parallel_loop3A_156 : i32 to index
        %parallel_loop3A_158 = arith.index_cast %parallel_loop3A_153 : i32 to index
        %parallel_loop3A_159 = tpu.vector_load %arg6[%parallel_loop3A_157, %parallel_loop3A_158] {strides = array<i32>} : memref<19x2048xf32, #tpu.memory_space<vmem>>, vector<16xf32>,
        %parallel_loop3A_160 = math.exp %parallel_loop3A_159 : vector<16xf32>
        %parallel_loop3A_161 = arith.constant 1 : i32
        %parallel_loop3A_162 = arith.index_cast %parallel_loop3A_161 : i32 to index
        %parallel_loop3A_163 = arith.index_cast %parallel_loop3A_153 : i32 to index
        %parallel_loop3A_164 = tpu.vector_load %arg6[%parallel_loop3A_162, %parallel_loop3A_163] {strides = array<i32>} : memref<19x2048xf32, #tpu.memory_space<vmem>>, vector<16xf32>,
        %parallel_loop3A_165 = math.exp %parallel_loop3A_164 : vector<16xf32>
        %parallel_loop3A_166 = arith.constant 2 : i32
        %parallel_loop3A_167 = arith.index_cast %parallel_loop3A_166 : i32 to index
        %parallel_loop3A_168 = arith.index_cast %parallel_loop3A_153 : i32 to index
        %parallel_loop3A_169 = tpu.vector_load %arg6[%parallel_loop3A_167, %parallel_loop3A_168] {strides = array<i32>} : memref<19x2048xf32, #tpu.memory_space<vmem>>, vector<16xf32>,
        %parallel_loop3A_170 = math.exp %parallel_loop3A_169 : vector<16xf32>
        %parallel_loop3A_171 = arith.constant 3 : i32
        %parallel_loop3A_172 = arith.index_cast %parallel_loop3A_171 : i32 to index
        %parallel_loop3A_173 = arith.index_cast %parallel_loop3A_153 : i32 to index
        %parallel_loop3A_174 = tpu.vector_load %arg6[%parallel_loop3A_172, %parallel_loop3A_173] {strides = array<i32>} : memref<19x2048xf32, #tpu.memory_space<vmem>>, vector<16xf32>,
        %parallel_loop3A_175 = math.exp %parallel_loop3A_174 : vector<16xf32>
        %parallel_loop3A_176 = arith.constant 4 : i32
        %parallel_loop3A_177 = arith.index_cast %parallel_loop3A_176 : i32 to index
        %parallel_loop3A_178 = arith.index_cast %parallel_loop3A_153 : i32 to index
        %parallel_loop3A_179 = tpu.vector_load %arg6[%parallel_loop3A_177, %parallel_loop3A_178] {strides = array<i32>} : memref<19x2048xf32, #tpu.memory_space<vmem>>, vector<16xf32>,
        %parallel_loop3A_180 = math.exp %parallel_loop3A_179 : vector<16xf32>
        %parallel_loop3A_181 = arith.constant 5 : i32
        %parallel_loop3A_182 = arith.index_cast %parallel_loop3A_181 : i32 to index
        %parallel_loop3A_183 = arith.index_cast %parallel_loop3A_153 : i32 to index
        %parallel_loop3A_184 = tpu.vector_load %arg6[%parallel_loop3A_182, %parallel_loop3A_183] {strides = array<i32>} : memref<19x2048xf32, #tpu.memory_space<vmem>>, vector<16xf32>,
        %parallel_loop3A_185 = math.exp %parallel_loop3A_184 : vector<16xf32>
        %parallel_loop3A_186 = arith.constant 6 : i32
        %parallel_loop3A_187 = arith.index_cast %parallel_loop3A_186 : i32 to index
        %parallel_loop3A_188 = arith.index_cast %parallel_loop3A_153 : i32 to index
        %parallel_loop3A_189 = tpu.vector_load %arg6[%parallel_loop3A_187, %parallel_loop3A_188] {strides = array<i32>} : memref<19x2048xf32, #tpu.memory_space<vmem>>, vector<16xf32>,
        %parallel_loop3A_190 = math.exp %parallel_loop3A_189 : vector<16xf32>
        %parallel_loop3A_191 = arith.constant 7 : i32
        %parallel_loop3A_192 = arith.index_cast %parallel_loop3A_191 : i32 to index
        %parallel_loop3A_193 = arith.index_cast %parallel_loop3A_153 : i32 to index
        %parallel_loop3A_194 = tpu.vector_load %arg6[%parallel_loop3A_192, %parallel_loop3A_193] {strides = array<i32>} : memref<19x2048xf32, #tpu.memory_space<vmem>>, vector<16xf32>,
        %parallel_loop3A_195 = math.exp %parallel_loop3A_194 : vector<16xf32>
        %parallel_loop3A_196 = arith.constant 8 : i32
        %parallel_loop3A_197 = arith.index_cast %parallel_loop3A_196 : i32 to index
        %parallel_loop3A_198 = arith.index_cast %parallel_loop3A_153 : i32 to index
        %parallel_loop3A_199 = tpu.vector_load %arg6[%parallel_loop3A_197, %parallel_loop3A_198] {strides = array<i32>} : memref<19x2048xf32, #tpu.memory_space<vmem>>, vector<16xf32>,
        %parallel_loop3A_200 = math.exp %parallel_loop3A_199 : vector<16xf32>
        %parallel_loop3A_201 = arith.constant 9 : i32
        %parallel_loop3A_202 = arith.index_cast %parallel_loop3A_201 : i32 to index
        %parallel_loop3A_203 = arith.index_cast %parallel_loop3A_153 : i32 to index
        %parallel_loop3A_204 = tpu.vector_load %arg6[%parallel_loop3A_202, %parallel_loop3A_203] {strides = array<i32>} : memref<19x2048xf32, #tpu.memory_space<vmem>>, vector<16xf32>,
        %parallel_loop3A_205 = math.exp %parallel_loop3A_204 : vector<16xf32>
        %parallel_loop3A_206 = arith.constant 10 : i32
        %parallel_loop3A_207 = arith.index_cast %parallel_loop3A_206 : i32 to index
        %parallel_loop3A_208 = arith.index_cast %parallel_loop3A_153 : i32 to index
        %parallel_loop3A_209 = tpu.vector_load %arg6[%parallel_loop3A_207, %parallel_loop3A_208] {strides = array<i32>} : memref<19x2048xf32, #tpu.memory_space<vmem>>, vector<16xf32>,
        %parallel_loop3A_210 = math.exp %parallel_loop3A_209 : vector<16xf32>
        %parallel_loop3A_211 = arith.constant 11 : i32
        %parallel_loop3A_212 = arith.index_cast %parallel_loop3A_211 : i32 to index
        %parallel_loop3A_213 = arith.index_cast %parallel_loop3A_153 : i32 to index
        %parallel_loop3A_214 = tpu.vector_load %arg6[%parallel_loop3A_212, %parallel_loop3A_213] {strides = array<i32>} : memref<19x2048xf32, #tpu.memory_space<vmem>>, vector<16xf32>,
        %parallel_loop3A_215 = math.exp %parallel_loop3A_214 : vector<16xf32>
        %parallel_loop3A_216 = arith.constant 12 : i32
        %parallel_loop3A_217 = arith.index_cast %parallel_loop3A_216 : i32 to index
        %parallel_loop3A_218 = arith.index_cast %parallel_loop3A_153 : i32 to index
        %parallel_loop3A_219 = tpu.vector_load %arg6[%parallel_loop3A_217, %parallel_loop3A_218] {strides = array<i32>} : memref<19x2048xf32, #tpu.memory_space<vmem>>, vector<16xf32>,
        %parallel_loop3A_220 = math.exp %parallel_loop3A_219 : vector<16xf32>
        %parallel_loop3A_221 = arith.constant 13 : i32
        %parallel_loop3A_222 = arith.index_cast %parallel_loop3A_221 : i32 to index
        %parallel_loop3A_223 = arith.index_cast %parallel_loop3A_153 : i32 to index
        %parallel_loop3A_224 = tpu.vector_load %arg6[%parallel_loop3A_222, %parallel_loop3A_223] {strides = array<i32>} : memref<19x2048xf32, #tpu.memory_space<vmem>>, vector<16xf32>,
        %parallel_loop3A_225 = math.exp %parallel_loop3A_224 : vector<16xf32>
        %parallel_loop3A_226 = arith.constant 14 : i32
        %parallel_loop3A_227 = arith.index_cast %parallel_loop3A_226 : i32 to index
        %parallel_loop3A_228 = arith.index_cast %parallel_loop3A_153 : i32 to index
        %parallel_loop3A_229 = tpu.vector_load %arg6[%parallel_loop3A_227, %parallel_loop3A_228] {strides = array<i32>} : memref<19x2048xf32, #tpu.memory_space<vmem>>, vector<16xf32>,
        %parallel_loop3A_230 = math.exp %parallel_loop3A_229 : vector<16xf32>
        %parallel_loop3A_231 = arith.constant 15 : i32
        %parallel_loop3A_232 = arith.index_cast %parallel_loop3A_231 : i32 to index
        %parallel_loop3A_233 = arith.index_cast %parallel_loop3A_153 : i32 to index
        %parallel_loop3A_234 = tpu.vector_load %arg6[%parallel_loop3A_232, %parallel_loop3A_233] {strides = array<i32>} : memref<19x2048xf32, #tpu.memory_space<vmem>>, vector<16xf32>,
        %parallel_loop3A_235 = math.exp %parallel_loop3A_234 : vector<16xf32>
        %parallel_loop3A_236 = arith.constant 16 : i32
        %parallel_loop3A_237 = arith.index_cast %parallel_loop3A_236 : i32 to index
        %parallel_loop3A_238 = arith.index_cast %parallel_loop3A_153 : i32 to index
        %parallel_loop3A_239 = tpu.vector_load %arg6[%parallel_loop3A_237, %parallel_loop3A_238] {strides = array<i32>} : memref<19x2048xf32, #tpu.memory_space<vmem>>, vector<16xf32>,
        %parallel_loop3A_240 = math.exp %parallel_loop3A_239 : vector<16xf32>
        %parallel_loop3A_241 = arith.constant 17 : i32
        %parallel_loop3A_242 = arith.index_cast %parallel_loop3A_241 : i32 to index
        %parallel_loop3A_243 = arith.index_cast %parallel_loop3A_153 : i32 to index
        %parallel_loop3A_244 = tpu.vector_load %arg6[%parallel_loop3A_242, %parallel_loop3A_243] {strides = array<i32>} : memref<19x2048xf32, #tpu.memory_space<vmem>>, vector<16xf32>,
        %parallel_loop3A_245 = math.exp %parallel_loop3A_244 : vector<16xf32>
        %parallel_loop3A_246 = arith.constant 18 : i32
        %parallel_loop3A_247 = arith.index_cast %parallel_loop3A_246 : i32 to index
        %parallel_loop3A_248 = arith.index_cast %parallel_loop3A_153 : i32 to index
        %parallel_loop3A_249 = tpu.vector_load %arg6[%parallel_loop3A_247, %parallel_loop3A_248] {strides = array<i32>} : memref<19x2048xf32, #tpu.memory_space<vmem>>, vector<16xf32>,
        %parallel_loop3A_250 = math.exp %parallel_loop3A_249 : vector<16xf32>
        %parallel_loop3A_251 = arith.addf %parallel_loop3A_160, %parallel_loop3A_165 : vector<16xf32>
        %parallel_loop3A_252 = arith.addf %parallel_loop3A_170, %parallel_loop3A_175 : vector<16xf32>
        %parallel_loop3A_253 = arith.addf %parallel_loop3A_180, %parallel_loop3A_185 : vector<16xf32>
        %parallel_loop3A_254 = arith.addf %parallel_loop3A_190, %parallel_loop3A_195 : vector<16xf32>
        %parallel_loop3A_255 = arith.addf %parallel_loop3A_200, %parallel_loop3A_205 : vector<16xf32>
        %parallel_loop3A_256 = arith.addf %parallel_loop3A_210, %parallel_loop3A_215 : vector<16xf32>
        %parallel_loop3A_257 = arith.addf %parallel_loop3A_220, %parallel_loop3A_225 : vector<16xf32>
        %parallel_loop3A_258 = arith.addf %parallel_loop3A_230, %parallel_loop3A_235 : vector<16xf32>
        %parallel_loop3A_259 = arith.addf %parallel_loop3A_240, %parallel_loop3A_245 : vector<16xf32>
        %parallel_loop3A_260 = arith.addf %parallel_loop3A_251, %parallel_loop3A_252 : vector<16xf32>
        %parallel_loop3A_261 = arith.addf %parallel_loop3A_253, %parallel_loop3A_254 : vector<16xf32>
        %parallel_loop3A_262 = arith.addf %parallel_loop3A_255, %parallel_loop3A_256 : vector<16xf32>
        %parallel_loop3A_263 = arith.addf %parallel_loop3A_257, %parallel_loop3A_258 : vector<16xf32>
        %parallel_loop3A_264 = arith.addf %parallel_loop3A_259, %parallel_loop3A_250 : vector<16xf32>
        %parallel_loop3A_265 = arith.addf %parallel_loop3A_260, %parallel_loop3A_261 : vector<16xf32>
        %parallel_loop3A_266 = arith.addf %parallel_loop3A_262, %parallel_loop3A_263 : vector<16xf32>
        %parallel_loop3A_267 = arith.addf %parallel_loop3A_265, %parallel_loop3A_266 : vector<16xf32>
        %parallel_loop3A_268 = arith.addf %parallel_loop3A_267, %parallel_loop3A_264 : vector<16xf32>
        %parallel_loop3A_269 = arith.constant 2.550000e+02 : f32
        %parallel_loop3A_270 = vector.broadcast %parallel_loop3A_269 : f32 to vector<16xf32>
        %parallel_loop3A_271 = arith.divf %parallel_loop3A_270, %parallel_loop3A_268 : vector<16xf32>
        %parallel_loop3A_272 = arith.mulf %parallel_loop3A_160, %parallel_loop3A_271 : vector<16xf32>
        %parallel_loop3A_273 = arith.constant 0 : i32
        %parallel_loop3A_274 = vector.broadcast %parallel_loop3A_273 : i32 to vector<16xi32>
        %parallel_loop3A_275 = arith.cmpi eq, %parallel_loop3A_155, %parallel_loop3A_274 : vector<16xi32>
        %parallel_loop3A_276 = arith.constant 5.000000e-01 : f32
        %parallel_loop3A_277 = vector.broadcast %parallel_loop3A_276 : f32 to vector<16xf32>
        %parallel_loop3A_278 = arith.addf %parallel_loop3A_272, %parallel_loop3A_277 : vector<16xf32>
        %parallel_loop3A_279 = arith.constant 5.119500e+03 : f32
        %parallel_loop3A_280 = vector.broadcast %parallel_loop3A_279 : f32 to vector<16xf32>
        %parallel_loop3A_281 = arith.subf %parallel_loop3A_280, %parallel_loop3A_272 : vector<16xf32>
        %parallel_loop3A_282 = arith.select %parallel_loop3A_275, %parallel_loop3A_281, %parallel_loop3A_278 : vector<16xi1>, vector<16xf32>
        %parallel_loop3A_283 = arith.fptosi %parallel_loop3A_282 : vector<16xf32> to vector<16xi32>
        tpu.vector_store_idx %arg9[%parallel_loop3A_283], %broadcast_in_dim3A_37 {add = true} : memref<9728xf32, #tpu.memory_space<vmem>>[vector<16xi32>], vector<16xf32>,
        %parallel_loop3A_284 = arith.mulf %parallel_loop3A_165, %parallel_loop3A_271 : vector<16xf32>
        %parallel_loop3A_285 = arith.constant 1 : i32
        %parallel_loop3A_286 = vector.broadcast %parallel_loop3A_285 : i32 to vector<16xi32>
        %parallel_loop3A_287 = arith.cmpi eq, %parallel_loop3A_155, %parallel_loop3A_286 : vector<16xi32>
        %parallel_loop3A_288 = arith.constant 2.565000e+02 : f32
        %parallel_loop3A_289 = vector.broadcast %parallel_loop3A_288 : f32 to vector<16xf32>
        %parallel_loop3A_290 = arith.addf %parallel_loop3A_284, %parallel_loop3A_289 : vector<16xf32>
        %parallel_loop3A_291 = arith.constant 5.375500e+03 : f32
        %parallel_loop3A_292 = vector.broadcast %parallel_loop3A_291 : f32 to vector<16xf32>
        %parallel_loop3A_293 = arith.subf %parallel_loop3A_292, %parallel_loop3A_284 : vector<16xf32>
        %parallel_loop3A_294 = arith.select %parallel_loop3A_287, %parallel_loop3A_293, %parallel_loop3A_290 : vector<16xi1>, vector<16xf32>
        %parallel_loop3A_295 = arith.fptosi %parallel_loop3A_294 : vector<16xf32> to vector<16xi32>
        tpu.vector_store_idx %arg9[%parallel_loop3A_295], %broadcast_in_dim3A_37 {add = true} : memref<9728xf32, #tpu.memory_space<vmem>>[vector<16xi32>], vector<16xf32>,
        %parallel_loop3A_296 = arith.mulf %parallel_loop3A_170, %parallel_loop3A_271 : vector<16xf32>
        %parallel_loop3A_297 = arith.constant 2 : i32
        %parallel_loop3A_298 = vector.broadcast %parallel_loop3A_297 : i32 to vector<16xi32>
        %parallel_loop3A_299 = arith.cmpi eq, %parallel_loop3A_155, %parallel_loop3A_298 : vector<16xi32>
        %parallel_loop3A_300 = arith.constant 5.125000e+02 : f32
        %parallel_loop3A_301 = vector.broadcast %parallel_loop3A_300 : f32 to vector<16xf32>
        %parallel_loop3A_302 = arith.addf %parallel_loop3A_296, %parallel_loop3A_301 : vector<16xf32>
        %parallel_loop3A_303 = arith.constant 5.631500e+03 : f32
        %parallel_loop3A_304 = vector.broadcast %parallel_loop3A_303 : f32 to vector<16xf32>
        %parallel_loop3A_305 = arith.subf %parallel_loop3A_304, %parallel_loop3A_296 : vector<16xf32>
        %parallel_loop3A_306 = arith.select %parallel_loop3A_299, %parallel_loop3A_305, %parallel_loop3A_302 : vector<16xi1>, vector<16xf32>
        %parallel_loop3A_307 = arith.fptosi %parallel_loop3A_306 : vector<16xf32> to vector<16xi32>
        tpu.vector_store_idx %arg9[%parallel_loop3A_307], %broadcast_in_dim3A_37 {add = true} : memref<9728xf32, #tpu.memory_space<vmem>>[vector<16xi32>], vector<16xf32>,
        %parallel_loop3A_308 = arith.mulf %parallel_loop3A_175, %parallel_loop3A_271 : vector<16xf32>
        %parallel_loop3A_309 = arith.constant 3 : i32
        %parallel_loop3A_310 = vector.broadcast %parallel_loop3A_309 : i32 to vector<16xi32>
        %parallel_loop3A_311 = arith.cmpi eq, %parallel_loop3A_155, %parallel_loop3A_310 : vector<16xi32>
        %parallel_loop3A_312 = arith.constant 7.685000e+02 : f32
        %parallel_loop3A_313 = vector.broadcast %parallel_loop3A_312 : f32 to vector<16xf32>
        %parallel_loop3A_314 = arith.addf %parallel_loop3A_308, %parallel_loop3A_313 : vector<16xf32>
        %parallel_loop3A_315 = arith.constant 5.887500e+03 : f32
        %parallel_loop3A_316 = vector.broadcast %parallel_loop3A_315 : f32 to vector<16xf32>
        %parallel_loop3A_317 = arith.subf %parallel_loop3A_316, %parallel_loop3A_308 : vector<16xf32>
        %parallel_loop3A_318 = arith.select %parallel_loop3A_311, %parallel_loop3A_317, %parallel_loop3A_314 : vector<16xi1>, vector<16xf32>
        %parallel_loop3A_319 = arith.fptosi %parallel_loop3A_318 : vector<16xf32> to vector<16xi32>
        tpu.vector_store_idx %arg9[%parallel_loop3A_319], %broadcast_in_dim3A_37 {add = true} : memref<9728xf32, #tpu.memory_space<vmem>>[vector<16xi32>], vector<16xf32>,
        %parallel_loop3A_320 = arith.mulf %parallel_loop3A_180, %parallel_loop3A_271 : vector<16xf32>
        %parallel_loop3A_321 = arith.constant 4 : i32
        %parallel_loop3A_322 = vector.broadcast %parallel_loop3A_321 : i32 to vector<16xi32>
        %parallel_loop3A_323 = arith.cmpi eq, %parallel_loop3A_155, %parallel_loop3A_322 : vector<16xi32>
        %parallel_loop3A_324 = arith.constant 1.024500e+03 : f32
        %parallel_loop3A_325 = vector.broadcast %parallel_loop3A_324 : f32 to vector<16xf32>
        %parallel_loop3A_326 = arith.addf %parallel_loop3A_320, %parallel_loop3A_325 : vector<16xf32>
        %parallel_loop3A_327 = arith.constant 6.143500e+03 : f32
        %parallel_loop3A_328 = vector.broadcast %parallel_loop3A_327 : f32 to vector<16xf32>
        %parallel_loop3A_329 = arith.subf %parallel_loop3A_328, %parallel_loop3A_320 : vector<16xf32>
        %parallel_loop3A_330 = arith.select %parallel_loop3A_323, %parallel_loop3A_329, %parallel_loop3A_326 : vector<16xi1>, vector<16xf32>
        %parallel_loop3A_331 = arith.fptosi %parallel_loop3A_330 : vector<16xf32> to vector<16xi32>
        tpu.vector_store_idx %arg9[%parallel_loop3A_331], %broadcast_in_dim3A_37 {add = true} : memref<9728xf32, #tpu.memory_space<vmem>>[vector<16xi32>], vector<16xf32>,
        %parallel_loop3A_332 = arith.mulf %parallel_loop3A_185, %parallel_loop3A_271 : vector<16xf32>
        %parallel_loop3A_333 = arith.constant 5 : i32
        %parallel_loop3A_334 = vector.broadcast %parallel_loop3A_333 : i32 to vector<16xi32>
        %parallel_loop3A_335 = arith.cmpi eq, %parallel_loop3A_155, %parallel_loop3A_334 : vector<16xi32>
        %parallel_loop3A_336 = arith.constant 1.280500e+03 : f32
        %parallel_loop3A_337 = vector.broadcast %parallel_loop3A_336 : f32 to vector<16xf32>
        %parallel_loop3A_338 = arith.addf %parallel_loop3A_332, %parallel_loop3A_337 : vector<16xf32>
        %parallel_loop3A_339 = arith.constant 6.399500e+03 : f32
        %parallel_loop3A_340 = vector.broadcast %parallel_loop3A_339 : f32 to vector<16xf32>
        %parallel_loop3A_341 = arith.subf %parallel_loop3A_340, %parallel_loop3A_332 : vector<16xf32>
        %parallel_loop3A_342 = arith.select %parallel_loop3A_335, %parallel_loop3A_341, %parallel_loop3A_338 : vector<16xi1>, vector<16xf32>
        %parallel_loop3A_343 = arith.fptosi %parallel_loop3A_342 : vector<16xf32> to vector<16xi32>
        tpu.vector_store_idx %arg9[%parallel_loop3A_343], %broadcast_in_dim3A_37 {add = true} : memref<9728xf32, #tpu.memory_space<vmem>>[vector<16xi32>], vector<16xf32>,
        %parallel_loop3A_344 = arith.mulf %parallel_loop3A_190, %parallel_loop3A_271 : vector<16xf32>
        %parallel_loop3A_345 = arith.constant 6 : i32
        %parallel_loop3A_346 = vector.broadcast %parallel_loop3A_345 : i32 to vector<16xi32>
        %parallel_loop3A_347 = arith.cmpi eq, %parallel_loop3A_155, %parallel_loop3A_346 : vector<16xi32>
        %parallel_loop3A_348 = arith.constant 1.536500e+03 : f32
        %parallel_loop3A_349 = vector.broadcast %parallel_loop3A_348 : f32 to vector<16xf32>
        %parallel_loop3A_350 = arith.addf %parallel_loop3A_344, %parallel_loop3A_349 : vector<16xf32>
        %parallel_loop3A_351 = arith.constant 6.655500e+03 : f32
        %parallel_loop3A_352 = vector.broadcast %parallel_loop3A_351 : f32 to vector<16xf32>
        %parallel_loop3A_353 = arith.subf %parallel_loop3A_352, %parallel_loop3A_344 : vector<16xf32>
        %parallel_loop3A_354 = arith.select %parallel_loop3A_347, %parallel_loop3A_353, %parallel_loop3A_350 : vector<16xi1>, vector<16xf32>
        %parallel_loop3A_355 = arith.fptosi %parallel_loop3A_354 : vector<16xf32> to vector<16xi32>
        tpu.vector_store_idx %arg9[%parallel_loop3A_355], %broadcast_in_dim3A_37 {add = true} : memref<9728xf32, #tpu.memory_space<vmem>>[vector<16xi32>], vector<16xf32>,
        %parallel_loop3A_356 = arith.mulf %parallel_loop3A_195, %parallel_loop3A_271 : vector<16xf32>
        %parallel_loop3A_357 = arith.constant 7 : i32
        %parallel_loop3A_358 = vector.broadcast %parallel_loop3A_357 : i32 to vector<16xi32>
        %parallel_loop3A_359 = arith.cmpi eq, %parallel_loop3A_155, %parallel_loop3A_358 : vector<16xi32>
        %parallel_loop3A_360 = arith.constant 1.792500e+03 : f32
        %parallel_loop3A_361 = vector.broadcast %parallel_loop3A_360 : f32 to vector<16xf32>
        %parallel_loop3A_362 = arith.addf %parallel_loop3A_356, %parallel_loop3A_361 : vector<16xf32>
        %parallel_loop3A_363 = arith.constant 6.911500e+03 : f32
        %parallel_loop3A_364 = vector.broadcast %parallel_loop3A_363 : f32 to vector<16xf32>
        %parallel_loop3A_365 = arith.subf %parallel_loop3A_364, %parallel_loop3A_356 : vector<16xf32>
        %parallel_loop3A_366 = arith.select %parallel_loop3A_359, %parallel_loop3A_365, %parallel_loop3A_362 : vector<16xi1>, vector<16xf32>
        %parallel_loop3A_367 = arith.fptosi %parallel_loop3A_366 : vector<16xf32> to vector<16xi32>
        tpu.vector_store_idx %arg9[%parallel_loop3A_367], %broadcast_in_dim3A_37 {add = true} : memref<9728xf32, #tpu.memory_space<vmem>>[vector<16xi32>], vector<16xf32>,
        %parallel_loop3A_368 = arith.mulf %parallel_loop3A_200, %parallel_loop3A_271 : vector<16xf32>
        %parallel_loop3A_369 = arith.constant 8 : i32
        %parallel_loop3A_370 = vector.broadcast %parallel_loop3A_369 : i32 to vector<16xi32>
        %parallel_loop3A_371 = arith.cmpi eq, %parallel_loop3A_155, %parallel_loop3A_370 : vector<16xi32>
        %parallel_loop3A_372 = arith.constant 2.048500e+03 : f32
        %parallel_loop3A_373 = vector.broadcast %parallel_loop3A_372 : f32 to vector<16xf32>
        %parallel_loop3A_374 = arith.addf %parallel_loop3A_368, %parallel_loop3A_373 : vector<16xf32>
        %parallel_loop3A_375 = arith.constant 7.167500e+03 : f32
        %parallel_loop3A_376 = vector.broadcast %parallel_loop3A_375 : f32 to vector<16xf32>
        %parallel_loop3A_377 = arith.subf %parallel_loop3A_376, %parallel_loop3A_368 : vector<16xf32>
        %parallel_loop3A_378 = arith.select %parallel_loop3A_371, %parallel_loop3A_377, %parallel_loop3A_374 : vector<16xi1>, vector<16xf32>
        %parallel_loop3A_379 = arith.fptosi %parallel_loop3A_378 : vector<16xf32> to vector<16xi32>
        tpu.vector_store_idx %arg9[%parallel_loop3A_379], %broadcast_in_dim3A_37 {add = true} : memref<9728xf32, #tpu.memory_space<vmem>>[vector<16xi32>], vector<16xf32>,
        %parallel_loop3A_380 = arith.mulf %parallel_loop3A_205, %parallel_loop3A_271 : vector<16xf32>
        %parallel_loop3A_381 = arith.constant 9 : i32
        %parallel_loop3A_382 = vector.broadcast %parallel_loop3A_381 : i32 to vector<16xi32>
        %parallel_loop3A_383 = arith.cmpi eq, %parallel_loop3A_155, %parallel_loop3A_382 : vector<16xi32>
        %parallel_loop3A_384 = arith.constant 2.304500e+03 : f32
        %parallel_loop3A_385 = vector.broadcast %parallel_loop3A_384 : f32 to vector<16xf32>
        %parallel_loop3A_386 = arith.addf %parallel_loop3A_380, %parallel_loop3A_385 : vector<16xf32>
        %parallel_loop3A_387 = arith.constant 7.423500e+03 : f32
        %parallel_loop3A_388 = vector.broadcast %parallel_loop3A_387 : f32 to vector<16xf32>
        %parallel_loop3A_389 = arith.subf %parallel_loop3A_388, %parallel_loop3A_380 : vector<16xf32>
        %parallel_loop3A_390 = arith.select %parallel_loop3A_383, %parallel_loop3A_389, %parallel_loop3A_386 : vector<16xi1>, vector<16xf32>
        %parallel_loop3A_391 = arith.fptosi %parallel_loop3A_390 : vector<16xf32> to vector<16xi32>
        tpu.vector_store_idx %arg9[%parallel_loop3A_391], %broadcast_in_dim3A_37 {add = true} : memref<9728xf32, #tpu.memory_space<vmem>>[vector<16xi32>], vector<16xf32>,
        %parallel_loop3A_392 = arith.mulf %parallel_loop3A_210, %parallel_loop3A_271 : vector<16xf32>
        %parallel_loop3A_393 = arith.constant 10 : i32
        %parallel_loop3A_394 = vector.broadcast %parallel_loop3A_393 : i32 to vector<16xi32>
        %parallel_loop3A_395 = arith.cmpi eq, %parallel_loop3A_155, %parallel_loop3A_394 : vector<16xi32>
        %parallel_loop3A_396 = arith.constant 2.560500e+03 : f32
        %parallel_loop3A_397 = vector.broadcast %parallel_loop3A_396 : f32 to vector<16xf32>
        %parallel_loop3A_398 = arith.addf %parallel_loop3A_392, %parallel_loop3A_397 : vector<16xf32>
        %parallel_loop3A_399 = arith.constant 7.679500e+03 : f32
        %parallel_loop3A_400 = vector.broadcast %parallel_loop3A_399 : f32 to vector<16xf32>
        %parallel_loop3A_401 = arith.subf %parallel_loop3A_400, %parallel_loop3A_392 : vector<16xf32>
        %parallel_loop3A_402 = arith.select %parallel_loop3A_395, %parallel_loop3A_401, %parallel_loop3A_398 : vector<16xi1>, vector<16xf32>
        %parallel_loop3A_403 = arith.fptosi %parallel_loop3A_402 : vector<16xf32> to vector<16xi32>
        tpu.vector_store_idx %arg9[%parallel_loop3A_403], %broadcast_in_dim3A_37 {add = true} : memref<9728xf32, #tpu.memory_space<vmem>>[vector<16xi32>], vector<16xf32>,
        %parallel_loop3A_404 = arith.mulf %parallel_loop3A_215, %parallel_loop3A_271 : vector<16xf32>
        %parallel_loop3A_405 = arith.constant 11 : i32
        %parallel_loop3A_406 = vector.broadcast %parallel_loop3A_405 : i32 to vector<16xi32>
        %parallel_loop3A_407 = arith.cmpi eq, %parallel_loop3A_155, %parallel_loop3A_406 : vector<16xi32>
        %parallel_loop3A_408 = arith.constant 2.816500e+03 : f32
        %parallel_loop3A_409 = vector.broadcast %parallel_loop3A_408 : f32 to vector<16xf32>
        %parallel_loop3A_410 = arith.addf %parallel_loop3A_404, %parallel_loop3A_409 : vector<16xf32>
        %parallel_loop3A_411 = arith.constant 7.935500e+03 : f32
        %parallel_loop3A_412 = vector.broadcast %parallel_loop3A_411 : f32 to vector<16xf32>
        %parallel_loop3A_413 = arith.subf %parallel_loop3A_412, %parallel_loop3A_404 : vector<16xf32>
        %parallel_loop3A_414 = arith.select %parallel_loop3A_407, %parallel_loop3A_413, %parallel_loop3A_410 : vector<16xi1>, vector<16xf32>
        %parallel_loop3A_415 = arith.fptosi %parallel_loop3A_414 : vector<16xf32> to vector<16xi32>
        tpu.vector_store_idx %arg9[%parallel_loop3A_415], %broadcast_in_dim3A_37 {add = true} : memref<9728xf32, #tpu.memory_space<vmem>>[vector<16xi32>], vector<16xf32>,
        %parallel_loop3A_416 = arith.mulf %parallel_loop3A_220, %parallel_loop3A_271 : vector<16xf32>
        %parallel_loop3A_417 = arith.constant 12 : i32
        %parallel_loop3A_418 = vector.broadcast %parallel_loop3A_417 : i32 to vector<16xi32>
        %parallel_loop3A_419 = arith.cmpi eq, %parallel_loop3A_155, %parallel_loop3A_418 : vector<16xi32>
        %parallel_loop3A_420 = arith.constant 3.072500e+03 : f32
        %parallel_loop3A_421 = vector.broadcast %parallel_loop3A_420 : f32 to vector<16xf32>
        %parallel_loop3A_422 = arith.addf %parallel_loop3A_416, %parallel_loop3A_421 : vector<16xf32>
        %parallel_loop3A_423 = arith.constant 8.191500e+03 : f32
        %parallel_loop3A_424 = vector.broadcast %parallel_loop3A_423 : f32 to vector<16xf32>
        %parallel_loop3A_425 = arith.subf %parallel_loop3A_424, %parallel_loop3A_416 : vector<16xf32>
        %parallel_loop3A_426 = arith.select %parallel_loop3A_419, %parallel_loop3A_425, %parallel_loop3A_422 : vector<16xi1>, vector<16xf32>
        %parallel_loop3A_427 = arith.fptosi %parallel_loop3A_426 : vector<16xf32> to vector<16xi32>
        tpu.vector_store_idx %arg9[%parallel_loop3A_427], %broadcast_in_dim3A_37 {add = true} : memref<9728xf32, #tpu.memory_space<vmem>>[vector<16xi32>], vector<16xf32>,
        %parallel_loop3A_428 = arith.mulf %parallel_loop3A_225, %parallel_loop3A_271 : vector<16xf32>
        %parallel_loop3A_429 = arith.constant 13 : i32
        %parallel_loop3A_430 = vector.broadcast %parallel_loop3A_429 : i32 to vector<16xi32>
        %parallel_loop3A_431 = arith.cmpi eq, %parallel_loop3A_155, %parallel_loop3A_430 : vector<16xi32>
        %parallel_loop3A_432 = arith.constant 3.328500e+03 : f32
        %parallel_loop3A_433 = vector.broadcast %parallel_loop3A_432 : f32 to vector<16xf32>
        %parallel_loop3A_434 = arith.addf %parallel_loop3A_428, %parallel_loop3A_433 : vector<16xf32>
        %parallel_loop3A_435 = arith.constant 8.447500e+03 : f32
        %parallel_loop3A_436 = vector.broadcast %parallel_loop3A_435 : f32 to vector<16xf32>
        %parallel_loop3A_437 = arith.subf %parallel_loop3A_436, %parallel_loop3A_428 : vector<16xf32>
        %parallel_loop3A_438 = arith.select %parallel_loop3A_431, %parallel_loop3A_437, %parallel_loop3A_434 : vector<16xi1>, vector<16xf32>
        %parallel_loop3A_439 = arith.fptosi %parallel_loop3A_438 : vector<16xf32> to vector<16xi32>
        tpu.vector_store_idx %arg9[%parallel_loop3A_439], %broadcast_in_dim3A_37 {add = true} : memref<9728xf32, #tpu.memory_space<vmem>>[vector<16xi32>], vector<16xf32>,
        %parallel_loop3A_440 = arith.mulf %parallel_loop3A_230, %parallel_loop3A_271 : vector<16xf32>
        %parallel_loop3A_441 = arith.constant 14 : i32
        %parallel_loop3A_442 = vector.broadcast %parallel_loop3A_441 : i32 to vector<16xi32>
        %parallel_loop3A_443 = arith.cmpi eq, %parallel_loop3A_155, %parallel_loop3A_442 : vector<16xi32>
        %parallel_loop3A_444 = arith.constant 3.584500e+03 : f32
        %parallel_loop3A_445 = vector.broadcast %parallel_loop3A_444 : f32 to vector<16xf32>
        %parallel_loop3A_446 = arith.addf %parallel_loop3A_440, %parallel_loop3A_445 : vector<16xf32>
        %parallel_loop3A_447 = arith.constant 8.703500e+03 : f32
        %parallel_loop3A_448 = vector.broadcast %parallel_loop3A_447 : f32 to vector<16xf32>
        %parallel_loop3A_449 = arith.subf %parallel_loop3A_448, %parallel_loop3A_440 : vector<16xf32>
        %parallel_loop3A_450 = arith.select %parallel_loop3A_443, %parallel_loop3A_449, %parallel_loop3A_446 : vector<16xi1>, vector<16xf32>
        %parallel_loop3A_451 = arith.fptosi %parallel_loop3A_450 : vector<16xf32> to vector<16xi32>
        tpu.vector_store_idx %arg9[%parallel_loop3A_451], %broadcast_in_dim3A_37 {add = true} : memref<9728xf32, #tpu.memory_space<vmem>>[vector<16xi32>], vector<16xf32>,
        %parallel_loop3A_452 = arith.mulf %parallel_loop3A_235, %parallel_loop3A_271 : vector<16xf32>
        %parallel_loop3A_453 = arith.constant 15 : i32
        %parallel_loop3A_454 = vector.broadcast %parallel_loop3A_453 : i32 to vector<16xi32>
        %parallel_loop3A_455 = arith.cmpi eq, %parallel_loop3A_155, %parallel_loop3A_454 : vector<16xi32>
        %parallel_loop3A_456 = arith.constant 3.840500e+03 : f32
        %parallel_loop3A_457 = vector.broadcast %parallel_loop3A_456 : f32 to vector<16xf32>
        %parallel_loop3A_458 = arith.addf %parallel_loop3A_452, %parallel_loop3A_457 : vector<16xf32>
        %parallel_loop3A_459 = arith.constant 8.959500e+03 : f32
        %parallel_loop3A_460 = vector.broadcast %parallel_loop3A_459 : f32 to vector<16xf32>
        %parallel_loop3A_461 = arith.subf %parallel_loop3A_460, %parallel_loop3A_452 : vector<16xf32>
        %parallel_loop3A_462 = arith.select %parallel_loop3A_455, %parallel_loop3A_461, %parallel_loop3A_458 : vector<16xi1>, vector<16xf32>
        %parallel_loop3A_463 = arith.fptosi %parallel_loop3A_462 : vector<16xf32> to vector<16xi32>
        tpu.vector_store_idx %arg9[%parallel_loop3A_463], %broadcast_in_dim3A_37 {add = true} : memref<9728xf32, #tpu.memory_space<vmem>>[vector<16xi32>], vector<16xf32>,
        %parallel_loop3A_464 = arith.mulf %parallel_loop3A_240, %parallel_loop3A_271 : vector<16xf32>
        %parallel_loop3A_465 = arith.constant 16 : i32
        %parallel_loop3A_466 = vector.broadcast %parallel_loop3A_465 : i32 to vector<16xi32>
        %parallel_loop3A_467 = arith.cmpi eq, %parallel_loop3A_155, %parallel_loop3A_466 : vector<16xi32>
        %parallel_loop3A_468 = arith.constant 4.096500e+03 : f32
        %parallel_loop3A_469 = vector.broadcast %parallel_loop3A_468 : f32 to vector<16xf32>
        %parallel_loop3A_470 = arith.addf %parallel_loop3A_464, %parallel_loop3A_469 : vector<16xf32>
        %parallel_loop3A_471 = arith.constant 9.215500e+03 : f32
        %parallel_loop3A_472 = vector.broadcast %parallel_loop3A_471 : f32 to vector<16xf32>
        %parallel_loop3A_473 = arith.subf %parallel_loop3A_472, %parallel_loop3A_464 : vector<16xf32>
        %parallel_loop3A_474 = arith.select %parallel_loop3A_467, %parallel_loop3A_473, %parallel_loop3A_470 : vector<16xi1>, vector<16xf32>
        %parallel_loop3A_475 = arith.fptosi %parallel_loop3A_474 : vector<16xf32> to vector<16xi32>
        tpu.vector_store_idx %arg9[%parallel_loop3A_475], %broadcast_in_dim3A_37 {add = true} : memref<9728xf32, #tpu.memory_space<vmem>>[vector<16xi32>], vector<16xf32>,
        %parallel_loop3A_476 = arith.mulf %parallel_loop3A_245, %parallel_loop3A_271 : vector<16xf32>
        %parallel_loop3A_477 = arith.constant 17 : i32
        %parallel_loop3A_478 = vector.broadcast %parallel_loop3A_477 : i32 to vector<16xi32>
        %parallel_loop3A_479 = arith.cmpi eq, %parallel_loop3A_155, %parallel_loop3A_478 : vector<16xi32>
        %parallel_loop3A_480 = arith.constant 4.352500e+03 : f32
        %parallel_loop3A_481 = vector.broadcast %parallel_loop3A_480 : f32 to vector<16xf32>
        %parallel_loop3A_482 = arith.addf %parallel_loop3A_476, %parallel_loop3A_481 : vector<16xf32>
        %parallel_loop3A_483 = arith.constant 9.471500e+03 : f32
        %parallel_loop3A_484 = vector.broadcast %parallel_loop3A_483 : f32 to vector<16xf32>
        %parallel_loop3A_485 = arith.subf %parallel_loop3A_484, %parallel_loop3A_476 : vector<16xf32>
        %parallel_loop3A_486 = arith.select %parallel_loop3A_479, %parallel_loop3A_485, %parallel_loop3A_482 : vector<16xi1>, vector<16xf32>
        %parallel_loop3A_487 = arith.fptosi %parallel_loop3A_486 : vector<16xf32> to vector<16xi32>
        tpu.vector_store_idx %arg9[%parallel_loop3A_487], %broadcast_in_dim3A_37 {add = true} : memref<9728xf32, #tpu.memory_space<vmem>>[vector<16xi32>], vector<16xf32>,
        %parallel_loop3A_488 = arith.mulf %parallel_loop3A_250, %parallel_loop3A_271 : vector<16xf32>
        %parallel_loop3A_489 = arith.constant 18 : i32
        %parallel_loop3A_490 = vector.broadcast %parallel_loop3A_489 : i32 to vector<16xi32>
        %parallel_loop3A_491 = arith.cmpi eq, %parallel_loop3A_155, %parallel_loop3A_490 : vector<16xi32>
        %parallel_loop3A_492 = arith.constant 4.608500e+03 : f32
        %parallel_loop3A_493 = vector.broadcast %parallel_loop3A_492 : f32 to vector<16xf32>
        %parallel_loop3A_494 = arith.addf %parallel_loop3A_488, %parallel_loop3A_493 : vector<16xf32>
        %parallel_loop3A_495 = arith.constant 9.727500e+03 : f32
        %parallel_loop3A_496 = vector.broadcast %parallel_loop3A_495 : f32 to vector<16xf32>
        %parallel_loop3A_497 = arith.subf %parallel_loop3A_496, %parallel_loop3A_488 : vector<16xf32>
        %parallel_loop3A_498 = arith.select %parallel_loop3A_491, %parallel_loop3A_497, %parallel_loop3A_494 : vector<16xi1>, vector<16xf32>
        %parallel_loop3A_499 = arith.fptosi %parallel_loop3A_498 : vector<16xf32> to vector<16xi32>
        tpu.vector_store_idx %arg9[%parallel_loop3A_499], %broadcast_in_dim3A_37 {add = true} : memref<9728xf32, #tpu.memory_space<vmem>>[vector<16xi32>], vector<16xf32>,
      } {sc.loop_unroll_factor = 6 : i64, sc.parallel_access}
    }
    %scan3A_53 = arith.constant 8 : i32
    %dma_wait3A = arith.constant 0 : i32
    %dma_wait3A_54 = arith.constant 0 : i32
    %dma_wait3A_55 = tpu.memref_slice %arg2[%select_n3A, %dma_wait3A, %dma_wait3A_54] : memref<4x19x262144xf32, #tpu.memory_space<hbm>> -> memref<1x19x2048xf32, #tpu.memory_space<hbm>>
    %dma_wait3A_56 = tpu.memref_squeeze %dma_wait3A_55 : memref<1x19x2048xf32, #tpu.memory_space<hbm>> -> memref<19x2048xf32, #tpu.memory_space<hbm>>
    %dma_wait3A_57 = arith.constant 0 : i32
    %dma_wait3A_58 = arith.constant 0 : i32
    %dma_wait3A_59 = tpu.memref_slice %arg2[%select_n3A, %dma_wait3A_57, %dma_wait3A_58] : memref<4x19x262144xf32, #tpu.memory_space<hbm>> -> memref<1x19x2048xf32, #tpu.memory_space<hbm>>
    %dma_wait3A_60 = tpu.memref_squeeze %dma_wait3A_59 : memref<1x19x2048xf32, #tpu.memory_space<hbm>> -> memref<19x2048xf32, #tpu.memory_space<hbm>>
    tpu.wait_dma2 semaphore(%arg10 : memref<!tpu.dma_semaphore, #tpu.memory_space<semaphore_mem>>) src(%dma_wait3A_60 : memref<19x2048xf32, #tpu.memory_space<hbm>>) dst(%arg5 : memref<19x2048xf32, #tpu.memory_space<vmem>>)
    %dma_wait3A_61 = arith.constant 0 : i32
    %dma_wait3A_62 = tpu.memref_slice %arg3[%select_n3A, %dma_wait3A_61] : memref<4x262144xi32, #tpu.memory_space<hbm>> -> memref<1x2048xi32, #tpu.memory_space<hbm>>
    %dma_wait3A_63 = tpu.memref_squeeze %dma_wait3A_62 : memref<1x2048xi32, #tpu.memory_space<hbm>> -> memref<2048xi32, #tpu.memory_space<hbm>>
    %dma_wait3A_64 = arith.constant 0 : i32
    %dma_wait3A_65 = tpu.memref_slice %arg3[%select_n3A, %dma_wait3A_64] : memref<4x262144xi32, #tpu.memory_space<hbm>> -> memref<1x2048xi32, #tpu.memory_space<hbm>>
    %dma_wait3A_66 = tpu.memref_squeeze %dma_wait3A_65 : memref<1x2048xi32, #tpu.memory_space<hbm>> -> memref<2048xi32, #tpu.memory_space<hbm>>
    tpu.wait_dma2 semaphore(%arg12 : memref<!tpu.dma_semaphore, #tpu.memory_space<semaphore_mem>>) src(%dma_wait3A_66 : memref<2048xi32, #tpu.memory_space<hbm>>) dst(%arg7 : memref<2048xi32, #tpu.memory_space<vmem>>)
    "tpu.region"() ({
      %run_scoped3A = tpu.sem_alloc : memref<!tpu.dma_semaphore, #tpu.memory_space<semaphore_mem>>
      %dma_start3A_67 = arith.constant 0 : i32
      %dma_start3A_68 = tpu.memref_slice %arg4[%add3A, %dma_start3A_67] : memref<32x9728xf32, #tpu.memory_space<hbm>> -> memref<1x9728xf32, #tpu.memory_space<hbm>>
      %dma_start3A_69 = tpu.memref_squeeze %dma_start3A_68 : memref<1x9728xf32, #tpu.memory_space<hbm>> -> memref<9728xf32, #tpu.memory_space<hbm>>
      %dma_start3A_70 = arith.constant 0 : i32
      %dma_start3A_71 = tpu.memref_slice %arg4[%add3A, %dma_start3A_70] : memref<32x9728xf32, #tpu.memory_space<hbm>> -> memref<1x9728xf32, #tpu.memory_space<hbm>>
      %dma_start3A_72 = tpu.memref_squeeze %dma_start3A_71 : memref<1x9728xf32, #tpu.memory_space<hbm>> -> memref<9728xf32, #tpu.memory_space<hbm>>
      tpu.enqueue_dma source(%arg9 : memref<9728xf32, #tpu.memory_space<vmem>>) target(%dma_start3A_72 : memref<9728xf32, #tpu.memory_space<hbm>>) target_semaphore(%run_scoped3A : memref<!tpu.dma_semaphore, #tpu.memory_space<semaphore_mem>>)
      %dma_wait3A_73 = arith.constant 0 : i32
      %dma_wait3A_74 = tpu.memref_slice %arg4[%add3A, %dma_wait3A_73] : memref<32x9728xf32, #tpu.memory_space<hbm>> -> memref<1x9728xf32, #tpu.memory_space<hbm>>
      %dma_wait3A_75 = tpu.memref_squeeze %dma_wait3A_74 : memref<1x9728xf32, #tpu.memory_space<hbm>> -> memref<9728xf32, #tpu.memory_space<hbm>>
      %dma_wait3A_76 = arith.constant 0 : i32
      %dma_wait3A_77 = tpu.memref_slice %arg4[%add3A, %dma_wait3A_76] : memref<32x9728xf32, #tpu.memory_space<hbm>> -> memref<1x9728xf32, #tpu.memory_space<hbm>>
      %dma_wait3A_78 = tpu.memref_squeeze %dma_wait3A_77 : memref<1x9728xf32, #tpu.memory_space<hbm>> -> memref<9728xf32, #tpu.memory_space<hbm>>
      tpu.wait_dma2 semaphore(%run_scoped3A : memref<!tpu.dma_semaphore, #tpu.memory_space<semaphore_mem>>) src(%arg9 : memref<9728xf32, #tpu.memory_space<vmem>>) dst(%dma_wait3A_78 : memref<9728xf32, #tpu.memory_space<hbm>>)
      tpu.yield
    }) : () -> ()
    return
  }
}

module attributes {stable_mosaic.version = 14 : i64} {
  func.func @fin_kernel(%arg0: memref<1216x256xf32, #tpu.memory_space<vmem>>, %arg1: memref<1x1xf32, #tpu.memory_space<vmem>>) attributes {dimension_semantics = [], scalar_prefetch = 0 : i64, scratch_operands = 0 : i64, tpu.core_type = #tpu.core_type<tc>} {
    %get3A = arith.constant 0 : index
    %get3A_0 = arith.constant 0 : index
    %get3A_1 = vector.load %arg0[%get3A, %get3A_0] : memref<1216x256xf32, #tpu.memory_space<vmem>>, vector<1216x256xf32>
    %reshape3A = vector.shape_cast %get3A_1 : vector<1216x256xf32> to vector<4x8x38x256xf32>
    %reduce_sum3A = arith.constant dense<0.000000e+00> : vector<4x38x256xf32>
    %reduce_sum3A_2 = vector.multi_reduction <add>, %reshape3A, %reduce_sum3A [1] : vector<4x8x38x256xf32> to vector<4x38x256xf32>
    %slice3A = vector.extract_strided_slice %reduce_sum3A_2 {offsets = [0, 0, 0], sizes = [4, 19, 256], strides = [1, 1, 1]} : vector<4x38x256xf32> to vector<4x19x256xf32>
    %reshape3A_3 = vector.shape_cast %slice3A : vector<4x19x256xf32> to vector<76x256xf32>
    %slice3A_4 = vector.extract_strided_slice %reduce_sum3A_2 {offsets = [0, 19, 0], sizes = [4, 19, 256], strides = [1, 1, 1]} : vector<4x38x256xf32> to vector<4x19x256xf32>
    %reshape3A_5 = vector.shape_cast %slice3A_4 : vector<4x19x256xf32> to vector<76x256xf32>
    %iota3A = tpu.iota {dimensions = array<i32: 0>} : vector<256x256xi32>
    %iota3A_6 = tpu.iota {dimensions = array<i32: 1>} : vector<256x256xi32>
    %ge3A = arith.cmpi sge, %iota3A, %iota3A_6 : vector<256x256xi32>
    %convert_element_type3A = arith.extui %ge3A : vector<256x256xi1> to vector<256x256xi32>
    %convert_element_type3A_7 = arith.sitofp %convert_element_type3A : vector<256x256xi32> to vector<256x256xf32>
    %dot_general3A = arith.constant dense<0.000000e+00> : vector<76x256xf32>
    %dot_general3A_8 = tpu.matmul %reshape3A_3, %convert_element_type3A_7, %dot_general3A {dimension_numbers = #tpu.dot_dimension_numbers<[1], [0], [0], [1], [0, 0, 1, 1], [], []>, transpose_lhs_hint = false} : vector<76x256xf32>, vector<256x256xf32>, vector<76x256xf32> -> vector<76x256xf32>
    %dot_general3A_9 = arith.constant dense<0.000000e+00> : vector<76x256xf32>
    %dot_general3A_10 = tpu.matmul %reshape3A_5, %convert_element_type3A_7, %dot_general3A_9 {dimension_numbers = #tpu.dot_dimension_numbers<[1], [0], [0], [1], [0, 0, 1, 1], [], []>, transpose_lhs_hint = false} : vector<76x256xf32>, vector<256x256xf32>, vector<76x256xf32> -> vector<76x256xf32>
    %slice3A_11 = vector.extract_strided_slice %dot_general3A_10 {offsets = [0, 0], sizes = [76, 1], strides = [1, 1]} : vector<76x256xf32> to vector<76x1xf32>
    %sub3A = vector.broadcast %slice3A_11 : vector<76x1xf32> to vector<76x256xf32>
    %sub3A_12 = arith.subf %sub3A, %dot_general3A_10 : vector<76x256xf32>
    %add3A = vector.broadcast %slice3A_11 : vector<76x1xf32> to vector<76x256xf32>
    %add3A_13 = arith.addf %add3A, %dot_general3A_8 : vector<76x256xf32>
    %max3A = arith.constant 1.000000e+00 : f32
    %max3A_14 = vector.broadcast %max3A : f32 to vector<76x256xf32>
    %max3A_15 = arith.maximumf %add3A_13, %max3A_14 : vector<76x256xf32>
    %div3A = arith.divf %sub3A_12, %max3A_15 : vector<76x256xf32>
    %sub3A_16 = arith.constant 1.000000e+00 : f32
    %sub3A_17 = vector.broadcast %sub3A_16 : f32 to vector<76x256xf32>
    %sub3A_18 = arith.subf %sub3A_17, %div3A : vector<76x256xf32>
    %reduce_sum3A_19 = arith.constant dense<0.000000e+00> : vector<76xf32>
    %reduce_sum3A_20 = vector.multi_reduction <add>, %sub3A_18, %reduce_sum3A_19 [1] : vector<76x256xf32> to vector<76xf32>
    %broadcast_in_dim3A = vector.shape_cast %reduce_sum3A_20 : vector<76xf32> to vector<76x1xf32>
    %sub3A_21 = arith.constant 1.000000e+00 : f32
    %sub3A_22 = vector.broadcast %sub3A_21 : f32 to vector<76x1xf32>
    %sub3A_23 = arith.subf %broadcast_in_dim3A, %sub3A_22 : vector<76x1xf32>
    %div3A_24 = arith.constant 2.550000e+02 : f32
    %div3A_25 = vector.broadcast %div3A_24 : f32 to vector<76x1xf32>
    %div3A_26 = arith.divf %sub3A_23, %div3A_25 : vector<76x1xf32>
    %gt3A = arith.constant 0.000000e+00 : f32
    %gt3A_27 = vector.broadcast %gt3A : f32 to vector<76x1xf32>
    %gt3A_28 = arith.cmpf ogt, %slice3A_11, %gt3A_27 : vector<76x1xf32>
    %convert_element_type3A_29 = arith.extui %gt3A_28 : vector<76x1xi1> to vector<76x1xi32>
    %convert_element_type3A_30 = arith.sitofp %convert_element_type3A_29 : vector<76x1xi32> to vector<76x1xf32>
    %iota3A_31 = tpu.iota {dimensions = array<i32: 0>} : vector<4x76xi32>
    %iota3A_32 = tpu.iota {dimensions = array<i32: 1>} : vector<4x76xi32>
    %jit3A = arith.constant 19 : i32
    %div3A_33 = vector.broadcast %jit3A : i32 to vector<4x76xi32>
    %div3A_34 = arith.divsi %iota3A_32, %div3A_33 : vector<4x76xi32>
    %sign3A = arith.constant 0 : i32
    %sign3A_35 = vector.broadcast %sign3A : i32 to vector<4x76xi32>
    %sign3A_36 = arith.cmpi sgt, %iota3A_32, %sign3A_35 : vector<4x76xi32>
    %sign3A_37 = arith.extui %sign3A_36 : vector<4x76xi1> to vector<4x76xi32>
    %sign3A_38 = arith.constant 0 : i32
    %sign3A_39 = vector.broadcast %sign3A_38 : i32 to vector<4x76xi32>
    %sign3A_40 = arith.cmpi slt, %iota3A_32, %sign3A_39 : vector<4x76xi32>
    %sign3A_41 = arith.extui %sign3A_40 : vector<4x76xi1> to vector<4x76xi32>
    %sign3A_42 = arith.subi %sign3A_37, %sign3A_41 : vector<4x76xi32>
    %sign3A_43 = arith.constant 0 : i32
    %sign3A_44 = arith.cmpi sgt, %jit3A, %sign3A_43 : i32
    %sign3A_45 = arith.extui %sign3A_44 : i1 to i32
    %sign3A_46 = arith.constant 0 : i32
    %sign3A_47 = arith.cmpi slt, %jit3A, %sign3A_46 : i32
    %sign3A_48 = arith.extui %sign3A_47 : i1 to i32
    %sign3A_49 = arith.subi %sign3A_45, %sign3A_48 : i32
    %ne3A = vector.broadcast %sign3A_49 : i32 to vector<4x76xi32>
    %ne3A_50 = arith.cmpi ne, %sign3A_42, %ne3A : vector<4x76xi32>
    %rem3A = vector.broadcast %jit3A : i32 to vector<4x76xi32>
    %rem3A_51 = arith.remsi %iota3A_32, %rem3A : vector<4x76xi32>
    %ne3A_52 = arith.constant 0 : i32
    %ne3A_53 = vector.broadcast %ne3A_52 : i32 to vector<4x76xi32>
    %ne3A_54 = arith.cmpi ne, %rem3A_51, %ne3A_53 : vector<4x76xi32>
    %and3A = arith.andi %ne3A_50, %ne3A_54 : vector<4x76xi1>
    %sub3A_55 = arith.constant 1 : i32
    %sub3A_56 = vector.broadcast %sub3A_55 : i32 to vector<4x76xi32>
    %sub3A_57 = arith.subi %div3A_34, %sub3A_56 : vector<4x76xi32>
    %select_n3A = arith.select %and3A, %sub3A_57, %div3A_34 : vector<4x76xi1>, vector<4x76xi32>
    %eq3A = arith.cmpi eq, %iota3A_31, %select_n3A : vector<4x76xi32>
    %convert_element_type3A_58 = arith.extui %eq3A : vector<4x76xi1> to vector<4x76xi32>
    %convert_element_type3A_59 = arith.sitofp %convert_element_type3A_58 : vector<4x76xi32> to vector<4x76xf32>
    %mul3A = arith.mulf %div3A_26, %convert_element_type3A_30 : vector<76x1xf32>
    %dot_general3A_60 = arith.constant dense<0.000000e+00> : vector<4x1xf32>
    %dot_general3A_61 = tpu.matmul %convert_element_type3A_59, %mul3A, %dot_general3A_60 {dimension_numbers = #tpu.dot_dimension_numbers<[1], [0], [0], [1], [0, 0, 1, 1], [], []>, transpose_lhs_hint = false} : vector<4x76xf32>, vector<76x1xf32>, vector<4x1xf32> -> vector<4x1xf32>
    %dot_general3A_62 = arith.constant dense<0.000000e+00> : vector<4x1xf32>
    %dot_general3A_63 = tpu.matmul %convert_element_type3A_59, %convert_element_type3A_30, %dot_general3A_62 {dimension_numbers = #tpu.dot_dimension_numbers<[1], [0], [0], [1], [0, 0, 1, 1], [], []>, transpose_lhs_hint = false} : vector<4x76xf32>, vector<76x1xf32>, vector<4x1xf32> -> vector<4x1xf32>
    %max3A_64 = arith.constant 1.000000e+00 : f32
    %max3A_65 = vector.broadcast %max3A_64 : f32 to vector<4x1xf32>
    %max3A_66 = arith.maximumf %dot_general3A_63, %max3A_65 : vector<4x1xf32>
    %div3A_67 = arith.divf %dot_general3A_61, %max3A_66 : vector<4x1xf32>
    %reduce_sum3A_68 = vector.shape_cast %div3A_67 : vector<4x1xf32> to vector<1x4x1xf32>
    %reduce_sum3A_69 = arith.constant dense<0.000000e+00> : vector<1xf32>
    %reduce_sum3A_70 = vector.multi_reduction <add>, %reduce_sum3A_68, %reduce_sum3A_69 [1, 2] : vector<1x4x1xf32> to vector<1xf32>
    %reduce_sum3A_71 = vector.shape_cast %reduce_sum3A_70 : vector<1xf32> to vector<1x1x1xf32>
    %reduce_sum3A_72 = vector.extract %reduce_sum3A_71[0, 0, 0] : f32 from vector<1x1x1xf32>
    %div3A_73 = arith.constant 4.000000e+00 : f32
    %div3A_74 = arith.divf %reduce_sum3A_72, %div3A_73 : f32
    %broadcast_in_dim3A_75 = vector.broadcast %div3A_74 : f32 to vector<1x1xf32>
    %swap3A = arith.constant 0 : index
    %swap3A_76 = arith.constant 0 : index
    %swap3A_77 = vector.load %arg1[%swap3A, %swap3A_76] : memref<1x1xf32, #tpu.memory_space<vmem>>, vector<1x1xf32>
    tpu.vector_store %arg1[%swap3A, %swap3A_76], %broadcast_in_dim3A_75 {strides = array<i32>} : memref<1x1xf32, #tpu.memory_space<vmem>>, vector<1x1xf32>,
    return
  }
}

</mosaic_0001>

<sc_bundles>
// kernel: kernel.4.cloned.1.call-start
scs
__scs_entry_jumppad:
0x0: {  	(pc) =	sbr.rel $0x88, $3  }
0x1: {  	(tag) =	ssettag $0x0;
	lr =	simm.s32 $0x1  }
0x2: {  	[smem:$0x3F9F] =	sst lr;
	_ =	strace $0xD0000000  }
0x3: {  	_ = 	snop  }
0x4: {  	_ = 	snop  }
0x5: {  	_ = 	snop  }
0x6: {  	_ = 	snop  }
0x7: {  	_ = 	snop  }
__scs_overlays_trampoline_lowered:
0x8: {  	[smem:$0x3FAE] =	sst s0  }
0x9: {  	[smem:$0x3FAF] =	sst s1  }
0xa: {  	[smem:$0x3FB0] =	sst s2  }
0xb: {  	[smem:$0x3FB1] =	sst s3  }
0xc: {  	[smem:$0x3FB2] =	sst s4  }
0xd: {  	[smem:$0x3FB3] =	sst s5  }
0xe: {  	[smem:$0x3FB4] =	sst s6  }
0xf: {  	[smem:$0x3FB5] =	sst s7  }
0x10: {  	[smem:$0x3FB6] =	sst s8  }
0x11: {  	[smem:$0x3FB7] =	sst s9;
	s0 =	simm.s32 @!p0 $0x0  }
0x12: {  	s1 =	sld [smem:$0x3F9D];
	s0 =	simm.s32 @p0 $0x1  }
0x13: {  	[smem:$0x3FB8] =	sst s0;
	s0 =	simm.s32 @!p1 $0x0  }
0x14: {  	s2 =	sld [smem:$0x3F9C];
	s0 =	simm.s32 @p1 $0x1  }
0x15: {  	[smem:$0x3FB9] =	sst s0;
	s0 =	simm.s32 @!p2 $0x0  }
0x16: {  	s3 =	sld [smem:$0x3FDB];
	s0 =	simm.s32 @p2 $0x1  }
0x17: {  	s4 =	simm.s32 $0x1BF5;
	[smem:$0x3FBB] =	sst s0  }
0x18: {  	s0 =	sld [smem:$0x3F9E];
	_ =	swait.ge [sflag:s4], $0x0  }
0x19: {  	s7 =	sld [smem:$0x3F9F]  }
0x1a: {  	s8 =	sadd.s32 $0xFFFFE003, lr  }
0x1b: {  	s9 =	sadd.s32 $0xFFFFFEF7, lr;
	s5 =	simm.s32 $0xFFFFFFFF;
	p2 =	slt.u32 s8, $0xFFFFF086  }
0x1c: {  	p1 =	slt.u32 s9, $0xF7A;
	s5 =	simm.s32 @!p2 $0x0  }
0x1d: {  	s5 =	simm.s32 @p1 $0x1;
	p0 =	seq.s32 s7, s2  }
0x1e: {  	s7 =	smul.u32 @!p0 $0xF7A, s2;
	p2 =	seq.s32 @!p0 s5, $0x0  }
0x1f: {  	s9 =	smul.u32 $0xF7A, s1;
	s8 =	simm.s32 @!p0 $0x1BF5;
	p2 =	por !p2, p0  }
0x20: {  	[sflag:s8] =	ssyncset.s32 @!p0 $0xFFFFF086;
	s6 =	sadd.s32 @!p0 s3, s7;
	s7 =	simm.s32 @!p0 $0x108  }
0x21: {  	s3 =	sadd.s32 s3, s9;
	s6 =	sadd.s32 @!p0 $0x88, s6;
	s7 =	simm.s32 @p2 $0x1082  }
0x22: {  	[simem:s7], [sflag:s8] =	dma.local @!p0 [hbm:s6], $0xF7A  }
0x23: {  	s9 =	sor.u32 $0xD0000000, s2;
	s6 =	simm.s32 $0x108;
	_ =	swait.ge @!p0 [sflag:s8], $0x0  }
0x24: {  	s3 =	sadd.s32 $0x88, s3;
	s6 =	simm.s32 @!p1 $0x1082;
	[sflag:s4] =	ssyncset.s32 $0xFFFFF086  }
0x25: {  	[simem:s6], [sflag:s4] =	dma.local [hbm:s3], $0xF7A  }
0x26: {  	[smem:$0x3F9F] =	sst s1;
	(tag) =	ssettag s2;
	_ =	strace s9  }
0x27: {  	s1 =	sld [smem:$0x3FAF]  }
0x28: {  	s2 =	sld [smem:$0x3FB0]  }
0x29: {  	s4 =	sld [smem:$0x3FB2]  }
0x2a: {  	p0 =	seq.s32 s5, $0x0;
	s5 =	sld [smem:$0x3FB3]  }
0x2b: {  	s6 =	sld [smem:$0x3FB4]  }
0x2c: {  	s7 =	sld [smem:$0x3FB5]  }
0x2d: {  	s3 =	simm.s32 $0x108;
	s8 =	sld [smem:$0x3FB6]  }
0x2e: {  	s3 =	simm.s32 @!p0 $0x1082;
	s9 =	sld [smem:$0x3FB7]  }
0x2f: {  	lr =	sadd.s32 s0, s3;
	s0 =	sld [smem:$0x3FAE]  }
0x30: {  	s3 =	sld [smem:$0x3FB1]  }
0x31: {  	[smem:$0x3FBA] =	sst s10  }
0x32: {  	s10 =	sld [smem:$0x3FB8];
	_ =	sdelay $0x3  }
0x33: {  	p0 =	seq.s32 s10, $0x1;
	s10 =	sld [smem:$0x3FBA];
	_ =	sdelay $0x3  }
0x34: {  	[smem:$0x3FBA] =	sst s10  }
0x35: {  	s10 =	sld [smem:$0x3FB9];
	_ =	sdelay $0x3  }
0x36: {  	p1 =	seq.s32 s10, $0x1;
	s10 =	sld [smem:$0x3FBA];
	_ =	sdelay $0x3  }
0x37: {  	[smem:$0x3FBA] =	sst s10  }
0x38: {  	s10 =	sld [smem:$0x3FBB]  }
0x39: {  	_ = 	snop;
	(pc) =	sbr.ind lr, $3  }
0x3a: {  	_ = 	snop  }
0x3b: {  	_ = 	snop  }
0x3c: {  	p2 =	seq.s32 s10, $0x1;
	s10 =	sld [smem:$0x3FBA]  }
0x3d: {  	_ =	shalt  }
0x3e: {  	_ =	shalt  }
0x3f: {  	_ =	shalt  }
0x40: {  	_ =	shalt  }
0x41: {  	_ =	shalt  }
0x42: {  	_ =	shalt  }
0x43: {  	_ =	shalt  }
0x44: {  	_ =	shalt  }
0x45: {  	_ =	shalt  }
0x46: {  	_ =	shalt  }
0x47: {  	_ =	shalt  }
0x48: {  	_ =	shalt  }
0x49: {  	_ =	shalt  }
0x4a: {  	_ =	shalt  }
0x4b: {  	_ =	shalt  }
0x4c: {  	_ =	shalt  }
0x4d: {  	_ =	shalt  }
0x4e: {  	_ =	shalt  }
0x4f: {  	_ =	shalt  }
0x50: {  	_ =	shalt  }
0x51: {  	_ =	shalt  }
0x52: {  	_ =	shalt  }
0x53: {  	_ =	shalt  }
0x54: {  	_ =	shalt  }
0x55: {  	_ =	shalt  }
0x56: {  	_ =	shalt  }
0x57: {  	_ =	shalt  }
0x58: {  	_ =	shalt  }
0x59: {  	_ =	shalt  }
0x5a: {  	_ =	shalt  }
0x5b: {  	_ =	shalt  }
0x5c: {  	_ =	shalt  }
0x5d: {  	_ =	shalt  }
0x5e: {  	_ =	shalt  }
0x5f: {  	_ =	shalt  }
0x60: {  	_ =	shalt  }
0x61: {  	_ =	shalt  }
0x62: {  	_ =	shalt  }
0x63: {  	_ =	shalt  }
0x64: {  	_ =	shalt  }
0x65: {  	_ =	shalt  }
0x66: {  	_ =	shalt  }
0x67: {  	_ =	shalt  }
0x68: {  	_ =	shalt  }
0x69: {  	_ =	shalt  }
0x6a: {  	_ =	shalt  }
0x6b: {  	_ =	shalt  }
0x6c: {  	_ =	shalt  }
0x6d: {  	_ =	shalt  }
0x6e: {  	_ =	shalt  }
0x6f: {  	_ =	shalt  }
0x70: {  	_ =	shalt  }
0x71: {  	_ =	shalt  }
0x72: {  	_ =	shalt  }
0x73: {  	_ =	shalt  }
0x74: {  	_ =	shalt  }
0x75: {  	_ =	shalt  }
0x76: {  	_ =	shalt  }
0x77: {  	_ =	shalt  }
0x78: {  	_ =	shalt  }
0x79: {  	_ =	shalt  }
0x7a: {  	_ =	shalt  }
0x7b: {  	_ =	shalt  }
0x7c: {  	_ =	shalt  }
0x7d: {  	_ =	shalt  }
0x7e: {  	_ =	shalt  }
0x7f: {  	_ =	shalt  }
0x80: {  	_ =	shalt  }
0x81: {  	_ =	shalt  }
0x82: {  	_ =	shalt  }
0x83: {  	_ =	shalt  }
0x84: {  	_ =	shalt  }
0x85: {  	_ =	shalt  }
0x86: {  	_ =	shalt  }
0x87: {  	_ =	shalt  }
.Lfunc_end0:
.L_simem_size_0:
called_computation_lowered:
.L_overlay_start_0:
0x88: {  	s2 =	sld [smem:$0x3FD9]  }
0x89: {  	s3 =	sld [smem:$0x3FFE];
	_ =	sdelay $0x1  }
0x8a: {  	s1 =	srdreg.scid  }
0x8b: {  	s0 =	sand.u32 $0x1, s1  }
0x8c: {  	s16 =	sshll.u32 s0, $0xA;
	s2 =	sadd.s32 s3, s2  }
0x8d: {  	s2 =	sadd.s32 s2, s16  }
0x8e: {  	[smem:$0x3FC6] =	sst s2  }
0x8f: {  	_ = 	snop  }
0x90: {  	(tm) =	ssettm $0x1  }
0x91: {  	s17 =	sld [smem:$0x3FFB];
	_ =	sdelay $0x3  }
0x92: {  	_ =	strace s17  }
0x93: {  	s2 =	sld [smem:$0x3FFC];
	_ =	sdelay $0x3  }
0x94: {  	_ =	strace s2  }
0x95: {  	s2 =	sld [smem:$0x3FFD];
	_ =	sdelay $0x3  }
0x96: {  	_ =	strace s2  }
0x97: {  	_ =	strace $0x8FFFFFFF  }
0x98: {  	s18 =	sld [smem:$0x3FDB];
	_ =	sdelay $0x1  }
0x99: {  	s19 =	simm.s32 $_scs_section_size  }
0x9a: {  	s4 =	simm.s32 $_size__tile_overlayer_lowered;
	s5 =	simm.s32 $_tile_overlayer_lowered  }
0x9b: {  	s22 =	simm.s32 $0x1BFF;
	s21 =	sshll.u32 s5, $0x1;
	s2 =	sadd.s32 s19, s18  }
0x9c: {  	s6 =	simm.s32 $0x0;
	s20 =	sshll.u32 s4, $0x1;
	s4 =	sadd.s32 s21, s2  }
0x9d: {  	[timem:s6], [sflag:s22] =	dma.local [hbm:s4], s20  }
0x9e: {  	_ =	swait.ge [sflag:s22], s20  }
0x9f: {  	s3 =	ssub.s32 $0x0, s20;
	[sflag:s22] =	ssyncset.done $0x0  }
0xa0: {  	[sflag:s22] =	ssyncadd.s32 s3;
	_ =	sdelay $0x1  }
0xa1: {  	s23 =	simm.s32 $0x1B8B  }
0xa2: {  	_ =	swait.ge [sflag:s23], $0x1  }
0xa3: {  	[sflag:s23] =	ssyncset.done $0x0  }
0xa4: {  	s25 =	simm.s32 $0x1B8E;
	s24 =	sld [smem:$0x3FFE];
	[sflag:s23] =	ssyncadd.s32 $0xFFFFFFFF  }
0xa5: {  	s26 =	simm.s32 $execute0_lowered;
	[smem:$0x3FD2] =	sst s25  }
0xa6: {  	s4 =	sshll.u32 s26, $0x1;
	_ =	strace $0x80000046;
	[dreg:$0x1] =	wrdreg $0xFFFFFFFF  }
0xa7: {  	s28 =	simm.s32 $_size_execute0_lowered;
	s2 =	sadd.s32 s2, s4;
	[dreg:$0x0] =	wrdreg $0x0  }
0xa8: {  	s4 =	sshll.u32 s28, $0x1;
	[dreg:$0x2] =	wrdreg s2  }
0xa9: {  	[dreg:$0x3] =	wrdreg s4  }
0xaa: {  	[dreg:$0x4] =	wrdreg $0xC0  }
0xab: {  	_ =	task [dreg:s6], $0x5FFFF  }
0xac: {  	[dreg:$0x1] =	wrdreg $0xFFFFFFFF  }
0xad: {  	[dreg:$0x0] =	wrdreg $0x60  }
0xae: {  	[dreg:$0x2] =	wrdreg s24  }
0xaf: {  	[dreg:$0x3] =	wrdreg $0x9  }
0xb0: {  	_ =	task.clear_ibuf [dreg:s6], $0x4FFFF;
	_ =	strace $0x90000046  }
0xb1: {  	s29 =	simm.s32 $0x9;
	_ =	strace $0x80000048  }
0xb2: {  	_ =	swait.ge [sflag:s29], $0x1  }
0xb3: {  	[sflag:s29] =	ssyncadd.s32 $0xFFFFFFFF  }
0xb4: {  	_ =	strace $0x90000048  }
0xb5: {  	_ =	sfence  }
0xb6: {  	s30 =	sld [smem:$0x0];
	_ =	sdelay $0x2  }
0xb7: {  	s31 =	sshll.u32 s1, $0xD;
	s1 =	sshrl.u32 s1, $0x2  }
0xb8: {  	s3 =	sand.u32 $0x4000, s31;
	s1 =	sadd.s32 s1, s30  }
0xb9: {  	s0 =	sor.u32 s3, s0;
	s1 =	sshll.u32 s1, $0x11  }
0xba: {  	s0 =	sor.u32 s1, s0  }
0xbb: {  	s0 =	sadd.s32 $0x8F2B, s0  }
0xbc: {  	[sflag:s0] =	ssyncadd.remote.s32 $0x1  }
0xbd: {  	_ =	sfence.sel $0xFFFF  }
0xbe: {  	[dreg:$0x0] =	wrdreg $0xFFFFFFFF;
	(pc) =	sbr.abs _section_cstart, $3  }
0xbf: {  	[dreg:$0x1] =	wrdreg $0xFFFFFFFF  }
0xc0: {  	_ =	task.clear_ibuf [dreg:s6], $0x2FFFF;
	_ =	strace $0x9FFFFFFF  }
0xc1: {  	(tm) =	ssettm $0x7FFFFFFF  }
tec
execute0_lowered:
.L_overlay_start_1:
0x0: {  	(tag) =	ssettag $0x1  }
0x1: {  	s0 =	rddreg [dreg:$0x0];
	s3 =	stileid.u32  }
0x2: {  	s1 =	srdreg.scid;
	s9 =	simm.s32 $0x0;
	s2 =	sshrl.u32 s3, $0x2  }
0x3: {  	s1 =	sand.u32 $0x1, s1;
	s3 =	sshll.u32 s3, $0x1;
	s4 =	smul.u32 $0xC0000, s2  }
0x4: {  	[smem:$0x7FF] =	sst s9;
	s5 =	sor.u32 s1, s3;
	s26 =	smul.u32 $0x13000, s2  }
0x5: {  	_ =	strace $0x80000047;
	s3 =	sadd.s32 $0x400, s0;
	s1 =	ssub.s32 $0x2, s1  }
0x6: {  	s6 =	sshll.u32 s5, $0x7;
	s5 =	sand.u32 $0x7, s5;
	s8 =	sshrl.u32 s1, $0x1  }
0x7: {  	s6 =	sand.u32 $0x380, s6;
	s7 =	sadd.s32 s4, s0;
	s4 =	sshll.u32 s2, $0x7  }
0x8: {  	s29 =	sshll.u32 s5, $0x11;
	s5 =	sshll.u32 s5, $0xF;
	s1 =	ssub.s32 s1, s8  }
0x9: {  	s28 =	sor.u32 s26, s6;
	s30 =	smax.u32 s1, $0x1;
	[dreg:$0x3] =	wrdreg s5  }
0xa: {  	s2 =	sor.u32 s4, s29;
	s31 =	sor.u32 $0x800, s5;
	[dreg:$0x7] =	wrdreg s30  }
0xb: {  	s6 =	sshrl.u32 s28, $0x3;
	s2 =	sshrl.u32 s2, $0x3;
	[dreg:$0x8] =	wrdreg s31  }
0xc: {  	s0 =	sadd.s32 s6, s0;
	s6 =	sadd.s32 $0x20400, s7;
	s2 =	sadd.s32 s3, s2  }
0xd: {  	s7 =	sadd.s32 s5, s6;
	[dreg:$0x5] =	wrdreg s2  }
0xe: {  	s0 =	sadd.s32 $0x320400, s0;
	[dreg:$0x4] =	wrdreg s7  }
0xf: {  	s19 =	simm.s32 $0x3;
	s20 =	simm.s32 $0x19000;
	v0 =	vimm.f32 $0.0e+00;
	v63 =	vimm.f32 $1.000000000e+00;
	[dreg:$0x6] =	wrdreg s0  }
.LBB2_1:
0x10: {  	[dreg:$0x2] =	wrdreg s9;
	s0 =	simm.s32 $0x40;
	s1 =	simm.s32 $0x0  }
.LBB2_2:
0x11: {  	p0 =	sne.s32 s0, $0x97C0;
	[tilespmem:s1+$0x19000] =	vst v0;
	s1 =	smov.u32 s0;
	s0 =	sadd.s32 $0x40, s0  }
.Ltmp0:
0x12: {  	(pc) =	sbr.rel @p0 .LBB2_2-.Ltmp0, $2  }
0x13: {  	_ =	sdelay $0x2  }
0x14: {  	s1 =	sshra.s32 s1, $0x2  }
0x15: {  	s24 =	simm.s32 $0x0;
	s0 =	rddreg [dreg:$0x4]  }
0x16: {  	[tilespmem:s1+$0x19000] =	vst v0;
	s28 =	simm.s32 $0x4000;
	s2 =	simm.s32 $0x200000;
	s29 =	rddreg [dreg:$0x5]  }
0x17: {  	[tilespmem:s24], [sflag:$0x1] =	stream.strided.gather [hbm4b:s0+s28], $0xC000, s2, s28, $0x38;
	[tilespmem:$0x1B600] =	vst v63  }
0x18: {  	s30 =	simm.s32 $0x80;
	s31 =	simm.s32 $0x200;
	s5 =	simm.s32 $0x18000  }
0x19: {  	[tilespmem:s5], [sflag:$0x3] =	stream.strided.gather [hbm4b:s29+s30], $0x800, s31, s30, $0x38;
	[tilespmem:$0x1B600] =	vst v63  }
.LBB2_4:
0x1a: {  	s25 =	sshll.u32 s24, $0xC;
	s0 =	rddreg [dreg:$0x8]  }
0x1b: {  	s2 =	simm.s32 $0x4000;
	s5 =	simm.s32 $0x200000;
	s0 =	sor.u32 s0, s25  }
0x1c: {  	s7 =	simm.s32 $0xC000;
	s1 =	sadd.s32 s0, s6;
	s0 =	sshll.u32 s0, $0x2  }
0x1d: {  	[tilespmem:s7], [sflag:$0x2] =	stream.strided.gather [hbm4b:s1+s2], $0xC000, s5, s2, $0x38;
	[tilespmem:$0x1B600] =	vst v63  }
0x1e: {  	s0 =	sor.u32 s4, s0  }
0x1f: {  	s22 =	simm.s32 $0x80;
	s0 =	sshrl.u32 s0, $0x3  }
0x20: {  	s23 =	simm.s32 $0x200;
	s26 =	simm.s32 $0x18800;
	s0 =	sadd.s32 s3, s0  }
0x21: {  	[tilespmem:s26], [sflag:$0x4] =	stream.strided.gather [hbm4b:s0+s22], $0x800, s23, s22, $0x38;
	[tilespmem:$0x1B600] =	vst v63  }
0x22: {  	s26 =	simm.s32 $0x1  }
0x23: {  	_ =	swait.ge [sflag:s26], $0xC000  }
0x24: {  	[sflag:s26] =	ssyncset.done $0x0  }
0x25: {  	s28 =	simm.s32 $0xFFFFFFFA;
	s29 =	simm.s32 $0x4;
	[sflag:s26] =	ssyncadd.s32 $0xFFFF4000  }
0x26: {  	s30 =	simm.s32 $0x2;
	s31 =	simm.s32 $0x18030;
	_ =	swait.ge [sflag:s19], $0x800  }
0x27: {  	s1 =	simm.s32 $0x2;
	s7 =	simm.s32 $0x0;
	[sflag:s19] =	ssyncset.done $0x0  }
0x28: {  	s0 =	simm.s32 $0x0;
	s22 =	simm.s32 $0x0;
	[sflag:s19] =	ssyncadd.s32 $0xFFFFF800  }
.LBB2_5:
0x29: {  	s8 =	sand.u32 $0x60, s0;
	s5 =	sand.u32 $0x3C00, s7  }
0x2a: {  	s9 =	sor.u32 s8, s5  }
0x2b: {  	v0 =	vld [tilespmem:s9+$0x0]  }
0x2c: {  	v2 =	vld [tilespmem:s9+$0x80]  }
0x2d: {  	s2 =	sand.u32 $0x3, s22;
	v3 =	vld [tilespmem:s9+$0x100]  }
0x2e: {  	s2 =	sshll.u32 s2, $0x5;
	v4 =	vld [tilespmem:s9+$0x180]  }
0x2f: {  	v5 =	vld [tilespmem:s9+$0x200];
	s2 =	sadd.s32 s2, s7  }
0x30: {  	v6 =	vld [tilespmem:s9+$0x280];
	s12 =	sor.u32 $0x300, s2;
	v0 =	vmul.f32 $1.442695020e+00, v0  }
0x31: {  	s9 =	sor.u32 $0x4000, s5;
	s10 =	sor.u32 $0x380, s2;
	v7 =	vld [tilespmem:s12+$0x0];
	v2 =	vmul.f32 $1.442695020e+00, v2  }
0x32: {  	s11 =	sor.u32 s8, s9;
	v32 =	vld [tilespmem:s10+$0x0];
	s10 =	sor.u32 $0x4080, s5;
	v31 =	vmul.f32 $1.442695020e+00, v3;
	(erf) = vpow2.f32 v0  }
0x33: {  	s21 =	sor.u32 $0x4100, s5;
	v34 =	vld [tilespmem:s11+$0x0];
	s13 =	sor.u32 s8, s10;
	v33 =	vmul.f32 $1.442695020e+00, v4;
	(erf) = vpow2.f32 v2  }
0x34: {  	s23 =	sor.u32 $0x4180, s5;
	s14 =	sor.u32 s8, s21;
	v36 =	vld [tilespmem:s13+$0x0];
	v35 =	vmul.f32 $1.442695020e+00, v5;
	(erf) = vpow2.f32 v31  }
0x35: {  	s17 =	sor.u32 $0x4200, s5;
	s15 =	sor.u32 s8, s23;
	v38 =	vld [tilespmem:s14+$0x0];
	v37 =	vmul.f32 $1.442695020e+00, v6;
	(erf) = vpow2.f32 v33  }
0x36: {  	s18 =	sor.u32 $0x4280, s5;
	s16 =	sor.u32 s8, s17;
	v40 =	vld [tilespmem:s15+$0x0];
	v39 =	vmul.f32 $1.442695020e+00, v7;
	(erf) = vpow2.f32 v35  }
0x37: {  	v42 =	vld [tilespmem:s16+$0x0];
	s16 =	sor.u32 $0x4300, s5;
	s12 =	sor.u32 s8, s18;
	v41 =	vmul.f32 $1.442695020e+00, v32;
	(erf) = vpow2.f32 v37  }
0x38: {  	s11 =	sor.u32 $0x4380, s5;
	v44 =	vld [tilespmem:s12+$0x0];
	s12 =	sor.u32 s8, s16;
	v43 =	vmul.f32 $1.442695020e+00, v34;
	(erf) = vpow2.f32 v39  }
0x39: {  	v8 =	vld [tilespmem:s12+$0x0];
	s13 =	sor.u32 s8, s11;
	v5 =	vmul.f32 $1.442695020e+00, v36;
	(erf) = vpow2.f32 v41  }
0x3a: {  	v46 =	vld [tilespmem:s13+$0x0];
	v45 =	vmul.f32 $1.442695020e+00, v38;
	(erf) = vpow2.f32 v43  }
0x3b: {  	s12 =	sor.u32 $0x8000, s5;
	v47 =	vmul.f32 $1.442695020e+00, v40;
	v2 =	vpop (erf);
	(erf) = vpow2.f32 v5  }
0x3c: {  	s15 =	sor.u32 s8, s12;
	s13 =	sor.u32 $0x8080, s5;
	v48 =	vmul.f32 $1.442695020e+00, v42;
	v39 =	vpop (erf);
	(erf) = vpow2.f32 v45  }
0x3d: {  	v49 =	vld [tilespmem:s15+$0x0];
	s14 =	sor.u32 s8, s13;
	v4 =	vmul.f32 $1.442695020e+00, v44;
	v35 =	vpop (erf);
	(erf) = vpow2.f32 v47  }
0x3e: {  	s15 =	sor.u32 $0x8100, s5;
	v50 =	vld [tilespmem:s14+$0x0];
	v51 =	vmul.f32 $1.442695020e+00, v8;
	v28 =	vpop (erf);
	(erf) = vpow2.f32 v48  }
0x3f: {  	s14 =	sor.u32 s8, s15;
	v52 =	vmul.f32 $1.442695020e+00, v46;
	v25 =	vpop (erf);
	(erf) = vpow2.f32 v4  }
0x40: {  	v53 =	vld [tilespmem:s14+$0x0];
	v17 =	vpop (erf);
	(erf) = vpow2.f32 v51  }
0x41: {  	v36 =	vpop (erf);
	(erf) = vpow2.f32 v52  }
0x42: {  	v59 =	vmul.f32 $1.442695020e+00, v49;
	v37 =	vpop (erf)  }
0x43: {  	v60 =	vmul.f32 $1.442695020e+00, v50;
	v38 =	vpop (erf)  }
0x44: {  	(erf) = vpow2.f32 v59;
	v49 =	vpop (erf)  }
0x45: {  	v61 =	vmul.f32 $1.442695020e+00, v53;
	(erf) = vpow2.f32 v60;
	v56 =	vpop (erf)  }
0x46: {  	v41 =	vpop (erf)  }
0x47: {  	v33 =	vpop (erf);
	(erf) = vpow2.f32 v61  }
0x48: {  	v62 =	vadd.f32 v39, v2;
	v16 =	vadd.f32 v28, v35;
	v8 =	vpop (erf)  }
0x49: {  	v18 =	vadd.f32 v17, v25;
	v19 =	vadd.f32 v37, v36;
	v9 =	vpop (erf)  }
0x4a: {  	v20 =	vadd.f32 v49, v38;
	v10 =	vadd.f32 v41, v56;
	v3 =	vpop (erf)  }
0x4b: {  	v11 =	vadd.f32 v8, v33;
	v12 =	vadd.f32 v3, v9  }
0x4c: {  	v0 =	vadd.f32 v16, v62;
	v21 =	vadd.f32 v19, v18  }
0x4d: {  	s8 =	sor.u32 $0x10, s8;
	v22 =	vadd.f32 v10, v20;
	v31 =	vpop (erf);
	v23 =	vadd.f32 v12, v11  }
0x4e: {  	s5 =	sor.u32 s8, s5;
	v0 =	vadd.f32 v21, v0;
	v29 =	vpop (erf)  }
0x4f: {  	v27 =	vld [tilespmem:s5+$0x0];
	v24 =	vadd.f32 v29, v31;
	v26 =	vadd.f32 v23, v22  }
0x50: {  	v30 =	vld [tilespmem:s5+$0x80];
	v32 =	vpop (erf)  }
0x51: {  	v34 =	vld [tilespmem:s5+$0x100];
	v7 =	vadd.f32 v32, v24;
	v0 =	vadd.f32 v26, v0  }
0x52: {  	v40 =	vld [tilespmem:s5+$0x180]  }
0x53: {  	s2 =	sadd.s32 $0x10, s2;
	v42 =	vld [tilespmem:s5+$0x200];
	v0 =	vadd.f32 v7, v0  }
0x54: {  	s14 =	sor.u32 $0x300, s2;
	v43 =	vld [tilespmem:s5+$0x280];
	v5 =	vmul.f32 $1.442695020e+00, v27  }
0x55: {  	s2 =	sor.u32 $0x380, s2;
	v44 =	vld [tilespmem:s14+$0x0];
	v45 =	vmul.f32 $1.442695020e+00, v30;
	(erf) = vrcp.f32 v0  }
0x56: {  	s9 =	sor.u32 s8, s9;
	v46 =	vld [tilespmem:s2+$0x0];
	v4 =	vmul.f32 $1.442695020e+00, v34;
	(erf) = vpow2.f32 v5  }
0x57: {  	s14 =	sor.u32 s8, s10;
	v47 =	vld [tilespmem:s9+$0x0];
	v48 =	vmul.f32 $1.442695020e+00, v40;
	(erf) = vpow2.f32 v45  }
0x58: {  	s21 =	sor.u32 s8, s21;
	v50 =	vld [tilespmem:s14+$0x0];
	v51 =	vmul.f32 $1.442695020e+00, v42;
	(erf) = vpow2.f32 v4  }
0x59: {  	s23 =	sor.u32 s8, s23;
	v53 =	vmul.f32 $1.442695020e+00, v43;
	v52 =	vld [tilespmem:s21+$0x0];
	(erf) = vpow2.f32 v48  }
0x5a: {  	v13 =	vld [tilespmem:s23+$0x0];
	v54 =	vmul.f32 $1.442695020e+00, v44;
	s5 =	sor.u32 s8, s17;
	(erf) = vpow2.f32 v51  }
0x5b: {  	v55 =	vld [tilespmem:s5+$0x0];
	s9 =	sor.u32 s8, s18;
	v16 =	vmul.f32 $1.442695020e+00, v46;
	(erf) = vpow2.f32 v53  }
0x5c: {  	s10 =	sor.u32 s8, s16;
	v18 =	vld [tilespmem:s9+$0x0];
	v19 =	vmul.f32 $1.442695020e+00, v47;
	(erf) = vpow2.f32 v54  }
0x5d: {  	s11 =	sor.u32 s8, s11;
	v21 =	vmul.f32 $1.442695020e+00, v50;
	v20 =	vld [tilespmem:s10+$0x0];
	(erf) = vpow2.f32 v16  }
0x5e: {  	v22 =	vld [tilespmem:s11+$0x0];
	v23 =	vmul.f32 $1.442695020e+00, v52;
	v11 =	vpop (erf);
	(erf) = vpow2.f32 v19  }
0x5f: {  	v24 =	vmul.f32 $1.442695020e+00, v13;
	v61 =	vpop (erf);
	(erf) = vpow2.f32 v21  }
0x60: {  	s12 =	sor.u32 s8, s12;
	v26 =	vmul.f32 $1.442695020e+00, v55;
	v59 =	vpop (erf);
	(erf) = vpow2.f32 v23  }
0x61: {  	s13 =	sor.u32 s8, s13;
	v27 =	vld [tilespmem:s12+$0x0];
	v30 =	vmul.f32 $1.442695020e+00, v18;
	v60 =	vpop (erf);
	(erf) = vpow2.f32 v24  }
0x62: {  	v34 =	vld [tilespmem:s13+$0x0];
	v43 =	vmul.f32 $1.442695020e+00, v20;
	v42 =	vpop (erf);
	(erf) = vpow2.f32 v26  }
0x63: {  	s14 =	sor.u32 s8, s15;
	v45 =	vmul.f32 $1.442695020e+00, v22;
	v47 =	vpop (erf);
	(erf) = vpow2.f32 v30  }
0x64: {  	v46 =	vld [tilespmem:s14+$0x0];
	v53 =	vpop (erf);
	(erf) = vpow2.f32 v43  }
0x65: {  	v51 =	vpop (erf);
	(erf) = vpow2.f32 v45  }
0x66: {  	v57 =	vmul.f32 $1.442695020e+00, v27;
	v55 =	vpop (erf)  }
0x67: {  	v58 =	vmul.f32 $1.442695020e+00, v34;
	v27 =	vpop (erf)  }
0x68: {  	(erf) = vpow2.f32 v57;
	v24 =	vpop (erf)  }
0x69: {  	v62 =	vmul.f32 $1.442695020e+00, v46;
	(erf) = vpow2.f32 v58;
	v23 =	vpop (erf)  }
0x6a: {  	v21 =	vpop (erf)  }
0x6b: {  	v20 =	vpop (erf);
	(erf) = vpow2.f32 v62  }
0x6c: {  	v1 =	vadd.f32 v59, v61;
	v22 =	vadd.f32 v42, v60;
	v19 =	vpop (erf)  }
0x6d: {  	v26 =	vadd.f32 v53, v47;
	v30 =	vadd.f32 v55, v51;
	v4 =	vpop (erf)  }
0x6e: {  	v34 =	vadd.f32 v24, v27;
	v14 =	vadd.f32 v21, v23;
	v13 =	vpop (erf)  }
0x6f: {  	s16 =	sadd.s32 $0x100, s7;
	s15 =	sadd.s32 $0x20, s0;
	v15 =	vadd.f32 v19, v20;
	v16 =	vadd.f32 v13, v4  }
0x70: {  	s2 =	sand.u32 $0x60, s15;
	s17 =	sand.u32 $0x7C00, s16;
	v5 =	vadd.f32 v22, v1;
	v44 =	vadd.f32 v30, v26  }
0x71: {  	s2 =	sor.u32 s2, s17;
	v45 =	vadd.f32 v14, v34;
	v40 =	vpop (erf);
	v46 =	vadd.f32 v16, v15  }
0x72: {  	v50 =	vld [tilespmem:s2+$0x0];
	v6 =	vadd.f32 v44, v5;
	v7 =	vpop (erf)  }
0x73: {  	v18 =	vld [tilespmem:s2+$0x280];
	v48 =	vadd.f32 v7, v40;
	v10 =	vadd.f32 v46, v45  }
0x74: {  	v52 =	vld [tilespmem:s2+$0x80];
	v5 =	vpop (erf)  }
0x75: {  	s18 =	sand.u32 $0x3, s26;
	v54 =	vld [tilespmem:s2+$0x100];
	v14 =	vadd.f32 v5, v48;
	v6 =	vadd.f32 v10, v6  }
0x76: {  	s9 =	sshll.u32 s18, $0x5;
	v57 =	vld [tilespmem:s2+$0x180]  }
0x77: {  	s5 =	sadd.s32 s9, s16;
	v58 =	vld [tilespmem:s2+$0x200];
	v6 =	vadd.f32 v14, v6  }
0x78: {  	s9 =	sor.u32 $0x300, s5;
	v12 =	vmul.f32 $1.442695020e+00, v50;
	v43 =	vmul.f32 $1.442695020e+00, v18;
	v44 =	vld [tilespmem:s2+$0x4100]  }
0x79: {  	s5 =	sor.u32 $0x380, s5;
	v0 =	vld [tilespmem:s9+$0x0];
	v62 =	vmul.f32 $1.442695020e+00, v52;
	(erf) = vrcp.f32 v6  }
0x7a: {  	v1 =	vld [tilespmem:s5+$0x0];
	v10 =	vmul.f32 $1.442695020e+00, v54;
	(erf) = vpow2.f32 v12  }
0x7b: {  	v26 =	vld [tilespmem:s2+$0x4000];
	v22 =	vmul.f32 $1.442695020e+00, v57;
	(erf) = vpow2.f32 v62  }
0x7c: {  	v30 =	vmul.f32 $1.442695020e+00, v58;
	v34 =	vld [tilespmem:s2+$0x4080];
	(erf) = vpow2.f32 v10  }
0x7d: {  	v58 =	vmul.f32 $1.442695020e+00, v44;
	v46 =	vld [tilespmem:s2+$0x4180];
	(erf) = vpow2.f32 v22  }
0x7e: {  	v50 =	vld [tilespmem:s2+$0x4200];
	v45 =	vmul.f32 $1.442695020e+00, v0;
	(erf) = vpow2.f32 v30  }
0x7f: {  	v48 =	vmul.f32 $1.442695020e+00, v1;
	v22 =	vld [tilespmem:s2+$0x4280];
	(erf) = vpow2.f32 v43  }
0x80: {  	v16 =	vmul.f32 $1.442695020e+00, v26;
	(erf) = vpow2.f32 v45  }
0x81: {  	v52 =	vmul.f32 $1.442695020e+00, v34;
	(erf) = vpow2.f32 v48  }
0x82: {  	v54 =	vld [tilespmem:s2+$0x4300];
	v1 =	vmul.f32 $1.442695020e+00, v46;
	v10 =	vpop (erf);
	(erf) = vpow2.f32 v16  }
0x83: {  	v0 =	vld [tilespmem:s2+$0x4380];
	v12 =	vmul.f32 $1.442695020e+00, v50;
	v62 =	vpop (erf);
	(erf) = vpow2.f32 v52  }
0x84: {  	v30 =	vmul.f32 $1.442695020e+00, v22;
	v15 =	vpop (erf);
	(erf) = vpow2.f32 v58  }
0x85: {  	v43 =	vld [tilespmem:s2+$0x8080];
	v58 =	vpop (erf);
	(erf) = vpow2.f32 v1  }
0x86: {  	v26 =	vld [tilespmem:s2+$0x8000];
	v50 =	vpop (erf);
	(erf) = vpow2.f32 v12  }
0x87: {  	v52 =	vmul.f32 $1.442695020e+00, v54;
	v34 =	vpop (erf)  }
0x88: {  	v54 =	vmul.f32 $1.442695020e+00, v0;
	v0 =	vld [tilespmem:s2+$0x8100];
	(erf) = vpow2.f32 v30;
	v30 =	vpop (erf)  }
0x89: {  	v57 =	vpop (erf)  }
0x8a: {  	v16 =	vmul.f32 $1.442695020e+00, v43;
	v46 =	vpop (erf)  }
0x8b: {  	v1 =	vmul.f32 $1.442695020e+00, v26;
	(erf) = vpow2.f32 v52;
	v43 =	vpop (erf)  }
0x8c: {  	(erf) = vpow2.f32 v54;
	v45 =	vpop (erf)  }
0x8d: {  	v18 =	vmul.f32 $1.442695020e+00, v0;
	(erf) = vpow2.f32 v1;
	v44 =	vpop (erf)  }
0x8e: {  	(erf) = vpow2.f32 v16;
	v22 =	vpop (erf)  }
0x8f: {  	v26 =	vpop (erf);
	(erf) = vpow2.f32 v18;
	_ =	sdelay $0x2  }
0x90: {  	v6 =	vadd.f32 v15, v62;
	v12 =	vadd.f32 v50, v58;
	[tilespmem:$0x1F970] =	vst v22  }
0x91: {  	v14 =	vadd.f32 v30, v34;
	[tilespmem:$0x1F980] =	vst v26;
	v1 =	vpop (erf)  }
0x92: {  	v6 =	vadd.f32 v12, v6;
	v16 =	vadd.f32 v46, v57;
	[tilespmem:$0x1F990] =	vst v1;
	v52 =	vpop (erf)  }
0x93: {  	v18 =	vadd.f32 v45, v43;
	v22 =	vadd.f32 v22, v44;
	[tilespmem:$0x1F9A0] =	vst v52;
	v48 =	vpop (erf)  }
0x94: {  	s23 =	sadd.s32 $0x180, s7;
	s21 =	sadd.s32 $0x30, s0;
	v26 =	vadd.f32 v1, v26;
	[tilespmem:$0x1F9B0] =	vst v48;
	v48 =	vadd.f32 v48, v52;
	v54 =	vpop (erf)  }
0x95: {  	s5 =	sand.u32 $0x7C00, s23;
	s2 =	sand.u32 $0x70, s21;
	v0 =	vadd.f32 v16, v14;
	v22 =	vadd.f32 v22, v18;
	[tilespmem:$0x1F9C0] =	vst v54;
	v1 =	vpop (erf)  }
0x96: {  	s5 =	sor.u32 s2, s5;
	v48 =	vadd.f32 v48, v26;
	[tilespmem:$0x1F9D0] =	vst v1;
	v52 =	vadd.f32 v1, v54;
	v1 =	vpop (erf)  }
0x97: {  	v6 =	vadd.f32 v0, v6;
	v0 =	vld [tilespmem:s5+$0x0];
	[tilespmem:$0x1F9E0] =	vst v1  }
0x98: {  	v54 =	vadd.f32 v48, v22;
	v22 =	vld [tilespmem:s5+$0x80]  }
0x99: {  	v26 =	vld [tilespmem:s5+$0x100]  }
0x9a: {  	v12 =	vmul.f32 $2.550000000e+02, v11;
	v16 =	vadd.f32 v1, v52;
	v6 =	vadd.f32 v54, v6;
	v48 =	vld [tilespmem:s5+$0x180]  }
0x9b: {  	v54 =	vld [tilespmem:s5+$0x280]  }
0x9c: {  	v2 =	vmul.f32 v12, v2;
	v8 =	vmul.f32 v12, v8;
	v11 =	vld [tilespmem:s31+$0xFFFFFFD0];
	v6 =	vadd.f32 v16, v6  }
0x9d: {  	v9 =	vmul.f32 v12, v9;
	v14 =	vmul.f32 $1.442695020e+00, v0  }
0x9e: {  	v3 =	vmul.f32 v12, v3;
	(erf) = vrcp.f32 v6  }
0x9f: {  	s10 =	sand.u32 $0x7, s30;
	v6 =	vld [tilespmem:s5+$0x200];
	(erf) = vpow2.f32 v14;
	v52 =	vmul.f32 $1.442695020e+00, v22  }
0xa0: {  	s2 =	sshll.u32 s10, $0x4;
	v18 =	vmul.f32 $1.442695020e+00, v26;
	v26 =	vmul.f32 $1.442695020e+00, v48  }
0xa1: {  	s2 =	sadd.s32 s7, s2;
	v22 =	vmul.f32 $1.442695020e+00, v54;
	vm0 =	veq.s32 v11, $0x0;
	v54 =	vmul.f32 v12, v39  }
0xa2: {  	s2 =	sadd.s32 $0x190, s2;
	v48 =	vld [tilespmem:s5+$0x300];
	vm12 =	veq.s32 v11, $0x1;
	vm13 =	veq.s32 v11, $0x2;
	vm14 =	veq.s32 v11, $0x3  }
0xa3: {  	s2 =	sor.u32 $0x300, s2;
	vm15 =	veq.s32 v11, $0x4;
	vm4 =	veq.s32 v11, $0x5;
	(erf) = vpow2.f32 v52  }
0xa4: {  	vm5 =	veq.s32 v11, $0x6;
	(erf) = vpow2.f32 v18;
	v18 =	vld [tilespmem:s2+$0x0];
	v6 =	vmul.f32 $1.442695020e+00, v6  }
0xa5: {  	vm1 =	veq.s32 v11, $0x7;
	v52 =	vadd.f32 $5.000000000e-01, v2;
	(erf) = vpow2.f32 v26  }
0xa6: {  	v2 =	vsub.f32 $5.119500000e+03, v2;
	v26 =	vld [tilespmem:s5+$0x4000];
	(erf) = vpow2.f32 v6;
	v6 =	vsub.f32 $5.375500000e+03, v54  }
0xa7: {  	v39 =	vld [tilespmem:s5+$0x4080];
	(erf) = vpow2.f32 v22;
	v22 =	vmul.f32 $1.442695020e+00, v48;
	v48 =	vadd.f32 $2.565000000e+02, v54  }
0xa8: {  	vm6 =	veq.s32 v11, $0x8;
	v2 =	vsel vm0, v2, v52;
	v54 =	vmul.f32 v12, v35  }
0xa9: {  	v52 =	vmul.f32 $1.442695020e+00, v18;
	v18 =	vld [tilespmem:s5+$0x4100];
	(erf) = vpow2.f32 v22;
	v6 =	vsel vm12, v6, v48  }
0xaa: {  	[tilespmem:$0x1FA50] =	vst v2;
	v22 =	vld [tilespmem:s5+$0x4180];
	v48 =	vadd.f32 $5.125000000e+02, v54;
	v2 =	vsub.f32 $5.631500000e+03, v54;
	v54 =	vmul.f32 v12, v28  }
0xab: {  	vm7 =	veq.s32 v11, $0x9;
	v35 =	vmul.f32 $1.442695020e+00, v26;
	(erf) = vpow2.f32 v52  }
0xac: {  	v26 =	vld [tilespmem:s5+$0x4200];
	v52 =	vmul.f32 $1.442695020e+00, v39;
	v2 =	vsel vm13, v2, v48;
	v48 =	vadd.f32 $7.685000000e+02, v54  }
0xad: {  	[tilespmem:$0x1FA60] =	vst v6;
	v6 =	vsub.f32 $5.887500000e+03, v54;
	v54 =	vmul.f32 v12, v25;
	(erf) = vpow2.f32 v35;
	v35 =	vld [tilespmem:s5+$0x4280]  }
0xae: {  	vm8 =	veq.s32 v11, $0xA;
	(erf) = vpow2.f32 v52;
	v39 =	vmul.f32 $1.442695020e+00, v18  }
0xaf: {  	vm9 =	veq.s32 v11, $0xB;
	v52 =	vmul.f32 $1.442695020e+00, v22;
	v18 =	vld [tilespmem:s5+$0x4300];
	v22 =	vmul.f32 v12, v36  }
0xb0: {  	vm10 =	veq.s32 v11, $0xC;
	v25 =	vld [tilespmem:s5+$0x4380];
	v36 =	vmul.f32 v12, v38;
	(erf) = vpow2.f32 v39  }
0xb1: {  	[tilespmem:$0x1FA70] =	vst v2;
	v2 =	vpop (erf);
	v1 =	vmul.f32 $1.442695020e+00, v26;
	v26 =	vadd.f32 $1.024500000e+03, v54;
	(erf) = vpow2.f32 v52  }
0xb2: {  	v6 =	vsel vm14, v6, v48;
	v48 =	vmul.f32 $1.442695020e+00, v35;
	v52 =	vmul.f32 v12, v17  }
0xb3: {  	v28 =	vpop (erf);
	v39 =	vsub.f32 $6.143500000e+03, v54;
	v16 =	vadd.f32 $1.536500000e+03, v22;
	(erf) = vpow2.f32 v1  }
0xb4: {  	[tilespmem:$0x1FA80] =	vst v6;
	v35 =	vpop (erf);
	v54 =	vmul.f32 $1.442695020e+00, v18;
	v0 =	vadd.f32 $1.280500000e+03, v52;
	v6 =	vsub.f32 $6.399500000e+03, v52  }
0xb5: {  	v14 =	vsel vm15, v39, v26;
	v1 =	vmul.f32 $1.442695020e+00, v25;
	v25 =	vmul.f32 v12, v37;
	v26 =	vpop (erf)  }
0xb6: {  	[tilespmem:$0x1FA90] =	vst v14;
	(erf) = vpow2.f32 v48;
	v14 =	vsub.f32 $6.655500000e+03, v22;
	v18 =	vld [tilespmem:s5+$0x8000];
	v48 =	vpop (erf);
	v6 =	vsel vm4, v6, v0  }
0xb7: {  	vm13 =	veq.s32 v11, $0xF;
	v22 =	vadd.f32 $1.792500000e+03, v25;
	v52 =	vpop (erf);
	[tilespmem:$0x1FAA0] =	vst v6;
	v6 =	vsub.f32 $6.911500000e+03, v25  }
0xb8: {  	v17 =	vsub.f32 $7.167500000e+03, v36;
	[tilespmem:$0x1F9F0] =	vst v26;
	(erf) = vpow2.f32 v54;
	v25 =	vadd.f32 $2.048500000e+03, v36;
	v54 =	vpop (erf)  }
0xb9: {  	v14 =	vsel vm5, v14, v16;
	[tilespmem:$0x1FA00] =	vst v48;
	(erf) = vpow2.f32 v1;
	v0 =	vpop (erf);
	v6 =	vsel vm1, v6, v22  }
0xba: {  	v37 =	vsel vm6, v17, v25;
	v17 =	vadd.f32 v35, v28;
	v22 =	vadd.f32 v48, v26;
	v1 =	vpop (erf);
	[tilespmem:$0x1FAC0] =	vst v6;
	v6 =	vld [tilespmem:s5+$0x8080]  }
0xbb: {  	[tilespmem:$0x1FAB0] =	vst v14;
	v18 =	vmul.f32 $1.442695020e+00, v18;
	v25 =	vadd.f32 v54, v52;
	v39 =	vpop (erf);
	v26 =	vadd.f32 v1, v0  }
0xbc: {  	v14 =	vld [tilespmem:s5+$0x8100];
	v48 =	vmul.f32 v12, v49;
	v49 =	vmul.f32 v12, v33;
	[tilespmem:$0x1FA30] =	vst v0;
	v17 =	vadd.f32 v22, v17;
	v38 =	vpop (erf)  }
0xbd: {  	[tilespmem:$0x1FAD0] =	vst v37;
	v37 =	vpop (erf);
	v0 =	vadd.f32 v38, v39;
	(erf) = vpow2.f32 v18;
	v18 =	vadd.f32 v26, v25  }
0xbe: {  	v25 =	vadd.f32 $2.304500000e+03, v48;
	v26 =	vsub.f32 $7.423500000e+03, v48;
	v48 =	vmul.f32 v12, v56;
	v36 =	vpop (erf)  }
0xbf: {  	[tilespmem:$0x1FA40] =	vst v1;
	v16 =	vpop (erf);
	v1 =	vadd.f32 v36, v37;
	v6 =	vmul.f32 $1.442695020e+00, v6;
	v17 =	vadd.f32 v18, v17  }
0xc0: {  	[tilespmem:$0x1FA10] =	vst v52;
	v25 =	vsel vm7, v26, v25;
	v18 =	vsub.f32 $8.191500000e+03, v49;
	v26 =	vadd.f32 $3.840500000e+03, v3;
	v52 =	vpop (erf)  }
0xc1: {  	[tilespmem:$0x1FA20] =	vst v54;
	v14 =	vmul.f32 $1.442695020e+00, v14;
	v3 =	vsub.f32 $8.959500000e+03, v3;
	v22 =	vadd.f32 v1, v0;
	v54 =	vpop (erf)  }
0xc2: {  	(erf) = vpow2.f32 v6;
	v1 =	vadd.f32 $2.560500000e+03, v48;
	v48 =	vsub.f32 $7.679500000e+03, v48;
	v56 =	vpop (erf)  }
0xc3: {  	v6 =	vadd.f32 v52, v16;
	(erf) = vpow2.f32 v14;
	v0 =	vadd.f32 v56, v54  }
0xc4: {  	s11 =	sand.u32 $0x780, s0;
	v14 =	vsel vm8, v48, v1;
	v48 =	vmul.f32 v12, v41;
	v1 =	vadd.f32 $3.072500000e+03, v49  }
0xc5: {  	s2 =	sor.u32 s8, s11;
	v3 =	vsel vm13, v3, v26;
	v41 =	vadd.f32 $3.328500000e+03, v8;
	v8 =	vsub.f32 $8.447500000e+03, v8  }
0xc6: {  	vm11 =	veq.s32 v11, $0xD;
	[tilespmem:$0x1FB40] =	vst v3;
	v3 =	vld [tilespmem:s2+$0x18000];
	v6 =	vadd.f32 v0, v6;
	v0 =	vadd.f32 $2.816500000e+03, v48  }
0xc7: {  	vm12 =	veq.s32 v11, $0xE;
	[tilespmem:$0x1FAF0] =	vst v14;
	v14 =	vsub.f32 $7.935500000e+03, v48;
	v48 =	vadd.f32 $3.584500000e+03, v9  }
0xc8: {  	vm14 =	veq.s32 v11, $0x10;
	v9 =	vsub.f32 $8.703500000e+03, v9;
	v6 =	vadd.f32 v6, v22  }
0xc9: {  	vm15 =	veq.s32 v11, $0x11;
	vm4 =	veq.s32 v11, $0x12;
	v33 =	vsel vm10, v18, v1  }
0xca: {  	v8 =	vsel vm11, v8, v41;
	v14 =	vsel vm9, v14, v0;
	v9 =	vsel vm12, v9, v48  }
0xcb: {  	v48 =	vmul.f32 v12, v31;
	vm5 =	veq.s32 v3, $0x0;
	vm6 =	veq.s32 v3, $0x1  }
0xcc: {  	vm7 =	veq.s32 v3, $0x2;
	vm8 =	veq.s32 v3, $0x3;
	[tilespmem:$0x1FB00] =	vst v14;
	v14 =	vadd.f32 v6, v17;
	v6 =	vpop (erf)  }
0xcd: {  	vm9 =	veq.s32 v3, $0x4;
	vm10 =	veq.s32 v3, $0x5;
	[tilespmem:$0x1FB30] =	vst v9;
	v9 =	vmul.f32 $2.550000000e+02, v10;
	v22 =	vpop (erf)  }
0xce: {  	vm11 =	veq.s32 v3, $0x6;
	vm12 =	veq.s32 v3, $0x7;
	v49 =	vadd.f32 v22, v6  }
0xcf: {  	vm13 =	veq.s32 v3, $0x8;
	v1 =	vadd.f32 $4.096500000e+03, v48;
	v26 =	vmul.f32 v9, v59;
	v41 =	vpop (erf)  }
0xd0: {  	s12 =	sadd.s32 $0x40, s0;
	s13 =	sadd.s32 $0x200, s7;
	[tilespmem:$0x1FB10] =	vst v33;
	v24 =	vmul.f32 v9, v24;
	v33 =	vadd.f32 v41, v49;
	v49 =	vmul.f32 v12, v29  }
0xd1: {  	s14 =	sand.u32 $0x7C00, s13;
	s5 =	sand.u32 $0x60, s12;
	[tilespmem:$0x1FB20] =	vst v8;
	v8 =	vsub.f32 $9.215500000e+03, v48;
	v20 =	vmul.f32 v9, v20;
	v12 =	vmul.f32 v12, v32  }
0xd2: {  	s8 =	sor.u32 s5, s14;
	v7 =	vmul.f32 v9, v7;
	v31 =	vadd.f32 $4.352500000e+03, v49;
	v32 =	vsub.f32 $9.471500000e+03, v49  }
0xd3: {  	v29 =	vld [tilespmem:s8+$0x0];
	v48 =	vadd.f32 $4.608500000e+03, v12;
	v12 =	vsub.f32 $9.727500000e+03, v12;
	v49 =	vmul.f32 v9, v61  }
0xd4: {  	v0 =	vld [tilespmem:s8+$0x100];
	v8 =	vsel vm14, v8, v1;
	vm14 =	veq.s32 v3, $0x9;
	v14 =	vadd.f32 v33, v14  }
0xd5: {  	[tilespmem:$0x1FB50] =	vst v8;
	v61 =	vsel vm15, v32, v31;
	v8 =	vsel vm4, v12, v48;
	v1 =	vadd.f32 $5.000000000e-01, v49  }
0xd6: {  	(erf) = vrcp.f32 v14;
	v11 =	vsub.f32 $5.119500000e+03, v49;
	v31 =	vadd.f32 $2.565000000e+02, v26  }
0xd7: {  	[tilespmem:$0x1FAE0] =	vst v25;
	v33 =	vld [tilespmem:s8+$0x80];
	v32 =	vsub.f32 $5.375500000e+03, v26;
	v49 =	vmul.f32 v9, v42;
	v42 =	vmul.f32 v9, v53  }
0xd8: {  	s15 =	sand.u32 $0x3, s1;
	vm15 =	veq.s32 v3, $0xA;
	[tilespmem:$0x1FB60] =	vst v61;
	v25 =	vmul.f32 $1.442695020e+00, v29;
	v29 =	vmul.f32 v9, v60  }
0xd9: {  	s2 =	sshll.u32 s15, $0x5;
	vm4 =	veq.s32 v3, $0xB;
	[tilespmem:$0x1FB70] =	vst v8;
	v8 =	vmul.f32 $1.442695020e+00, v0;
	v61 =	vmul.f32 v9, v51  }
0xda: {  	s2 =	sadd.s32 s2, s13;
	v12 =	vld [tilespmem:s8+$0x180];
	v59 =	vsel vm5, v11, v1;
	v60 =	vsel vm6, v32, v31;
	v31 =	vsub.f32 $5.887500000e+03, v49  }
0xdb: {  	s16 =	sor.u32 $0x300, s2;
	v26 =	vld [tilespmem:s8+$0x280];
	v32 =	vmul.f32 v9, v47;
	v53 =	vadd.f32 $1.280500000e+03, v42;
	vm5 =	veq.s32 v3, $0xC  }
0xdc: {  	v47 =	vld [tilespmem:s16+$0x0];
	v10 =	vmul.f32 $1.442695020e+00, v33;
	v48 =	vadd.f32 $5.125000000e+02, v29;
	v11 =	vsub.f32 $5.631500000e+03, v29  }
0xdd: {  	vm6 =	veq.s32 v3, $0xD;
	(erf) = vpow2.f32 v25;
	v33 =	vld [tilespmem:s8+$0x200];
	v29 =	vadd.f32 $7.685000000e+02, v49  }
0xde: {  	v14 =	vsub.f32 $6.143500000e+03, v32;
	(erf) = vpow2.f32 v10;
	v18 =	vsel vm7, v11, v48  }
0xdf: {  	v12 =	vmul.f32 $1.442695020e+00, v12;
	v48 =	vadd.f32 $1.024500000e+03, v32;
	v10 =	vsub.f32 $6.399500000e+03, v42  }
0xe0: {  	v42 =	vsub.f32 $6.655500000e+03, v61;
	(erf) = vpow2.f32 v8;
	v8 =	vmul.f32 $1.442695020e+00, v26  }
0xe1: {  	s2 =	sor.u32 $0x380, s2;
	vm7 =	veq.s32 v3, $0xE;
	(erf) = vpow2.f32 v12;
	v11 =	vmul.f32 $1.442695020e+00, v47  }
0xe2: {  	v49 =	vld [tilespmem:s2+$0x0];
	v47 =	vmul.f32 v9, v55;
	v17 =	vmul.f32 $1.442695020e+00, v33;
	v33 =	vsel vm8, v31, v29  }
0xe3: {  	[tilespmem:$0x1FB80] =	vst v18;
	v29 =	vsel vm9, v14, v48;
	v31 =	vsel vm10, v10, v53;
	vm8 =	veq.s32 v3, $0xF  }
0xe4: {  	v32 =	vld [tilespmem:s8+$0x4000];
	vm9 =	veq.s32 v3, $0x10;
	[tilespmem:$0x1FB90] =	vst v33;
	v33 =	vadd.f32 $1.536500000e+03, v61;
	v53 =	vadd.f32 $1.792500000e+03, v47  }
0xe5: {  	vm10 =	veq.s32 v3, $0x11;
	[tilespmem:$0x1FBA0] =	vst v29;
	v14 =	vsub.f32 $6.911500000e+03, v47;
	v29 =	vsub.f32 $7.423500000e+03, v24  }
0xe6: {  	v18 =	vld [tilespmem:s8+$0x8000];
	[tilespmem:$0x1FBB0] =	vst v31;
	v31 =	vmul.f32 v9, v23;
	v23 =	vsub.f32 $8.191500000e+03, v20;
	(erf) = vpow2.f32 v17  }
0xe7: {  	v51 =	vld [tilespmem:s8+$0x4080];
	v17 =	vmul.f32 $1.442695020e+00, v49;
	v49 =	vmul.f32 v9, v27;
	v27 =	vadd.f32 $2.304500000e+03, v24  }
0xe8: {  	v24 =	vmul.f32 v9, v19;
	(erf) = vpow2.f32 v8;
	v48 =	vsel vm11, v42, v33  }
0xe9: {  	v55 =	vld [tilespmem:s8+$0x4100];
	v8 =	vmul.f32 $1.442695020e+00, v32;
	v14 =	vsel vm12, v14, v53;
	v33 =	vmul.f32 v9, v21  }
0xea: {  	v47 =	vadd.f32 $2.560500000e+03, v31;
	v21 =	vadd.f32 $3.072500000e+03, v20;
	v20 =	vmul.f32 $2.550000000e+02, v2  }
0xeb: {  	v26 =	vld [tilespmem:s8+$0x4180];
	vm11 =	veq.s32 v3, $0x12;
	v2 =	vmul.f32 $1.442695020e+00, v18;
	(erf) = vpow2.f32 v11  }
0xec: {  	v61 =	vadd.f32 $2.048500000e+03, v49;
	v10 =	vsub.f32 $7.167500000e+03, v49;
	v11 =	vmul.f32 $1.442695020e+00, v51  }
0xed: {  	[tilespmem:$0x1FBD0] =	vst v14;
	v32 =	vsel vm14, v29, v27;
	v14 =	vsub.f32 $7.679500000e+03, v31;
	v29 =	vadd.f32 $3.328500000e+03, v24  }
0xee: {  	(erf) = vpow2.f32 v17;
	v17 =	vmul.f32 $1.442695020e+00, v55;
	v49 =	vadd.f32 $2.816500000e+03, v33  }
0xef: {  	v42 =	vld [tilespmem:s8+$0x4200];
	[tilespmem:$0x1FBF0] =	vst v32;
	v32 =	vsub.f32 $8.447500000e+03, v24;
	v58 =	vmul.f32 v20, v58;
	v57 =	vmul.f32 v20, v57  }
0xf0: {  	v25 =	vsel vm13, v10, v61;
	(erf) = vpow2.f32 v8;
	v10 =	vsub.f32 $7.935500000e+03, v33  }
0xf1: {  	[tilespmem:$0x1FBC0] =	vst v48;
	v48 =	vld [tilespmem:s8+$0x4280];
	v8 =	vmul.f32 $1.442695020e+00, v26;
	v51 =	vsel vm15, v14, v47;
	v26 =	vmul.f32 v9, v4  }
0xf2: {  	v27 =	vld [tilespmem:s8+$0x4380];
	[tilespmem:$0x1FBE0] =	vst v25;
	(erf) = vpow2.f32 v11;
	v25 =	vsel vm5, v23, v21;
	v47 =	vsel vm6, v32, v29  }
0xf3: {  	[tilespmem:$0x1FC00] =	vst v51;
	v51 =	vmul.f32 v9, v5;
	v23 =	vadd.f32 $4.352500000e+03, v7;
	v7 =	vsub.f32 $9.471500000e+03, v7  }
0xf4: {  	v55 =	vld [tilespmem:s8+$0x4300];
	(erf) = vpow2.f32 v17;
	v53 =	vsel vm4, v10, v49;
	v11 =	vmul.f32 $1.442695020e+00, v42  }
0xf5: {  	v33 =	vadd.f32 $3.584500000e+03, v26;
	v42 =	vmul.f32 v9, v13;
	v49 =	vmul.f32 v9, v40  }
0xf6: {  	v31 =	vpop (erf);
	[tilespmem:$0x1FC20] =	vst v25;
	v0 =	vsub.f32 $8.703500000e+03, v26;
	v25 =	vmul.f32 v20, v62;
	(erf) = vpow2.f32 v8  }
0xf7: {  	v40 =	vld [tilespmem:s8+$0x8080];
	v17 =	vmul.f32 $1.442695020e+00, v48;
	v10 =	vmul.f32 $1.442695020e+00, v27;
	v26 =	vsel vm10, v7, v23  }
0xf8: {  	v19 =	vpop (erf);
	v27 =	vld [tilespmem:s31+$0xFFFFFFF0];
	v29 =	vadd.f32 $4.608500000e+03, v51;
	v7 =	vsub.f32 $6.655500000e+03, v57;
	(erf) = vpow2.f32 v11  }
0xf9: {  	v8 =	vmul.f32 $1.442695020e+00, v55;
	v48 =	vadd.f32 $3.840500000e+03, v42;
	v4 =	vsub.f32 $8.959500000e+03, v42  }
0xfa: {  	v61 =	vpop (erf);
	[tilespmem:$0x1FC10] =	vst v53;
	v0 =	vsel vm7, v0, v33;
	v53 =	vadd.f32 $4.096500000e+03, v49;
	v55 =	vsub.f32 $9.215500000e+03, v49  }
0xfb: {  	v42 =	vadd.f32 $5.000000000e-01, v25;
	(erf) = vpow2.f32 v17;
	[tilespmem:$0x1FC40] =	vst v0;
	v0 =	vsel vm8, v4, v48;
	v17 =	vpop (erf)  }
0xfc: {  	[tilespmem:$0x1FC30] =	vst v47;
	v47 =	vld [tilespmem:s8+$0x8100];
	v24 =	vsel vm9, v55, v53;
	v4 =	vsub.f32 $5.119500000e+03, v25;
	v48 =	vadd.f32 v61, v19;
	v21 =	vpop (erf)  }
0xfd: {  	(erf) = vpow2.f32 v8;
	[tilespmem:$0x1FC50] =	vst v0;
	v0 =	vsub.f32 $9.727500000e+03, v51;
	v40 =	vmul.f32 $1.442695020e+00, v40;
	v8 =	vpop (erf)  }
0xfe: {  	[tilespmem:$0x1FC60] =	vst v24;
	v24 =	vmul.f32 v20, v50;
	v50 =	vmul.f32 v20, v30;
	vm12 =	veq.s32 v27, $0x0;
	v9 =	vpop (erf)  }
0xff: {  	vm13 =	veq.s32 v27, $0x1;
	(erf) = vpow2.f32 v10;
	v55 =	vsel vm12, v4, v42;
	v13 =	vpop (erf)  }
0x100: {  	v49 =	vadd.f32 v21, v17;
	v0 =	vsel vm11, v0, v29;
	[tilespmem:$0x1FC90] =	vst v55;
	v55 =	vmul.f32 v20, v15;
	v11 =	vpop (erf)  }
0x101: {  	v42 =	vmul.f32 $1.442695020e+00, v47;
	v51 =	vadd.f32 v9, v8;
	v12 =	vpop (erf);
	v53 =	vadd.f32 v11, v13  }
0x102: {  	v62 =	vadd.f32 v49, v48;
	v5 =	vsub.f32 $5.375500000e+03, v55;
	(erf) = vpow2.f32 v2;
	v10 =	vpop (erf)  }
0x103: {  	v2 =	vsub.f32 $5.631500000e+03, v58;
	v23 =	vpop (erf);
	v33 =	vadd.f32 v53, v51;
	(erf) = vpow2.f32 v40  }
0x104: {  	v47 =	vadd.f32 v10, v12;
	v25 =	vpop (erf);
	(erf) = vpow2.f32 v42;
	v42 =	vadd.f32 $7.685000000e+02, v24  }
0x105: {  	vm14 =	veq.s32 v27, $0x2;
	[tilespmem:$0x1FC80] =	vst v0;
	v32 =	vpop (erf);
	v48 =	vadd.f32 v25, v23;
	v0 =	vadd.f32 v33, v62  }
0x106: {  	vm15 =	veq.s32 v27, $0x3;
	v62 =	vadd.f32 $2.565000000e+02, v55;
	v33 =	vadd.f32 $5.125000000e+02, v58;
	v29 =	vpop (erf)  }
0x107: {  	vm4 =	veq.s32 v27, $0x4;
	v58 =	vadd.f32 $1.280500000e+03, v50;
	v18 =	vpop (erf);
	v49 =	vadd.f32 v29, v32  }
0x108: {  	[tilespmem:$0x1FC70] =	vst v26;
	v53 =	vadd.f32 v48, v47;
	v40 =	vsel vm13, v5, v62;
	v48 =	vmul.f32 v20, v34;
	v26 =	vpop (erf)  }
0x109: {  	v47 =	vsub.f32 $5.887500000e+03, v24;
	v62 =	vmul.f32 v20, v46;
	v51 =	vadd.f32 v26, v18  }
0x10a: {  	s17 =	sadd.s32 $0x50, s0;
	s18 =	sadd.s32 $0x280, s7;
	vm5 =	veq.s32 v27, $0x5;
	[tilespmem:$0x1FCA0] =	vst v40;
	v40 =	vadd.f32 $1.536500000e+03, v57;
	v55 =	vsub.f32 $6.143500000e+03, v48  }
0x10b: {  	s5 =	sand.u32 $0x7C00, s18;
	s2 =	sand.u32 $0x70, s17;
	v46 =	vadd.f32 $1.792500000e+03, v62;
	v3 =	vadd.f32 v51, v49;
	v49 =	vsel vm14, v2, v33  }
0x10c: {  	s21 =	sor.u32 s2, s5;
	vm6 =	veq.s32 v27, $0x6;
	v2 =	vsub.f32 $6.399500000e+03, v50;
	[tilespmem:$0x1FCB0] =	vst v49;
	v49 =	vsub.f32 $6.911500000e+03, v62  }
0x10d: {  	v51 =	vsel vm15, v47, v42;
	v47 =	vld [tilespmem:s21+$0x0];
	v3 =	vadd.f32 v3, v53;
	v53 =	vadd.f32 $1.024500000e+03, v48  }
0x10e: {  	vm7 =	veq.s32 v27, $0x7;
	v50 =	vmul.f32 v20, v43;
	[tilespmem:$0x1FCC0] =	vst v51;
	v51 =	vsel vm6, v7, v40;
	v40 =	vld [tilespmem:s21+$0x100]  }
0x10f: {  	v48 =	vsel vm5, v2, v58;
	v34 =	vsel vm4, v55, v53;
	v53 =	vsel vm7, v49, v46;
	v49 =	vld [tilespmem:$0x1F970]  }
0x110: {  	vm8 =	veq.s32 v27, $0x8;
	v62 =	vmul.f32 v20, v45;
	[tilespmem:$0x1FCE0] =	vst v48;
	v48 =	vld [tilespmem:s21+$0x180]  }
0x111: {  	s23 =	sand.u32 $0x7, s29;
	vm9 =	veq.s32 v27, $0x9;
	v57 =	vadd.f32 $2.048500000e+03, v50;
	v0 =	vadd.f32 v3, v0;
	v55 =	vld [tilespmem:s21+$0x80];
	v3 =	vpop (erf)  }
0x112: {  	s2 =	sshll.u32 s23, $0x4;
	vm10 =	veq.s32 v27, $0xA;
	v45 =	vadd.f32 $2.304500000e+03, v62;
	v46 =	vsub.f32 $7.423500000e+03, v62;
	v62 =	vld [tilespmem:s21+$0x300];
	v14 =	vpop (erf)  }
0x113: {  	s2 =	sadd.s32 s7, s2;
	v58 =	vsub.f32 $7.167500000e+03, v50;
	v43 =	vmul.f32 $1.442695020e+00, v47;
	v42 =	vadd.f32 v14, v3  }
0x114: {  	s2 =	sadd.s32 $0x290, s2;
	vm11 =	veq.s32 v27, $0xB;
	[tilespmem:$0x1FCF0] =	vst v51;
	v51 =	vld [tilespmem:s21+$0x200];
	v24 =	vmul.f32 $1.442695020e+00, v40;
	v15 =	vpop (erf);
	v50 =	vmul.f32 v20, v49  }
0x115: {  	s2 =	sor.u32 $0x300, s2;
	[tilespmem:$0x1FD00] =	vst v53;
	v53 =	vld [tilespmem:s21+$0x280];
	v5 =	vadd.f32 v15, v42;
	v42 =	vmul.f32 v20, v44;
	v44 =	vsel vm8, v58, v57  }
0x116: {  	v7 =	vmul.f32 $1.442695020e+00, v48;
	v2 =	vmul.f32 $1.442695020e+00, v55;
	[tilespmem:$0x1FD10] =	vst v44;
	v57 =	vadd.f32 $2.816500000e+03, v50;
	v44 =	vld [tilespmem:$0x1F990]  }
0x117: {  	v48 =	vld [tilespmem:s2+$0x0];
	v4 =	vmul.f32 $1.442695020e+00, v62;
	v58 =	vsub.f32 $7.935500000e+03, v50;
	v0 =	vadd.f32 v5, v0  }
0x118: {  	vm12 =	veq.s32 v27, $0xC;
	v47 =	vadd.f32 $2.560500000e+03, v42;
	v30 =	vsub.f32 $7.679500000e+03, v42;
	v42 =	vld [tilespmem:$0x1F980]  }
0x119: {  	(erf) = vrcp.f32 v0;
	v0 =	vsel vm9, v46, v45;
	v45 =	vmul.f32 $1.442695020e+00, v51  }
0x11a: {  	v62 =	vld [tilespmem:s21+$0x4180];
	v46 =	vmul.f32 $1.442695020e+00, v53;
	(erf) = vpow2.f32 v43;
	[tilespmem:$0x1FD20] =	vst v0;
	v0 =	vsel vm11, v58, v57  }
0x11b: {  	vm13 =	veq.s32 v27, $0xD;
	v51 =	vld [tilespmem:s21+$0x4000];
	(erf) = vpow2.f32 v2;
	[tilespmem:$0x1FD40] =	vst v0;
	v0 =	vmul.f32 v20, v44  }
0x11c: {  	v55 =	vsel vm10, v30, v47;
	v57 =	vld [tilespmem:s21+$0x4100];
	v44 =	vmul.f32 $1.442695020e+00, v48;
	v2 =	vmul.f32 $2.550000000e+02, v31  }
0x11d: {  	vm14 =	veq.s32 v27, $0xE;
	[tilespmem:$0x1FD30] =	vst v55;
	v55 =	vld [tilespmem:$0x1F9A0];
	(erf) = vpow2.f32 v24;
	v43 =	vmul.f32 v20, v42  }
0x11e: {  	v53 =	vld [tilespmem:s21+$0x4080];
	(erf) = vpow2.f32 v7;
	v50 =	vadd.f32 $3.328500000e+03, v0;
	v0 =	vsub.f32 $8.447500000e+03, v0  }
0x11f: {  	v36 =	vmul.f32 v2, v36;
	v47 =	vadd.f32 $3.072500000e+03, v43;
	(erf) = vpow2.f32 v45;
	v45 =	vld [tilespmem:$0x1F9B0]  }
0x120: {  	v49 =	vsub.f32 $8.191500000e+03, v43;
	(erf) = vpow2.f32 v46;
	v0 =	vsel vm13, v0, v50;
	v50 =	vld [tilespmem:s21+$0x4280]  }
0x121: {  	vm15 =	veq.s32 v27, $0xF;
	v46 =	vmul.f32 $1.442695020e+00, v51;
	v51 =	vmul.f32 $1.442695020e+00, v57;
	v57 =	vld [tilespmem:s21+$0x4300]  }
0x122: {  	[tilespmem:$0x1FCD0] =	vst v34;
	v52 =	vmul.f32 v2, v52;
	v34 =	vmul.f32 v20, v55;
	v58 =	vsel vm12, v49, v47;
	v47 =	vld [tilespmem:s21+$0x4200]  }
0x123: {  	vm6 =	veq.s32 v27, $0x12;
	[tilespmem:$0x1FD60] =	vst v0;
	(erf) = vpow2.f32 v4;
	v0 =	vmul.f32 $1.442695020e+00, v62;
	v62 =	vld [tilespmem:s21+$0x4380]  }
0x124: {  	vm5 =	veq.s32 v27, $0x11;
	v49 =	vmul.f32 $1.442695020e+00, v53;
	[tilespmem:$0x1FD50] =	vst v58;
	(erf) = vpow2.f32 v44;
	v58 =	vld [tilespmem:$0x1F9C0]  }
0x125: {  	v42 =	vadd.f32 $3.584500000e+03, v34;
	v43 =	vsub.f32 $8.703500000e+03, v34;
	v44 =	vld [tilespmem:s31+$0x0];
	(erf) = vpow2.f32 v46  }
0x126: {  	vm4 =	veq.s32 v27, $0x10;
	v24 =	vmul.f32 v20, v45;
	(erf) = vpow2.f32 v49  }
0x127: {  	v48 =	vsel vm14, v43, v42;
	v34 =	vpop (erf);
	(erf) = vpow2.f32 v51;
	v4 =	vmul.f32 $1.442695020e+00, v50  }
0x128: {  	v51 =	vmul.f32 $1.442695020e+00, v57;
	v34 =	vmul.f32 $2.550000000e+02, v34;
	v53 =	vadd.f32 $3.840500000e+03, v24  }
0x129: {  	v55 =	vsub.f32 $8.959500000e+03, v24;
	(erf) = vpow2.f32 v0;
	v33 =	vmul.f32 $1.442695020e+00, v47  }
0x12a: {  	v42 =	vld [tilespmem:$0x1F9D0];
	v57 =	vmul.f32 $1.442695020e+00, v62;
	v5 =	vmul.f32 v20, v58;
	vm7 =	veq.s32 v44, $0x0  }
0x12b: {  	v43 =	vld [tilespmem:s21+$0x8000];
	vm8 =	veq.s32 v44, $0x1;
	vm9 =	veq.s32 v44, $0x2;
	v8 =	vmul.f32 v34, v8  }
0x12c: {  	v49 =	vpop (erf);
	v24 =	vmul.f32 v34, v13;
	vm10 =	veq.s32 v44, $0x3;
	vm11 =	veq.s32 v44, $0x4  }
0x12d: {  	[tilespmem:$0x1FD70] =	vst v48;
	v48 =	vpop (erf);
	vm12 =	veq.s32 v44, $0x5;
	vm13 =	veq.s32 v44, $0x6;
	vm14 =	veq.s32 v44, $0x7  }
0x12e: {  	[tilespmem:$0x1FED0] =	vst v49;
	v58 =	vld [tilespmem:$0x1F9E0];
	v7 =	vsel vm15, v55, v53;
	(erf) = vpow2.f32 v33;
	v49 =	vadd.f32 v48, v49  }
0x12f: {  	v53 =	vld [tilespmem:s21+$0x8080];
	v40 =	vadd.f32 $4.096500000e+03, v5;
	v5 =	vsub.f32 $9.215500000e+03, v5;
	v0 =	vmul.f32 v20, v42  }
0x130: {  	vm15 =	veq.s32 v44, $0x8;
	[tilespmem:$0x1FD80] =	vst v7;
	(erf) = vpow2.f32 v4;
	v7 =	vmul.f32 $1.442695020e+00, v43  }
0x131: {  	v33 =	vpop (erf);
	(erf) = vpow2.f32 v51;
	v51 =	vmul.f32 v2, v28;
	v50 =	vsel vm4, v5, v40  }
0x132: {  	v62 =	vld [tilespmem:s21+$0x8100];
	v55 =	vadd.f32 $4.352500000e+03, v0;
	v0 =	vsub.f32 $9.471500000e+03, v0;
	v47 =	vpop (erf);
	(erf) = vpow2.f32 v57  }
0x133: {  	vm4 =	veq.s32 v44, $0x9;
	v20 =	vmul.f32 v20, v58;
	v46 =	vpop (erf);
	(erf) = vpow2.f32 v7  }
0x134: {  	[tilespmem:$0x1FEF0] =	vst v33;
	v57 =	vsub.f32 $5.119500000e+03, v51;
	v0 =	vsel vm5, v0, v55;
	v4 =	vmul.f32 $1.442695020e+00, v53  }
0x135: {  	v28 =	vld [tilespmem:$0x1FA10];
	[tilespmem:$0x1FD90] =	vst v50;
	v1 =	vpop (erf);
	v53 =	vmul.f32 v2, v35;
	v55 =	vadd.f32 $5.000000000e-01, v51;
	v35 =	vmul.f32 v2, v39  }
0x136: {  	vm5 =	veq.s32 v44, $0xA;
	[tilespmem:$0x1FDA0] =	vst v0;
	v50 =	vadd.f32 $4.608500000e+03, v20;
	v20 =	vsub.f32 $9.727500000e+03, v20;
	v31 =	vpop (erf)  }
0x137: {  	v0 =	vmul.f32 $1.442695020e+00, v62;
	v62 =	vadd.f32 v1, v46;
	[tilespmem:$0x1FF30] =	vst v31;
	v30 =	vpop (erf);
	(erf) = vpow2.f32 v4  }
0x138: {  	v58 =	vadd.f32 $2.565000000e+02, v53;
	[tilespmem:$0x1FF40] =	vst v30;
	v5 =	vsel vm6, v20, v50;
	v50 =	vadd.f32 v47, v33  }
0x139: {  	v45 =	vpop (erf);
	v30 =	vadd.f32 v30, v31;
	v31 =	vsel vm7, v57, v55;
	v55 =	vld [tilespmem:$0x1FA00];
	[tilespmem:$0x1FDB0] =	vst v5;
	v5 =	vsub.f32 $5.375500000e+03, v53  }
0x13a: {  	[tilespmem:$0x1FF00] =	vst v47;
	v27 =	vmul.f32 v2, v28;
	v4 =	vmul.f32 v34, v19;
	v43 =	vpop (erf);
	v47 =	vadd.f32 v50, v49;
	v49 =	vld [tilespmem:$0x1F9F0]  }
0x13b: {  	(erf) = vpow2.f32 v0;
	[tilespmem:$0x1FF60] =	vst v43;
	v42 =	vpop (erf);
	v33 =	vsel vm8, v5, v58;
	v58 =	vadd.f32 v43, v45;
	v43 =	vld [tilespmem:$0x1FA30]  }
0x13c: {  	[tilespmem:$0x1FEE0] =	vst v48;
	v19 =	vadd.f32 $2.048500000e+03, v35;
	v0 =	vmul.f32 v2, v22;
	v22 =	vmul.f32 v34, v25;
	v40 =	vpop (erf)  }
0x13d: {  	[tilespmem:$0x1FF10] =	vst v46;
	vm6 =	veq.s32 v44, $0xB;
	vm7 =	veq.s32 v44, $0xC;
	v48 =	vadd.f32 v30, v62;
	v51 =	vpop (erf)  }
0x13e: {  	[tilespmem:$0x1FF70] =	vst v42;
	v62 =	vadd.f32 v40, v42;
	v42 =	vld [tilespmem:$0x1FA20];
	v46 =	vpop (erf);
	v20 =	vmul.f32 v2, v55;
	v55 =	vmul.f32 v2, v16  }
0x13f: {  	[tilespmem:$0x1FDC0] =	vst v31;
	v25 =	vsub.f32 $6.143500000e+03, v27;
	v16 =	vmul.f32 v2, v6;
	v6 =	vmul.f32 v34, v17;
	v53 =	vpop (erf)  }
0x140: {  	vm8 =	veq.s32 v44, $0xD;
	[tilespmem:$0x1FDD0] =	vst v33;
	v50 =	vmul.f32 v2, v49;
	v57 =	vpop (erf);
	v33 =	vmul.f32 v2, v43  }
0x141: {  	v39 =	vld [tilespmem:$0x1FA60];
	[tilespmem:$0x1FFC0] =	vst v57;
	v30 =	vadd.f32 v57, v53;
	v43 =	vmul.f32 v2, v37;
	v57 =	vmul.f32 v2, v54  }
0x142: {  	v47 =	vadd.f32 v48, v47;
	[tilespmem:$0x1FFB0] =	vst v53;
	v54 =	vmul.f32 v34, v9;
	v53 =	vmul.f32 v34, v29  }
0x143: {  	[tilespmem:$0x1FF80] =	vst v40;
	v40 =	vadd.f32 v46, v51;
	v29 =	vmul.f32 v34, v14;
	v31 =	vmul.f32 v2, v42  }
0x144: {  	[tilespmem:$0x1FFA0] =	vst v46;
	v46 =	vld [tilespmem:$0x1FA40];
	v42 =	vmul.f32 v2, v38;
	v48 =	vadd.f32 $5.125000000e+02, v50;
	v5 =	vsub.f32 $5.631500000e+03, v50  }
0x145: {  	[tilespmem:$0x1FF50] =	vst v45;
	v45 =	vadd.f32 v30, v40;
	v30 =	vmul.f32 v2, v56;
	v40 =	vmul.f32 v34, v11  }
0x146: {  	v7 =	vadd.f32 v62, v58;
	v56 =	vmul.f32 v34, v18;
	v11 =	vtrunc.f32 v39  }
0x147: {  	v14 =	vld [tilespmem:$0x1FAA0];
	v49 =	vsel vm9, v5, v48;
	v5 =	vmul.f32 v34, v61;
	v61 =	vadd.f32 $7.685000000e+02, v20  }
0x148: {  	v38 =	vld [tilespmem:$0x1FA50];
	v50 =	vpop (erf);
	v20 =	vsub.f32 $5.887500000e+03, v20;
	v48 =	vmul.f32 v34, v23;
	v23 =	vadd.f32 $1.024500000e+03, v27  }
0x149: {  	[tilespmem:$0x1FF90] =	vst v51;
	v18 =	vld [tilespmem:$0x1FAC0];
	v28 =	vmul.f32 v2, v46;
	v37 =	vsub.f32 $6.399500000e+03, v31;
	v7 =	vadd.f32 v45, v7;
	v58 =	vpop (erf)  }
0x14a: {  	v46 =	vld [tilespmem:$0x1FA70];
	[tilespmem:$0x1FDE0] =	vst v49;
	v45 =	vmul.f32 v34, v12;
	v49 =	vadd.f32 $1.536500000e+03, v33;
	v62 =	vadd.f32 v58, v50  }
0x14b: {  	[tilespmem:$0x1FFD0] =	vst v50;
	v27 =	vsel vm11, v25, v23;
	v50 =	vsub.f32 $6.655500000e+03, v33;
	v12 =	vadd.f32 $1.792500000e+03, v28;
	v23 =	vld [tilespmem:$0x1FAE0]  }
0x14c: {  	v2 =	vmul.f32 v2, v41;
	[tilespmem:$0x1FFE0] =	vst v58;
	v13 =	vsub.f32 $6.911500000e+03, v28;
	v25 =	vadd.f32 $2.304500000e+03, v42;
	v28 =	vld [tilespmem:$0x1FB00]  }
0x14d: {  	v58 =	vmul.f32 v34, v26;
	v26 =	vsub.f32 $7.423500000e+03, v42;
	v51 =	vadd.f32 v7, v47;
	[tilespmem:$0x1FE00] =	vst v27;
	v27 =	vld [tilespmem:$0x1FAF0]  }
0x14e: {  	[tilespmem:$0x1FF20] =	vst v1;
	v1 =	vpop (erf);
	v7 =	vmul.f32 v34, v21;
	v21 =	vsel vm10, v20, v61;
	v20 =	vsub.f32 $7.167500000e+03, v35;
	v35 =	vld [tilespmem:$0x1FB20]  }
0x14f: {  	vm9 =	veq.s32 v44, $0xE;
	v33 =	vsub.f32 $7.679500000e+03, v43;
	v9 =	vadd.f32 v1, v62;
	v62 =	vld [tilespmem:$0x1FA80]  }
0x150: {  	v42 =	vadd.f32 $2.816500000e+03, v36;
	vm11 =	veq.s32 v44, $0x10;
	v47 =	vmul.f32 v34, v10;
	[tilespmem:$0x1FDF0] =	vst v21;
	v21 =	vld [tilespmem:$0x1FAD0]  }
0x151: {  	[tilespmem:$0x1FFF0] =	vst v1;
	v61 =	vmul.f32 v34, v3;
	v10 =	vtrunc.f32 v38;
	vm10 =	veq.s32 v44, $0xF;
	v1 =	vld [tilespmem:$0x1FB50]  }
0x152: {  	[tilespmem:$0x1FEB0] =	vst v29;
	v29 =	vsel vm4, v26, v25;
	v25 =	vld [tilespmem:$0x1FB60];
	v3 =	vtrunc.f32 v46;
	v9 =	vadd.f32 v9, v51  }
0x153: {  	v51 =	vmul.f32 v34, v32;
	v32 =	vmul.f32 v34, v15;
	v34 =	vadd.f32 $1.280500000e+03, v31;
	v15 =	vld [tilespmem:$0x1FAB0]  }
0x154: {  	v17 =	vsel vm14, v13, v12;
	v26 =	vadd.f32 $3.072500000e+03, v55;
	v38 =	vcvt.f32.s32 v3;
	v31 =	vld [tilespmem:$0x1FB10]  }
0x155: {  	v41 =	vsel vm12, v37, v34;
	v37 =	vcvt.f32.s32 v10;
	v34 =	vcvt.f32.s32 v11;
	v11 =	vld [tilespmem:$0x1FA90]  }
0x156: {  	[tilespmem:$0x1FEC0] =	vst v32;
	v10 =	vsel vm13, v50, v49;
	v32 =	vadd.f32 $2.560500000e+03, v43;
	v43 =	vsub.f32 $7.935500000e+03, v36;
	v36 =	vld [tilespmem:$0x1FB80]  }
0x157: {  	v13 =	vtrunc.f32 v27;
	vm12 =	veq.s32 v44, $0x11;
	vm13 =	veq.s32 v44, $0x12;
	v44 =	vld [tilespmem:$0x1FC50]  }
0x158: {  	v27 =	vsub.f32 $8.191500000e+03, v55;
	v55 =	vsub.f32 $8.703500000e+03, v57;
	[tilespmem:$0x1FE10] =	vst v41;
	v3 =	vtrunc.f32 v62;
	v41 =	vld [tilespmem:$0x1FB30]  }
0x159: {  	[tilespmem:$0x1FE30] =	vst v10;
	v10 =	vtrunc.f32 v14;
	v62 =	vld [tilespmem:$0x1FB40];
	v39 =	vsel vm5, v33, v32;
	v32 =	vadd.f32 $3.328500000e+03, v52  }
0x15a: {  	v14 =	vtrunc.f32 v28;
	v28 =	vld [tilespmem:$0x1FB70];
	v33 =	vsub.f32 $8.447500000e+03, v52;
	v52 =	vadd.f32 $3.584500000e+03, v57  }
0x15b: {  	v57 =	vld [tilespmem:$0x1FBA0]  }
0x15c: {  	[tilespmem:$0x1FE20] =	vst v22;
	v22 =	vsel vm15, v20, v19;
	v20 =	vtrunc.f32 v1;
	v1 =	vsel vm9, v55, v52;
	v52 =	vld [tilespmem:$0x1FC00]  }
0x15d: {  	v49 =	vcvt.f32.s32 v3;
	[tilespmem:$0x1FE70] =	vst v39;
	v39 =	vtrunc.f32 v36;
	v36 =	vld [tilespmem:$0x1FBC0]  }
0x15e: {  	v50 =	vcvt.f32.s32 v10;
	v3 =	vtrunc.f32 v11;
	[tilespmem:v37+s20+$0x0] =	vst.idx.add.f32.msk $0xffff, v63  }
0x15f: {  	v11 =	vtrunc.f32 v15;
	v46 =	vcvt.f32.s32 v3;
	v37 =	vld [tilespmem:$0x1FC80]  }
0x160: {  	v12 =	vcvt.f32.s32 v11;
	v3 =	vtrunc.f32 v18;
	[tilespmem:v34+s20+$0x0] =	vst.idx.add.f32.msk $0xffff, v63  }
0x161: {  	v10 =	vcvt.f32.s32 v3;
	v3 =	vtrunc.f32 v21;
	v34 =	vld [tilespmem:$0x1FC90]  }
0x162: {  	v11 =	vcvt.f32.s32 v3;
	v3 =	vtrunc.f32 v23;
	v23 =	vsel vm6, v43, v42;
	v42 =	vld [tilespmem:$0x1FB90]  }
0x163: {  	[tilespmem:v38+s20+$0x0] =	vst.idx.add.f32.msk $0xffff, v63  }
0x164: {  	v38 =	vld [tilespmem:$0x1FCA0];
	v18 =	vcvt.f32.s32 v3;
	v3 =	vtrunc.f32 v31  }
0x165: {  	v31 =	vtrunc.f32 v59;
	v59 =	vtrunc.f32 v57;
	v57 =	vld [tilespmem:$0x1FC10]  }
0x166: {  	(erf) = vrcp.f32 v9;
	v19 =	vtrunc.f32 v62;
	[tilespmem:v49+s20+$0x0] =	vst.idx.add.f32.msk $0xffff, v63  }
0x167: {  	[tilespmem:$0x1FE40] =	vst v17;
	v49 =	vld [tilespmem:$0x1FCC0];
	v15 =	vcvt.f32.s32 v3;
	v3 =	vtrunc.f32 v35  }
0x168: {  	[tilespmem:$0x1FE60] =	vst v29;
	v29 =	vsel vm7, v27, v26;
	v35 =	vtrunc.f32 v60;
	v26 =	vcvt.f32.s32 v59;
	v60 =	vld [tilespmem:$0x1FBB0]  }
0x169: {  	[tilespmem:$0x1FE50] =	vst v22;
	v59 =	vld [tilespmem:$0x1FC20];
	v17 =	vcvt.f32.s32 v3;
	v3 =	vtrunc.f32 v41;
	v41 =	vsel vm8, v33, v32  }
0x16a: {  	v9 =	vcvt.f32.s32 v13;
	v13 =	vcvt.f32.s32 v19;
	[tilespmem:$0x1FEA0] =	vst v41;
	v41 =	vld [tilespmem:$0x1FBE0]  }
0x16b: {  	v62 =	vadd.f32 $3.840500000e+03, v30;
	v22 =	vcvt.f32.s32 v3;
	v3 =	vtrunc.f32 v25;
	[tilespmem:v46+s20+$0x0] =	vst.idx.add.f32.msk $0xffff, v63  }
0x16c: {  	[tilespmem:$0x1FE80] =	vst v23;
	v19 =	vcvt.f32.s32 v35;
	v35 =	vsub.f32 $8.959500000e+03, v30;
	v46 =	vld [tilespmem:$0x1FCB0];
	v23 =	vcvt.f32.s32 v3  }
0x16d: {  	v3 =	vtrunc.f32 v28;
	v28 =	vcvt.f32.s32 v39;
	v39 =	vld [tilespmem:$0x1FBD0]  }
0x16e: {  	v62 =	vsel vm10, v35, v62;
	v35 =	vld [tilespmem:$0x1FC30]  }
0x16f: {  	v43 =	vtrunc.f32 v42;
	[tilespmem:v50+s20+$0x0] =	vst.idx.add.f32.msk $0xffff, v63  }
0x170: {  	[tilespmem:$0x1FE90] =	vst v29;
	v29 =	vcvt.f32.s32 v43;
	v43 =	vld [tilespmem:$0x1FBF0]  }
0x171: {  	v55 =	vadd.f32 $4.352500000e+03, v0;
	v0 =	vsub.f32 $9.471500000e+03, v0;
	v27 =	vcvt.f32.s32 v31;
	[tilespmem:v12+s20+$0x0] =	vst.idx.add.f32.msk $0xffff, v63  }
0x172: {  	v12 =	vld [tilespmem:$0x1FCD0]  }
0x173: {  	v32 =	vtrunc.f32 v59;
	v59 =	vsel vm12, v0, v55;
	v55 =	vld [tilespmem:$0x1FC70]  }
0x174: {  	[tilespmem:v10+s20+$0x0] =	vst.idx.add.f32.msk $0xffff, v63  }
0x175: {  	v10 =	vld [tilespmem:$0x1FCE0]  }
0x176: {  	v14 =	vcvt.f32.s32 v14;
	[tilespmem:v11+s20+$0x0] =	vst.idx.add.f32.msk $0xffff, v63  }
0x177: {  	v30 =	vtrunc.f32 v36;
	[tilespmem:v27+s20+$0x0] =	vst.idx.add.f32.msk $0xffff, v63  }
0x178: {  	v25 =	vcvt.f32.s32 v30;
	[tilespmem:v18+s20+$0x0] =	vst.idx.add.f32.msk $0xffff, v63  }
0x179: {  	v21 =	vcvt.f32.s32 v3;
	v3 =	vtrunc.f32 v60;
	[tilespmem:v19+s20+$0x0] =	vst.idx.add.f32.msk $0xffff, v63  }
0x17a: {  	v33 =	vcvt.f32.s32 v3;
	v3 =	vtrunc.f32 v41;
	[tilespmem:v9+s20+$0x0] =	vst.idx.add.f32.msk $0xffff, v63  }
0x17b: {  	v30 =	vcvt.f32.s32 v3;
	v3 =	vtrunc.f32 v43;
	v43 =	vld [tilespmem:$0x1FC40]  }
0x17c: {  	[tilespmem:v14+s20+$0x0] =	vst.idx.add.f32.msk $0xffff, v63  }
0x17d: {  	v14 =	vld [tilespmem:$0x1FD30]  }
0x17e: {  	v31 =	vtrunc.f32 v39;
	[tilespmem:v28+s20+$0x0] =	vst.idx.add.f32.msk $0xffff, v63  }
0x17f: {  	v36 =	vcvt.f32.s32 v31;
	v28 =	vld [tilespmem:$0x1FDA0]  }
0x180: {  	v31 =	vcvt.f32.s32 v3;
	v3 =	vtrunc.f32 v52;
	v52 =	vld [tilespmem:$0x1FC60]  }
0x181: {  	[tilespmem:v15+s20+$0x0] =	vst.idx.add.f32.msk $0xffff, v63  }
0x182: {  	v15 =	vld [tilespmem:$0x1FD20]  }
0x183: {  	v42 =	vadd.f32 $4.096500000e+03, v16;
	v16 =	vsub.f32 $9.215500000e+03, v16;
	[tilespmem:v29+s20+$0x0] =	vst.idx.add.f32.msk $0xffff, v63  }
0x184: {  	v29 =	vld [tilespmem:$0x1FDB0]  }
0x185: {  	v60 =	vsel vm11, v16, v42;
	v42 =	vcvt.f32.s32 v3;
	v3 =	vld [tilespmem:s31+$0x10]  }
0x186: {  	v20 =	vcvt.f32.s32 v20;
	[tilespmem:v17+s20+$0x0] =	vst.idx.add.f32.msk $0xffff, v63  }
0x187: {  	[tilespmem:v26+s20+$0x0] =	vst.idx.add.f32.msk $0xffff, v63  }
0x188: {  	[tilespmem:v22+s20+$0x0] =	vst.idx.add.f32.msk $0xffff, v63  }
0x189: {  	[tilespmem:v33+s20+$0x0] =	vst.idx.add.f32.msk $0xffff, v63  }
0x18a: {  	[tilespmem:v13+s20+$0x0] =	vst.idx.add.f32.msk $0xffff, v63  }
0x18b: {  	[tilespmem:v25+s20+$0x0] =	vst.idx.add.f32.msk $0xffff, v63  }
0x18c: {  	v16 =	vtrunc.f32 v57;
	[tilespmem:v20+s20+$0x0] =	vst.idx.add.f32.msk $0xffff, v63  }
0x18d: {  	v16 =	vcvt.f32.s32 v16;
	v41 =	vcvt.f32.s32 v32;
	v20 =	vld [tilespmem:$0x1FD60]  }
0x18e: {  	v0 =	vtrunc.f32 v35;
	v39 =	vadd.f32 $4.608500000e+03, v2;
	v2 =	vsub.f32 $9.727500000e+03, v2;
	[tilespmem:v23+s20+$0x0] =	vst.idx.add.f32.msk $0xffff, v63  }
0x18f: {  	v32 =	vcvt.f32.s32 v0;
	v0 =	vtrunc.f32 v43;
	[tilespmem:v36+s20+$0x0] =	vst.idx.add.f32.msk $0xffff, v63  }
0x190: {  	v57 =	vsel vm13, v2, v39;
	v43 =	vtrunc.f32 v55;
	v39 =	vcvt.f32.s32 v0;
	v36 =	vld [tilespmem:$0x1FE10]  }
0x191: {  	v2 =	vsub.f32 $5.119500000e+03, v4;
	v0 =	vtrunc.f32 v44;
	v43 =	vcvt.f32.s32 v43;
	[tilespmem:v21+s20+$0x0] =	vst.idx.add.f32.msk $0xffff, v63  }
0x192: {  	v44 =	vcvt.f32.s32 v0;
	v0 =	vadd.f32 $5.000000000e-01, v4;
	v4 =	vtrunc.f32 v52;
	v21 =	vld [tilespmem:$0x1FD70]  }
0x193: {  	vm14 =	veq.s32 v3, $0x0;
	v52 =	vsub.f32 $5.375500000e+03, v5;
	[tilespmem:v30+s20+$0x0] =	vst.idx.add.f32.msk $0xffff, v63;
	v35 =	vcvt.f32.s32 v4  }
0x194: {  	v4 =	vtrunc.f32 v46;
	v46 =	vadd.f32 $7.685000000e+02, v7;
	[tilespmem:v31+s20+$0x0] =	vst.idx.add.f32.msk $0xffff, v63;
	v55 =	vsel vm14, v2, v0  }
0x195: {  	v2 =	vadd.f32 $2.565000000e+02, v5;
	v5 =	vtrunc.f32 v49;
	v49 =	vsub.f32 $5.887500000e+03, v7;
	[tilespmem:v42+s20+$0x0] =	vst.idx.add.f32.msk $0xffff, v63  }
0x196: {  	vm15 =	veq.s32 v3, $0x1;
	vm5 =	veq.s32 v3, $0x3;
	v0 =	vtrunc.f32 v37;
	[tilespmem:v16+s20+$0x0] =	vst.idx.add.f32.msk $0xffff, v63  }
0x197: {  	v37 =	vcvt.f32.s32 v0;
	v0 =	vtrunc.f32 v34;
	v49 =	vsel vm5, v49, v46;
	v46 =	vld [tilespmem:$0x1FD00]  }
0x198: {  	v52 =	vsel vm15, v52, v2;
	v34 =	vcvt.f32.s32 v0;
	v0 =	vtrunc.f32 v38;
	[tilespmem:v41+s20+$0x0] =	vst.idx.add.f32.msk $0xffff, v63  }
0x199: {  	v2 =	vsub.f32 $5.631500000e+03, v6;
	v38 =	vcvt.f32.s32 v0;
	v0 =	vadd.f32 $5.125000000e+02, v6;
	[tilespmem:v32+s20+$0x0] =	vst.idx.add.f32.msk $0xffff, v63  }
0x19a: {  	vm4 =	veq.s32 v3, $0x2;
	[tilespmem:v39+s20+$0x0] =	vst.idx.add.f32.msk $0xffff, v63  }
0x19b: {  	v50 =	vsel vm4, v2, v0;
	v0 =	vtrunc.f32 v12;
	v12 =	vld [tilespmem:$0x1FCF0]  }
0x19c: {  	[tilespmem:v44+s20+$0x0] =	vst.idx.add.f32.msk $0xffff, v63  }
0x19d: {  	v44 =	vld [tilespmem:$0x1FE90]  }
0x19e: {  	v18 =	vadd.f32 $1.024500000e+03, v8;
	v4 =	vcvt.f32.s32 v4;
	[tilespmem:v35+s20+$0x0] =	vst.idx.add.f32.msk $0xffff, v63  }
0x19f: {  	v8 =	vsub.f32 $6.143500000e+03, v8;
	v6 =	vcvt.f32.s32 v5;
	v7 =	vcvt.f32.s32 v0;
	[tilespmem:v43+s20+$0x0] =	vst.idx.add.f32.msk $0xffff, v63  }
0x1a0: {  	vm6 =	veq.s32 v3, $0x4;
	v0 =	vtrunc.f32 v10;
	v9 =	vtrunc.f32 v46;
	v43 =	vld [tilespmem:$0x1FE80]  }
0x1a1: {  	v46 =	vsel vm6, v8, v18;
	v8 =	vcvt.f32.s32 v9;
	v9 =	vtrunc.f32 v15;
	v15 =	vld [tilespmem:$0x1FD40]  }
0x1a2: {  	v2 =	vcvt.f32.s32 v0;
	v0 =	vtrunc.f32 v12;
	v12 =	vld [tilespmem:$0x1FD10]  }
0x1a3: {  	[tilespmem:v37+s20+$0x0] =	vst.idx.add.f32.msk $0xffff, v63  }
0x1a4: {  	[tilespmem:v34+s20+$0x0] =	vst.idx.add.f32.msk $0xffff, v63  }
0x1a5: {  	[tilespmem:v38+s20+$0x0] =	vst.idx.add.f32.msk $0xffff, v63  }
0x1a6: {  	[tilespmem:v4+s20+$0x0] =	vst.idx.add.f32.msk $0xffff, v63;
	v5 =	vcvt.f32.s32 v0  }
0x1a7: {  	v18 =	vadd.f32 $1.280500000e+03, v54;
	[tilespmem:v6+s20+$0x0] =	vst.idx.add.f32.msk $0xffff, v63;
	v10 =	vtrunc.f32 v12;
	v12 =	vsub.f32 $6.399500000e+03, v54  }
0x1a8: {  	vm7 =	veq.s32 v3, $0x5;
	[tilespmem:v7+s20+$0x0] =	vst.idx.add.f32.msk $0xffff, v63  }
0x1a9: {  	v0 =	vcvt.f32.s32 v10;
	v22 =	vsel vm7, v12, v18;
	v18 =	vld [tilespmem:$0x1FD50]  }
0x1aa: {  	[tilespmem:v2+s20+$0x0] =	vst.idx.add.f32.msk $0xffff, v63;
	v54 =	vcvt.f32.s32 v9  }
0x1ab: {  	v9 =	vtrunc.f32 v14;
	v12 =	vtrunc.f32 v21;
	v21 =	vld [tilespmem:$0x1FD90]  }
0x1ac: {  	v9 =	vcvt.f32.s32 v9;
	v10 =	vtrunc.f32 v15;
	[tilespmem:v5+s20+$0x0] =	vst.idx.add.f32.msk $0xffff, v63  }
0x1ad: {  	v11 =	vcvt.f32.s32 v10;
	[tilespmem:v8+s20+$0x0] =	vst.idx.add.f32.msk $0xffff, v63  }
0x1ae: {  	v13 =	vtrunc.f32 v18;
	v18 =	vld [tilespmem:$0x1FD80]  }
0x1af: {  	[tilespmem:v0+s20+$0x0] =	vst.idx.add.f32.msk $0xffff, v63  }
0x1b0: {  	v17 =	vsub.f32 $6.655500000e+03, v24;
	v10 =	vadd.f32 $1.536500000e+03, v24;
	v0 =	vld [tilespmem:s31+$0x20]  }
0x1b1: {  	vm8 =	veq.s32 v3, $0x6;
	v14 =	vtrunc.f32 v20;
	v20 =	vcvt.f32.s32 v13;
	[tilespmem:v54+s20+$0x0] =	vst.idx.add.f32.msk $0xffff, v63  }
0x1b2: {  	v52 =	vtrunc.f32 v52;
	v23 =	vsel vm8, v17, v10;
	v10 =	vcvt.f32.s32 v14;
	[tilespmem:v9+s20+$0x0] =	vst.idx.add.f32.msk $0xffff, v63  }
0x1b3: {  	v24 =	vadd.f32 $1.792500000e+03, v40;
	v40 =	vsub.f32 $6.911500000e+03, v40;
	v14 =	vcvt.f32.s32 v12;
	[tilespmem:v11+s20+$0x0] =	vst.idx.add.f32.msk $0xffff, v63  }
0x1b4: {  	vm9 =	veq.s32 v3, $0x7;
	v11 =	vcvt.f32.s32 v52;
	v52 =	vld [tilespmem:$0x1FEE0];
	v12 =	vtrunc.f32 v18  }
0x1b5: {  	v18 =	vsel vm9, v40, v24;
	v40 =	vld [tilespmem:$0x1FDC0];
	v15 =	vcvt.f32.s32 v12  }
0x1b6: {  	v12 =	vtrunc.f32 v21;
	v21 =	vtrunc.f32 v29;
	v29 =	vld [tilespmem:$0x1FDD0]  }
0x1b7: {  	v19 =	vtrunc.f32 v28;
	[tilespmem:v20+s20+$0x0] =	vst.idx.add.f32.msk $0xffff, v63  }
0x1b8: {  	v27 =	vsub.f32 $7.167500000e+03, v45;
	v26 =	vcvt.f32.s32 v19;
	[tilespmem:v10+s20+$0x0] =	vst.idx.add.f32.msk $0xffff, v63  }
0x1b9: {  	vm10 =	veq.s32 v3, $0x8;
	v24 =	vadd.f32 $2.048500000e+03, v45;
	v45 =	vadd.f32 $2.304500000e+03, v47;
	v10 =	vld [tilespmem:$0x1FED0]  }
0x1ba: {  	v47 =	vsub.f32 $7.423500000e+03, v47;
	v13 =	vcvt.f32.s32 v12;
	[tilespmem:v14+s20+$0x0] =	vst.idx.add.f32.msk $0xffff, v63;
	v12 =	vtrunc.f32 v40  }
0x1bb: {  	vm11 =	veq.s32 v3, $0x9;
	v40 =	vld [tilespmem:$0x1FDE0];
	v19 =	vcvt.f32.s32 v12;
	v33 =	vtrunc.f32 v29  }
0x1bc: {  	v12 =	vsel vm11, v47, v45;
	v45 =	vadd.f32 $2.560500000e+03, v48;
	v47 =	vsub.f32 $7.679500000e+03, v48;
	v48 =	vld [tilespmem:$0x1FDF0]  }
0x1bd: {  	vm12 =	veq.s32 v3, $0xA;
	v16 =	vtrunc.f32 v36;
	v25 =	vcvt.f32.s32 v33;
	v33 =	vld [tilespmem:$0x1FE00]  }
0x1be: {  	vm13 =	veq.s32 v3, $0xB;
	v16 =	vcvt.f32.s32 v16;
	v28 =	vsel vm12, v47, v45;
	v45 =	vld [tilespmem:$0x1FE30]  }
0x1bf: {  	v18 =	vtrunc.f32 v18;
	v17 =	vsel vm10, v27, v24;
	v21 =	vcvt.f32.s32 v21;
	v47 =	vld [tilespmem:$0x1FE40]  }
0x1c0: {  	vm14 =	veq.s32 v3, $0xC;
	v17 =	vtrunc.f32 v17;
	v24 =	vtrunc.f32 v40;
	v40 =	vld [tilespmem:$0x1FE20]  }
0x1c1: {  	vm15 =	veq.s32 v3, $0xD;
	v18 =	vcvt.f32.s32 v18;
	v17 =	vcvt.f32.s32 v17;
	[tilespmem:v15+s20+$0x0] =	vst.idx.add.f32.msk $0xffff, v63  }
0x1c2: {  	vm5 =	veq.s32 v3, $0xF;
	v12 =	vtrunc.f32 v12;
	[tilespmem:v13+s20+$0x0] =	vst.idx.add.f32.msk $0xffff, v63;
	v24 =	vcvt.f32.s32 v24  }
0x1c3: {  	vm4 =	veq.s32 v3, $0xE;
	v30 =	vtrunc.f32 v33;
	v33 =	vtrunc.f32 v45;
	v45 =	vld [tilespmem:$0x1FE50]  }
0x1c4: {  	vm6 =	veq.s32 v3, $0x10;
	v29 =	vtrunc.f32 v48;
	v32 =	vtrunc.f32 v47;
	v47 =	vld [tilespmem:$0x1FE60]  }
0x1c5: {  	[tilespmem:v26+s20+$0x0] =	vst.idx.add.f32.msk $0xffff, v63;
	v29 =	vcvt.f32.s32 v29;
	v42 =	vadd.f32 $2.816500000e+03, v40;
	v31 =	vsub.f32 $7.935500000e+03, v40  }
0x1c6: {  	[tilespmem:v21+s20+$0x0] =	vst.idx.add.f32.msk $0xffff, v63;
	v48 =	vadd.f32 $3.072500000e+03, v51;
	v51 =	vsub.f32 $8.191500000e+03, v51;
	v27 =	vcvt.f32.s32 v30  }
0x1c7: {  	[tilespmem:v19+s20+$0x0] =	vst.idx.add.f32.msk $0xffff, v63;
	v32 =	vcvt.f32.s32 v32;
	v30 =	vsel vm13, v31, v42;
	v31 =	vcvt.f32.s32 v33  }
0x1c8: {  	[tilespmem:v25+s20+$0x0] =	vst.idx.add.f32.msk $0xffff, v63;
	v33 =	vsel vm14, v51, v48;
	v51 =	vadd.f32 $3.328500000e+03, v53;
	v53 =	vsub.f32 $8.447500000e+03, v53  }
0x1c9: {  	v48 =	vld [tilespmem:$0x1FE70];
	v39 =	vtrunc.f32 v45;
	v40 =	vtrunc.f32 v47;
	v45 =	vadd.f32 $3.584500000e+03, v56  }
0x1ca: {  	[tilespmem:v24+s20+$0x0] =	vst.idx.add.f32.msk $0xffff, v63;
	v47 =	vsub.f32 $8.703500000e+03, v56;
	v35 =	vcvt.f32.s32 v39;
	v36 =	vcvt.f32.s32 v40  }
0x1cb: {  	[tilespmem:v29+s20+$0x0] =	vst.idx.add.f32.msk $0xffff, v63;
	v34 =	vsel vm15, v53, v51;
	v40 =	vtrunc.f32 v44;
	v51 =	vtrunc.f32 v1  }
0x1cc: {  	v56 =	vadd.f32 $3.840500000e+03, v58;
	v53 =	vtrunc.f32 v62;
	v44 =	vtrunc.f32 v59;
	v59 =	vld [tilespmem:$0x1FEC0]  }
0x1cd: {  	v62 =	vsub.f32 $8.959500000e+03, v58;
	v58 =	vtrunc.f32 v49;
	v49 =	vtrunc.f32 v22;
	[tilespmem:v27+s20+$0x0] =	vst.idx.add.f32.msk $0xffff, v63  }
0x1ce: {  	vm7 =	veq.s32 v3, $0x11;
	v38 =	vcvt.f32.s32 v40;
	v7 =	vcvt.f32.s32 v53;
	v53 =	vld [tilespmem:$0x1FEB0]  }
0x1cf: {  	v6 =	vsel vm4, v47, v45;
	v40 =	vcvt.f32.s32 v51;
	v45 =	vadd.f32 $4.096500000e+03, v61;
	[tilespmem:v16+s20+$0x0] =	vst.idx.add.f32.msk $0xffff, v63  }
0x1d0: {  	v47 =	vsub.f32 $9.215500000e+03, v61;
	v51 =	vtrunc.f32 v55;
	v15 =	vcvt.f32.s32 v49;
	v49 =	vld [tilespmem:$0x1FF40]  }
0x1d1: {  	v5 =	vsel vm5, v62, v56;
	v56 =	vtrunc.f32 v50;
	v39 =	vtrunc.f32 v48;
	v48 =	vld [tilespmem:$0x1FEA0]  }
0x1d2: {  	v62 =	vtrunc.f32 v46;
	v42 =	vsel vm6, v47, v45;
	v47 =	vcvt.f32.s32 v56;
	v56 =	vld [tilespmem:$0x1FEF0]  }
0x1d3: {  	vm8 =	veq.s32 v3, $0x12;
	v3 =	vcvt.f32.s32 v62;
	v62 =	vtrunc.f32 v30;
	v30 =	vld [tilespmem:$0x1FF10]  }
0x1d4: {  	v37 =	vcvt.f32.s32 v39;
	v39 =	vtrunc.f32 v43;
	[tilespmem:v31+s20+$0x0] =	vst.idx.add.f32.msk $0xffff, v63  }
0x1d5: {  	v43 =	vtrunc.f32 v60;
	v39 =	vcvt.f32.s32 v39;
	[tilespmem:v32+s20+$0x0] =	vst.idx.add.f32.msk $0xffff, v63  }
0x1d6: {  	vm9 =	veq.s32 v0, $0x0;
	v41 =	vcvt.f32.s32 v43;
	v32 =	vtrunc.f32 v34;
	v34 =	vld [tilespmem:$0x1FF20]  }
0x1d7: {  	v60 =	vadd.f32 $4.608500000e+03, v59;
	v61 =	vsub.f32 $9.727500000e+03, v59;
	v59 =	vtrunc.f32 v28;
	[tilespmem:v35+s20+$0x0] =	vst.idx.add.f32.msk $0xffff, v63  }
0x1d8: {  	vm10 =	veq.s32 v0, $0x1;
	v43 =	vcvt.f32.s32 v51;
	v22 =	vcvt.f32.s32 v59;
	v59 =	vld [tilespmem:$0x1FF60]  }
0x1d9: {  	vm11 =	veq.s32 v0, $0x2;
	v12 =	vcvt.f32.s32 v12;
	v25 =	vcvt.f32.s32 v32;
	v32 =	vld [tilespmem:$0x1FF80]  }
0x1da: {  	vm12 =	veq.s32 v0, $0x3;
	[tilespmem:v36+s20+$0x0] =	vst.idx.add.f32.msk $0xffff, v63;
	v4 =	vtrunc.f32 v48;
	v48 =	vtrunc.f32 v57  }
0x1db: {  	v8 =	vcvt.f32.s32 v44;
	v44 =	vcvt.f32.s32 v48;
	v48 =	vsel vm8, v61, v60;
	v60 =	vld [tilespmem:$0x1FF00]  }
0x1dc: {  	vm13 =	veq.s32 v0, $0x4;
	v29 =	vtrunc.f32 v33;
	v6 =	vtrunc.f32 v6;
	[tilespmem:v37+s20+$0x0] =	vst.idx.add.f32.msk $0xffff, v63  }
0x1dd: {  	vm14 =	veq.s32 v0, $0x5;
	v20 =	vcvt.f32.s32 v58;
	v6 =	vcvt.f32.s32 v6;
	v57 =	vpop (erf);
	[tilespmem:v39+s20+$0x0] =	vst.idx.add.f32.msk $0xffff, v63  }
0x1de: {  	vm15 =	veq.s32 v0, $0x6;
	v5 =	vtrunc.f32 v5;
	v2 =	vmul.f32 $2.550000000e+02, v57;
	[tilespmem:v43+s20+$0x0] =	vst.idx.add.f32.msk $0xffff, v63  }
0x1df: {  	v16 =	vcvt.f32.s32 v62;
	v51 =	vtrunc.f32 v23;
	v54 =	vadd.f32 $4.352500000e+03, v53;
	[tilespmem:v38+s20+$0x0] =	vst.idx.add.f32.msk $0xffff, v63  }
0x1e0: {  	v55 =	vsub.f32 $9.471500000e+03, v53;
	v4 =	vcvt.f32.s32 v4;
	v53 =	vmul.f32 v2, v52;
	v38 =	vld [tilespmem:$0x1FF30]  }
0x1e1: {  	vm4 =	veq.s32 v0, $0x7;
	v5 =	vcvt.f32.s32 v5;
	v13 =	vcvt.f32.s32 v51;
	[tilespmem:v11+s20+$0x0] =	vst.idx.add.f32.msk $0xffff, v63  }
0x1e2: {  	v9 =	vsel vm7, v55, v54;
	v54 =	vadd.f32 $2.565000000e+02, v53;
	v55 =	vsub.f32 $5.375500000e+03, v53;
	v53 =	vld [tilespmem:$0x1FF50]  }
0x1e3: {  	vm5 =	veq.s32 v0, $0x8;
	v9 =	vtrunc.f32 v9;
	v37 =	vtrunc.f32 v42;
	[tilespmem:v47+s20+$0x0] =	vst.idx.add.f32.msk $0xffff, v63  }
0x1e4: {  	vm6 =	veq.s32 v0, $0x9;
	v48 =	vtrunc.f32 v48;
	v9 =	vcvt.f32.s32 v9;
	v47 =	vld [tilespmem:$0x1FFC0]  }
0x1e5: {  	vm7 =	veq.s32 v0, $0xA;
	v46 =	vmul.f32 v2, v10;
	v31 =	vmul.f32 v2, v30;
	[tilespmem:v20+s20+$0x0] =	vst.idx.add.f32.msk $0xffff, v63  }
0x1e6: {  	vm8 =	veq.s32 v0, $0xB;
	v57 =	vmul.f32 v2, v56;
	v35 =	vmul.f32 v2, v34;
	[tilespmem:v4+s20+$0x0] =	vst.idx.add.f32.msk $0xffff, v63  }
0x1e7: {  	v27 =	vcvt.f32.s32 v37;
	v33 =	vadd.f32 $1.024500000e+03, v31;
	v26 =	vsub.f32 $6.143500000e+03, v31;
	[tilespmem:v3+s20+$0x0] =	vst.idx.add.f32.msk $0xffff, v63  }
0x1e8: {  	v50 =	vadd.f32 $5.000000000e-01, v46;
	v10 =	vsub.f32 $5.119500000e+03, v46;
	v61 =	vmul.f32 v2, v60;
	[tilespmem:v40+s20+$0x0] =	vst.idx.add.f32.msk $0xffff, v63  }
0x1e9: {  	v58 =	vadd.f32 $5.125000000e+02, v57;
	v19 =	vsub.f32 $5.631500000e+03, v57;
	v26 =	vsel vm13, v26, v33;
	[tilespmem:v15+s20+$0x0] =	vst.idx.add.f32.msk $0xffff, v63  }
0x1ea: {  	v28 =	vadd.f32 $7.685000000e+02, v61;
	v24 =	vsub.f32 $5.887500000e+03, v61;
	v61 =	vtrunc.f32 v26;
	v26 =	vld [tilespmem:$0x1FF70]  }
0x1eb: {  	v36 =	vadd.f32 $1.280500000e+03, v35;
	v10 =	vsel vm9, v10, v50;
	v21 =	vsel vm10, v55, v54;
	v40 =	vld [tilespmem:$0x1FFA0]  }
0x1ec: {  	v19 =	vsel vm11, v19, v58;
	v50 =	vmul.f32 v2, v49;
	vm9 =	veq.s32 v0, $0xC;
	[tilespmem:v7+s20+$0x0] =	vst.idx.add.f32.msk $0xffff, v63  }
0x1ed: {  	vm10 =	veq.s32 v0, $0xD;
	v51 =	vtrunc.f32 v10;
	v21 =	vtrunc.f32 v21;
	[tilespmem:v13+s20+$0x0] =	vst.idx.add.f32.msk $0xffff, v63  }
0x1ee: {  	vm11 =	veq.s32 v0, $0xE;
	v56 =	vtrunc.f32 v19;
	v39 =	vmul.f32 v2, v38;
	v38 =	vld [tilespmem:$0x1FF90]  }
0x1ef: {  	vm13 =	veq.s32 v0, $0x10;
	v7 =	vcvt.f32.s32 v48;
	v11 =	vcvt.f32.s32 v56;
	v56 =	vld [tilespmem:$0x1FFE0]  }
0x1f0: {  	v52 =	vadd.f32 $1.792500000e+03, v50;
	v14 =	vsub.f32 $6.911500000e+03, v50;
	v55 =	vcvt.f32.s32 v21;
	[tilespmem:v41+s20+$0x0] =	vst.idx.add.f32.msk $0xffff, v63  }
0x1f1: {  	v3 =	vcvt.f32.s32 v61;
	v23 =	vsel vm12, v24, v28;
	v24 =	vcvt.f32.s32 v29;
	[tilespmem:v18+s20+$0x0] =	vst.idx.add.f32.msk $0xffff, v63  }
0x1f2: {  	v28 =	vsub.f32 $6.399500000e+03, v35;
	v54 =	vmul.f32 v2, v53;
	v29 =	vmul.f32 v2, v59;
	[tilespmem:v8+s20+$0x0] =	vst.idx.add.f32.msk $0xffff, v63  }
0x1f3: {  	vm12 =	veq.s32 v0, $0xF;
	v45 =	vadd.f32 $1.536500000e+03, v39;
	v46 =	vsub.f32 $6.655500000e+03, v39;
	[tilespmem:v17+s20+$0x0] =	vst.idx.add.f32.msk $0xffff, v63  }
0x1f4: {  	v10 =	vsel vm4, v14, v52;
	v8 =	vcvt.f32.s32 v51;
	v23 =	vtrunc.f32 v23;
	v51 =	vld [tilespmem:$0x1FFD0]  }
0x1f5: {  	v17 =	vmul.f32 v2, v32;
	v42 =	vsel vm14, v28, v36;
	[tilespmem:v44+s20+$0x0] =	vst.idx.add.f32.msk $0xffff, v63;
	v57 =	vadd.f32 $2.048500000e+03, v54  }
0x1f6: {  	v58 =	vsub.f32 $7.167500000e+03, v54;
	v60 =	vcvt.f32.s32 v23;
	v62 =	vadd.f32 $2.304500000e+03, v29;
	[tilespmem:v12+s20+$0x0] =	vst.idx.add.f32.msk $0xffff, v63  }
0x1f7: {  	v1 =	vsub.f32 $7.423500000e+03, v29;
	v10 =	vtrunc.f32 v10;
	v4 =	vtrunc.f32 v42;
	[tilespmem:v22+s20+$0x0] =	vst.idx.add.f32.msk $0xffff, v63  }
0x1f8: {  	v28 =	vsel vm15, v46, v45;
	v15 =	vmul.f32 v2, v26;
	v10 =	vcvt.f32.s32 v10;
	v45 =	vld [tilespmem:$0x1FFB0]  }
0x1f9: {  	v36 =	vadd.f32 $2.816500000e+03, v17;
	v17 =	vsub.f32 $7.935500000e+03, v17;
	v19 =	vsel vm5, v58, v57;
	[tilespmem:v16+s20+$0x0] =	vst.idx.add.f32.msk $0xffff, v63  }
0x1fa: {  	v29 =	vsel vm6, v1, v62;
	v4 =	vcvt.f32.s32 v4;
	v30 =	vtrunc.f32 v28;
	v57 =	vld [tilespmem:$0x1FFF0]  }
0x1fb: {  	v18 =	vmul.f32 v2, v38;
	v31 =	vadd.f32 $2.560500000e+03, v15;
	v34 =	vcvt.f32.s32 v30;
	[tilespmem:v24+s20+$0x0] =	vst.idx.add.f32.msk $0xffff, v63  }
0x1fc: {  	v15 =	vsub.f32 $7.679500000e+03, v15;
	v35 =	vtrunc.f32 v19;
	v13 =	vtrunc.f32 v29;
	[tilespmem:v25+s20+$0x0] =	vst.idx.add.f32.msk $0xffff, v63  }
0x1fd: {  	v17 =	vsel vm8, v17, v36;
	v19 =	vmul.f32 v2, v40;
	v37 =	vcvt.f32.s32 v35;
	[tilespmem:v8+s20+$0x0] =	vst.idx.add.f32.msk $0xffff, v63  }
0x1fe: {  	vm14 =	veq.s32 v0, $0x11;
	v13 =	vcvt.f32.s32 v13;
	v17 =	vtrunc.f32 v17;
	[tilespmem:v6+s20+$0x0] =	vst.idx.add.f32.msk $0xffff, v63  }
0x1ff: {  	v39 =	vadd.f32 $3.072500000e+03, v18;
	v18 =	vsub.f32 $8.191500000e+03, v18;
	v33 =	vsel vm7, v15, v31;
	[tilespmem:v55+s20+$0x0] =	vst.idx.add.f32.msk $0xffff, v63  }
0x200: {  	v42 =	vcvt.f32.s32 v17;
	v43 =	vadd.f32 $3.328500000e+03, v19;
	v17 =	vmul.f32 v2, v47;
	[tilespmem:v5+s20+$0x0] =	vst.idx.add.f32.msk $0xffff, v63  }
0x201: {  	v44 =	vsub.f32 $8.447500000e+03, v19;
	v12 =	vtrunc.f32 v33;
	v6 =	vsel vm9, v18, v39;
	[tilespmem:v11+s20+$0x0] =	vst.idx.add.f32.msk $0xffff, v63  }
0x202: {  	v41 =	vcvt.f32.s32 v12;
	v49 =	vadd.f32 $3.840500000e+03, v17;
	v17 =	vsub.f32 $8.959500000e+03, v17;
	[tilespmem:v27+s20+$0x0] =	vst.idx.add.f32.msk $0xffff, v63  }
0x203: {  	v6 =	vtrunc.f32 v6;
	v46 =	vsel vm10, v44, v43;
	v11 =	vmul.f32 v2, v51;
	[tilespmem:v60+s20+$0x0] =	vst.idx.add.f32.msk $0xffff, v63  }
0x204: {  	v6 =	vcvt.f32.s32 v6;
	[tilespmem:v9+s20+$0x0] =	vst.idx.add.f32.msk $0xffff, v63;
	v9 =	vmul.f32 v2, v45;
	v50 =	vsel vm12, v17, v49  }
0x205: {  	[tilespmem:v3+s20+$0x0] =	vst.idx.add.f32.msk $0xffff, v63;
	v54 =	vadd.f32 $4.096500000e+03, v11;
	v55 =	vsub.f32 $9.215500000e+03, v11;
	v11 =	vmul.f32 v2, v56  }
0x206: {  	v2 =	vmul.f32 v2, v57;
	[tilespmem:v7+s20+$0x0] =	vst.idx.add.f32.msk $0xffff, v63;
	v48 =	vadd.f32 $3.584500000e+03, v9;
	v9 =	vsub.f32 $8.703500000e+03, v9  }
0x207: {  	vm15 =	veq.s32 v0, $0x12;
	v7 =	vtrunc.f32 v46;
	v53 =	vtrunc.f32 v50;
	[tilespmem:v4+s20+$0x0] =	vst.idx.add.f32.msk $0xffff, v63  }
0x208: {  	v7 =	vcvt.f32.s32 v7;
	[tilespmem:v34+s20+$0x0] =	vst.idx.add.f32.msk $0xffff, v63;
	v4 =	vsel vm13, v55, v54;
	v8 =	vsel vm11, v9, v48  }
0x209: {  	v58 =	vadd.f32 $4.352500000e+03, v11;
	v59 =	vsub.f32 $9.471500000e+03, v11;
	[tilespmem:v10+s20+$0x0] =	vst.idx.add.f32.msk $0xffff, v63;
	v8 =	vtrunc.f32 v8  }
0x20a: {  	v60 =	vadd.f32 $4.608500000e+03, v2;
	v2 =	vsub.f32 $9.727500000e+03, v2;
	[tilespmem:v37+s20+$0x0] =	vst.idx.add.f32.msk $0xffff, v63;
	v52 =	vcvt.f32.s32 v8  }
0x20b: {  	v4 =	vtrunc.f32 v4;
	v9 =	vsel vm14, v59, v58;
	[tilespmem:v13+s20+$0x0] =	vst.idx.add.f32.msk $0xffff, v63;
	v8 =	vcvt.f32.s32 v53  }
0x20c: {  	v61 =	vcvt.f32.s32 v4;
	v2 =	vsel vm15, v2, v60;
	v62 =	vtrunc.f32 v9;
	[tilespmem:v41+s20+$0x0] =	vst.idx.add.f32.msk $0xffff, v63  }
0x20d: {  	v2 =	vtrunc.f32 v2;
	v4 =	vcvt.f32.s32 v62;
	[tilespmem:v42+s20+$0x0] =	vst.idx.add.f32.msk $0xffff, v63  }
0x20e: {  	s28 =	sadd.s32 $0x6, s28;
	v2 =	vcvt.f32.s32 v2;
	[tilespmem:v6+s20+$0x0] =	vst.idx.add.f32.msk $0xffff, v63  }
0x20f: {  	p0 =	slt.u32 s28, $0x78;
	[tilespmem:v7+s20+$0x0] =	vst.idx.add.f32.msk $0xffff, v63  }
.Ltmp1:
0x210: {  	[tilespmem:v52+s20+$0x0] =	vst.idx.add.f32.msk $0xffff, v63;
	(pc) =	sbr.rel @p0 .LBB2_5-.Ltmp1, $4  }
0x211: {  	s22 =	sadd.s32 $0x3, s22;
	[tilespmem:v8+s20+$0x0] =	vst.idx.add.f32.msk $0xffff, v63  }
0x212: {  	s1 =	sadd.s32 $0x3, s1;
	s26 =	sadd.s32 $0x3, s26;
	s30 =	sadd.s32 $0x6, s30;
	[tilespmem:v61+s20+$0x0] =	vst.idx.add.f32.msk $0xffff, v63  }
0x213: {  	s0 =	sadd.s32 $0x60, s0;
	s9 =	simm.s32 $0x3F60;
	s29 =	sadd.s32 $0x6, s29;
	[tilespmem:v4+s20+$0x0] =	vst.idx.add.f32.msk $0xffff, v63  }
0x214: {  	s7 =	sadd.s32 $0x300, s7;
	s8 =	simm.s32 $0x0;
	s31 =	sadd.s32 $0x60, s31;
	[tilespmem:v2+s20+$0x0] =	vst.idx.add.f32.msk $0xffff, v63  }
.LBB2_6:
0x215: {  	s0 =	sshra.s32 s8, $0x2  }
0x216: {  	v0 =	vld [tilespmem:s0+$0x3C60]  }
0x217: {  	v2 =	vld [tilespmem:s0+$0x3CE0]  }
0x218: {  	v3 =	vld [tilespmem:s0+$0x3D60]  }
0x219: {  	v4 =	vld [tilespmem:s0+$0x3DE0]  }
0x21a: {  	v5 =	vld [tilespmem:s0+$0x3E60]  }
0x21b: {  	v6 =	vld [tilespmem:s0+$0x3EE0];
	v0 =	vmul.f32 $1.442695020e+00, v0  }
0x21c: {  	s1 =	sor.u32 $0x380, s9;
	v7 =	vld [tilespmem:s0+$0x3F60];
	v2 =	vmul.f32 $1.442695020e+00, v2  }
0x21d: {  	v36 =	vld [tilespmem:s1+$0x0];
	v35 =	vmul.f32 $1.442695020e+00, v3;
	(erf) = vpow2.f32 v0  }
0x21e: {  	v38 =	vld [tilespmem:s0+$0x7C60];
	v37 =	vmul.f32 $1.442695020e+00, v4;
	(erf) = vpow2.f32 v2  }
0x21f: {  	v40 =	vld [tilespmem:s0+$0x7CE0];
	v39 =	vmul.f32 $1.442695020e+00, v5;
	(erf) = vpow2.f32 v35  }
0x220: {  	v42 =	vld [tilespmem:s0+$0x7D60];
	v41 =	vmul.f32 $1.442695020e+00, v6;
	(erf) = vpow2.f32 v37  }
0x221: {  	v44 =	vld [tilespmem:s0+$0x7DE0];
	v43 =	vmul.f32 $1.442695020e+00, v7;
	(erf) = vpow2.f32 v39  }
0x222: {  	v46 =	vld [tilespmem:s0+$0x7E60];
	v45 =	vmul.f32 $1.442695020e+00, v36;
	(erf) = vpow2.f32 v41  }
0x223: {  	v48 =	vld [tilespmem:s0+$0x7EE0];
	v47 =	vmul.f32 $1.442695020e+00, v38;
	(erf) = vpow2.f32 v43  }
0x224: {  	v50 =	vld [tilespmem:s0+$0x7F60];
	v49 =	vmul.f32 $1.442695020e+00, v40;
	(erf) = vpow2.f32 v45  }
0x225: {  	v52 =	vld [tilespmem:s0+$0x7FE0];
	v51 =	vmul.f32 $1.442695020e+00, v42;
	(erf) = vpow2.f32 v47  }
0x226: {  	v53 =	vmul.f32 $1.442695020e+00, v44;
	v8 =	vpop (erf);
	(erf) = vpow2.f32 v49  }
0x227: {  	v55 =	vmul.f32 $1.442695020e+00, v46;
	v54 =	vpop (erf);
	(erf) = vpow2.f32 v51  }
0x228: {  	v56 =	vld [tilespmem:s0+$0xBC60];
	v57 =	vmul.f32 $1.442695020e+00, v48;
	v9 =	vpop (erf);
	(erf) = vpow2.f32 v53  }
0x229: {  	v58 =	vld [tilespmem:s0+$0xBCE0];
	v59 =	vmul.f32 $1.442695020e+00, v50;
	v10 =	vpop (erf);
	(erf) = vpow2.f32 v55  }
0x22a: {  	v61 =	vmul.f32 $1.442695020e+00, v52;
	v60 =	vpop (erf);
	(erf) = vpow2.f32 v57  }
0x22b: {  	v25 =	vld [tilespmem:s0+$0xBD60];
	v62 =	vpop (erf);
	(erf) = vpow2.f32 v59  }
0x22c: {  	v11 =	vpop (erf);
	(erf) = vpow2.f32 v61  }
0x22d: {  	v26 =	vmul.f32 $1.442695020e+00, v56;
	v12 =	vpop (erf)  }
0x22e: {  	v27 =	vmul.f32 $1.442695020e+00, v58;
	v13 =	vpop (erf)  }
0x22f: {  	(erf) = vpow2.f32 v26;
	v14 =	vpop (erf)  }
0x230: {  	v0 =	vmul.f32 $1.442695020e+00, v25;
	(erf) = vpow2.f32 v27;
	v15 =	vpop (erf)  }
0x231: {  	v16 =	vpop (erf)  }
0x232: {  	(erf) = vpow2.f32 v0;
	v17 =	vpop (erf)  }
0x233: {  	v28 =	vadd.f32 v54, v8;
	v29 =	vadd.f32 v10, v9;
	v18 =	vpop (erf)  }
0x234: {  	v30 =	vadd.f32 v62, v60;
	v20 =	vadd.f32 v12, v11;
	v19 =	vpop (erf)  }
0x235: {  	v22 =	vadd.f32 v14, v13;
	v23 =	vadd.f32 v16, v15;
	v21 =	vpop (erf)  }
0x236: {  	v24 =	vadd.f32 v18, v17;
	v25 =	vadd.f32 v21, v19  }
0x237: {  	v0 =	vadd.f32 v29, v28;
	v3 =	vadd.f32 v20, v30  }
0x238: {  	v33 =	vadd.f32 v23, v22;
	v31 =	vpop (erf);
	v34 =	vadd.f32 v25, v24  }
0x239: {  	v0 =	vadd.f32 v3, v0;
	v32 =	vpop (erf)  }
0x23a: {  	v35 =	vadd.f32 v32, v31;
	v20 =	vadd.f32 v34, v33  }
0x23b: {  	v36 =	vpop (erf)  }
0x23c: {  	v37 =	vadd.f32 v36, v35;
	v0 =	vadd.f32 v20, v0;
	_ =	sdelay $0x1  }
0x23d: {  	v0 =	vadd.f32 v37, v0;
	_ =	sdelay $0x1  }
0x23e: {  	(erf) = vrcp.f32 v0;
	_ =	sdelay $0x3  }
0x23f: {  	v39 =	vld [tilespmem:s0+$0x187E0];
	_ =	sdelay $0x4  }
0x240: {  	vm0 =	veq.s32 v39, $0x0;
	vm10 =	veq.s32 v39, $0x1;
	v38 =	vpop (erf)  }
0x241: {  	vm11 =	veq.s32 v39, $0x2;
	vm12 =	veq.s32 v39, $0x3;
	v20 =	vmul.f32 $2.550000000e+02, v38  }
0x242: {  	vm13 =	veq.s32 v39, $0x4;
	vm14 =	veq.s32 v39, $0x5;
	vm15 =	veq.s32 v39, $0x6  }
0x243: {  	vm4 =	veq.s32 v39, $0x7;
	vm5 =	veq.s32 v39, $0x8;
	v8 =	vmul.f32 v20, v8  }
0x244: {  	vm6 =	veq.s32 v39, $0x9;
	vm7 =	veq.s32 v39, $0xA;
	v7 =	vmul.f32 v20, v54  }
0x245: {  	v9 =	vmul.f32 v20, v9;
	v40 =	vadd.f32 $5.000000000e-01, v8;
	v8 =	vsub.f32 $5.119500000e+03, v8  }
0x246: {  	v10 =	vmul.f32 v20, v10;
	v41 =	vadd.f32 $2.565000000e+02, v7;
	v7 =	vsub.f32 $5.375500000e+03, v7  }
0x247: {  	v5 =	vmul.f32 v20, v60;
	v42 =	vadd.f32 $5.125000000e+02, v9;
	v9 =	vsub.f32 $5.631500000e+03, v9  }
0x248: {  	v6 =	vmul.f32 v20, v62;
	v43 =	vadd.f32 $7.685000000e+02, v10;
	v10 =	vsub.f32 $5.887500000e+03, v10  }
0x249: {  	v11 =	vmul.f32 v20, v11;
	v44 =	vadd.f32 $1.024500000e+03, v5;
	v5 =	vsub.f32 $6.143500000e+03, v5  }
0x24a: {  	v12 =	vmul.f32 v20, v12;
	v45 =	vadd.f32 $1.280500000e+03, v6;
	v6 =	vsub.f32 $6.399500000e+03, v6  }
0x24b: {  	v13 =	vmul.f32 v20, v13;
	v46 =	vadd.f32 $1.536500000e+03, v11;
	v11 =	vsub.f32 $6.655500000e+03, v11  }
0x24c: {  	v14 =	vmul.f32 v20, v14;
	v47 =	vadd.f32 $1.792500000e+03, v12;
	v12 =	vsub.f32 $6.911500000e+03, v12  }
0x24d: {  	v15 =	vmul.f32 v20, v15;
	v48 =	vadd.f32 $2.048500000e+03, v13;
	v13 =	vsub.f32 $7.167500000e+03, v13  }
0x24e: {  	v16 =	vmul.f32 v20, v16;
	v49 =	vadd.f32 $2.304500000e+03, v14;
	v14 =	vsub.f32 $7.423500000e+03, v14  }
0x24f: {  	v17 =	vmul.f32 v20, v17;
	v50 =	vadd.f32 $2.560500000e+03, v15;
	v15 =	vsub.f32 $7.679500000e+03, v15  }
0x250: {  	v18 =	vmul.f32 v20, v18;
	v51 =	vadd.f32 $2.816500000e+03, v16;
	v16 =	vsub.f32 $7.935500000e+03, v16  }
0x251: {  	v19 =	vmul.f32 v20, v19;
	v52 =	vadd.f32 $3.072500000e+03, v17;
	v17 =	vsub.f32 $8.191500000e+03, v17  }
0x252: {  	v21 =	vmul.f32 v20, v21;
	v53 =	vadd.f32 $3.328500000e+03, v18;
	v18 =	vsub.f32 $8.447500000e+03, v18  }
0x253: {  	v4 =	vmul.f32 v20, v31;
	v55 =	vadd.f32 $3.584500000e+03, v19;
	v19 =	vsub.f32 $8.703500000e+03, v19  }
0x254: {  	v2 =	vmul.f32 v20, v32;
	v56 =	vadd.f32 $3.840500000e+03, v21;
	v21 =	vsub.f32 $8.959500000e+03, v21  }
0x255: {  	v3 =	vmul.f32 v20, v36;
	v59 =	vadd.f32 $4.096500000e+03, v4;
	v4 =	vsub.f32 $9.215500000e+03, v4  }
0x256: {  	vm8 =	veq.s32 v39, $0xB;
	v60 =	vadd.f32 $4.352500000e+03, v2;
	v2 =	vsub.f32 $9.471500000e+03, v2  }
0x257: {  	vm9 =	veq.s32 v39, $0xC;
	v61 =	vadd.f32 $4.608500000e+03, v3;
	v3 =	vsub.f32 $9.727500000e+03, v3  }
0x258: {  	v8 =	vsel vm0, v8, v40;
	v7 =	vsel vm10, v7, v41;
	v9 =	vsel vm11, v9, v42  }
0x259: {  	v10 =	vsel vm12, v10, v43;
	v5 =	vsel vm13, v5, v44;
	v6 =	vsel vm14, v6, v45  }
0x25a: {  	v11 =	vsel vm15, v11, v46;
	v12 =	vsel vm4, v12, v47;
	v8 =	vtrunc.f32 v8  }
0x25b: {  	v13 =	vsel vm5, v13, v48;
	v7 =	vtrunc.f32 v7;
	v8 =	vcvt.f32.s32 v8  }
0x25c: {  	v14 =	vsel vm6, v14, v49;
	v9 =	vtrunc.f32 v9;
	v7 =	vcvt.f32.s32 v7  }
0x25d: {  	v15 =	vsel vm7, v15, v50;
	v10 =	vtrunc.f32 v10;
	v9 =	vcvt.f32.s32 v9  }
0x25e: {  	v16 =	vsel vm8, v16, v51;
	v5 =	vtrunc.f32 v5;
	v10 =	vcvt.f32.s32 v10  }
0x25f: {  	v17 =	vsel vm9, v17, v52;
	v6 =	vtrunc.f32 v6;
	v5 =	vcvt.f32.s32 v5  }
0x260: {  	vm10 =	veq.s32 v39, $0xD;
	v11 =	vtrunc.f32 v11;
	v6 =	vcvt.f32.s32 v6  }
0x261: {  	vm11 =	veq.s32 v39, $0xE;
	v12 =	vtrunc.f32 v12;
	v11 =	vcvt.f32.s32 v11;
	[tilespmem:v8+s20+$0x0] =	vst.idx.add.f32.msk $0xffff, v63  }
0x262: {  	vm12 =	veq.s32 v39, $0xF;
	v13 =	vtrunc.f32 v13;
	v12 =	vcvt.f32.s32 v12;
	[tilespmem:v7+s20+$0x0] =	vst.idx.add.f32.msk $0xffff, v63  }
0x263: {  	vm13 =	veq.s32 v39, $0x10;
	v14 =	vtrunc.f32 v14;
	v13 =	vcvt.f32.s32 v13;
	[tilespmem:v9+s20+$0x0] =	vst.idx.add.f32.msk $0xffff, v63  }
0x264: {  	vm14 =	veq.s32 v39, $0x11;
	v15 =	vtrunc.f32 v15;
	v14 =	vcvt.f32.s32 v14;
	[tilespmem:v10+s20+$0x0] =	vst.idx.add.f32.msk $0xffff, v63  }
0x265: {  	vm15 =	veq.s32 v39, $0x12;
	v16 =	vtrunc.f32 v16;
	v15 =	vcvt.f32.s32 v15;
	[tilespmem:v5+s20+$0x0] =	vst.idx.add.f32.msk $0xffff, v63  }
0x266: {  	v17 =	vtrunc.f32 v17;
	v18 =	vsel vm10, v18, v53;
	v16 =	vcvt.f32.s32 v16;
	[tilespmem:v6+s20+$0x0] =	vst.idx.add.f32.msk $0xffff, v63  }
0x267: {  	v57 =	vsel vm11, v19, v55;
	v17 =	vcvt.f32.s32 v17;
	v54 =	vtrunc.f32 v18;
	[tilespmem:v11+s20+$0x0] =	vst.idx.add.f32.msk $0xffff, v63  }
0x268: {  	v8 =	vcvt.f32.s32 v54;
	v7 =	vsel vm12, v21, v56;
	v9 =	vtrunc.f32 v57;
	[tilespmem:v12+s20+$0x0] =	vst.idx.add.f32.msk $0xffff, v63  }
0x269: {  	v4 =	vsel vm13, v4, v59;
	v7 =	vtrunc.f32 v7;
	v58 =	vcvt.f32.s32 v9;
	[tilespmem:v13+s20+$0x0] =	vst.idx.add.f32.msk $0xffff, v63  }
0x26a: {  	v2 =	vsel vm14, v2, v60;
	v4 =	vtrunc.f32 v4;
	v7 =	vcvt.f32.s32 v7;
	[tilespmem:v14+s20+$0x0] =	vst.idx.add.f32.msk $0xffff, v63  }
0x26b: {  	v3 =	vsel vm15, v3, v61;
	v2 =	vtrunc.f32 v2;
	v62 =	vcvt.f32.s32 v4;
	[tilespmem:v15+s20+$0x0] =	vst.idx.add.f32.msk $0xffff, v63  }
0x26c: {  	v3 =	vtrunc.f32 v3;
	v2 =	vcvt.f32.s32 v2;
	[tilespmem:v16+s20+$0x0] =	vst.idx.add.f32.msk $0xffff, v63  }
0x26d: {  	v3 =	vcvt.f32.s32 v3;
	[tilespmem:v17+s20+$0x0] =	vst.idx.add.f32.msk $0xffff, v63  }
0x26e: {  	p0 =	sne.s32 s8, $0x40;
	[tilespmem:v8+s20+$0x0] =	vst.idx.add.f32.msk $0xffff, v63  }
.Ltmp2:
0x26f: {  	[tilespmem:v58+s20+$0x0] =	vst.idx.add.f32.msk $0xffff, v63;
	(pc) =	sbr.rel @p0 .LBB2_6-.Ltmp2, $4  }
0x270: {  	[tilespmem:v7+s20+$0x0] =	vst.idx.add.f32.msk $0xffff, v63  }
0x271: {  	[tilespmem:v62+s20+$0x0] =	vst.idx.add.f32.msk $0xffff, v63  }
0x272: {  	[tilespmem:v2+s20+$0x0] =	vst.idx.add.f32.msk $0xffff, v63  }
0x273: {  	s9 =	sadd.s32 $0x90, s9;
	s8 =	sadd.s32 $0x40, s8;
	[tilespmem:v3+s20+$0x0] =	vst.idx.add.f32.msk $0xffff, v63  }
0x274: {  	s0 =	sadd.s32 $0x1000, s25  }
0x275: {  	s1 =	rddreg [dreg:$0x3];
	s0 =	sand.u32 $0x7000, s0  }
0x276: {  	s25 =	simm.s32 $0x0;
	s2 =	simm.s32 $0x4000;
	s0 =	sor.u32 s1, s0  }
0x277: {  	s5 =	simm.s32 $0x200000;
	s1 =	sadd.s32 s0, s6;
	s0 =	sshll.u32 s0, $0x2  }
0x278: {  	[tilespmem:s25], [sflag:$0x1] =	stream.strided.gather [hbm4b:s1+s2], $0xC000, s5, s2, $0x38;
	[tilespmem:$0x1B600] =	vst v63  }
0x279: {  	s0 =	sor.u32 s4, s0  }
0x27a: {  	s22 =	simm.s32 $0x80;
	s0 =	sshrl.u32 s0, $0x3  }
0x27b: {  	s23 =	simm.s32 $0x200;
	s26 =	simm.s32 $0x18000;
	s0 =	sadd.s32 s3, s0  }
0x27c: {  	[tilespmem:s26], [sflag:$0x3] =	stream.strided.gather [hbm4b:s0+s22], $0x800, s23, s22, $0x38;
	[tilespmem:$0x1B600] =	vst v63  }
0x27d: {  	s26 =	simm.s32 $0x2  }
0x27e: {  	_ =	swait.ge [sflag:s26], $0xC000  }
0x27f: {  	[sflag:s26] =	ssyncset.done $0x0  }
0x280: {  	s28 =	simm.s32 $0x4;
	s29 =	simm.s32 $0xFFFFFFFA;
	[sflag:s26] =	ssyncadd.s32 $0xFFFF4000  }
0x281: {  	s30 =	simm.s32 $0x18830;
	s7 =	simm.s32 $0x0;
	_ =	swait.ge [sflag:s28], $0x800  }
0x282: {  	s31 =	simm.s32 $0x0;
	s1 =	simm.s32 $0x1;
	[sflag:s28] =	ssyncset.done $0x0  }
0x283: {  	s0 =	simm.s32 $0x2;
	s22 =	simm.s32 $0x0;
	[sflag:s28] =	ssyncadd.s32 $0xFFFFF800  }
.LBB2_8:
0x284: {  	s15 =	sand.u32 $0x3C00, s31  }
0x285: {  	s8 =	sand.u32 $0x60, s22;
	s5 =	sor.u32 $0xC000, s15  }
0x286: {  	s9 =	sor.u32 s8, s5  }
0x287: {  	v0 =	vld [tilespmem:s9+$0x0]  }
0x288: {  	v2 =	vld [tilespmem:s9+$0x80]  }
0x289: {  	s2 =	sand.u32 $0x3, s7;
	v3 =	vld [tilespmem:s9+$0x100]  }
0x28a: {  	s2 =	sshll.u32 s2, $0x5;
	v4 =	vld [tilespmem:s9+$0x180]  }
0x28b: {  	s2 =	sadd.s32 s2, s31;
	v5 =	vld [tilespmem:s9+$0x200]  }
0x28c: {  	v6 =	vld [tilespmem:s9+$0x280];
	s11 =	sor.u32 $0x300, s2;
	v0 =	vmul.f32 $1.442695020e+00, v0  }
0x28d: {  	s10 =	sor.u32 $0x380, s2;
	s9 =	sor.u32 $0x10000, s15;
	v7 =	vld [tilespmem:s11+$0xC000];
	v2 =	vmul.f32 $1.442695020e+00, v2  }
0x28e: {  	v46 =	vld [tilespmem:s10+$0xC000];
	s11 =	sor.u32 s8, s9;
	s10 =	sor.u32 $0x10080, s15;
	v45 =	vmul.f32 $1.442695020e+00, v3;
	(erf) = vpow2.f32 v0  }
0x28f: {  	s21 =	sor.u32 $0x10100, s15;
	v48 =	vld [tilespmem:s11+$0x0];
	s12 =	sor.u32 s8, s10;
	v47 =	vmul.f32 $1.442695020e+00, v4;
	(erf) = vpow2.f32 v2  }
0x290: {  	s23 =	sor.u32 $0x10180, s15;
	s13 =	sor.u32 s8, s21;
	v50 =	vld [tilespmem:s12+$0x0];
	v49 =	vmul.f32 $1.442695020e+00, v5;
	(erf) = vpow2.f32 v45  }
0x291: {  	s17 =	sor.u32 $0x10200, s15;
	s14 =	sor.u32 s8, s23;
	v52 =	vld [tilespmem:s13+$0x0];
	v51 =	vmul.f32 $1.442695020e+00, v6;
	(erf) = vpow2.f32 v47  }
0x292: {  	s18 =	sor.u32 $0x10280, s15;
	s16 =	sor.u32 s8, s17;
	v54 =	vld [tilespmem:s14+$0x0];
	v53 =	vmul.f32 $1.442695020e+00, v7;
	(erf) = vpow2.f32 v49  }
0x293: {  	v56 =	vld [tilespmem:s16+$0x0];
	s16 =	sor.u32 $0x10300, s15;
	s12 =	sor.u32 s8, s18;
	v55 =	vmul.f32 $1.442695020e+00, v46;
	(erf) = vpow2.f32 v51  }
0x294: {  	s11 =	sor.u32 $0x10380, s15;
	v58 =	vld [tilespmem:s12+$0x0];
	s12 =	sor.u32 s8, s16;
	v57 =	vmul.f32 $1.442695020e+00, v48;
	(erf) = vpow2.f32 v53  }
0x295: {  	s13 =	sor.u32 s8, s11;
	v8 =	vld [tilespmem:s12+$0x0];
	v5 =	vmul.f32 $1.442695020e+00, v50;
	(erf) = vpow2.f32 v55  }
0x296: {  	v60 =	vld [tilespmem:s13+$0x0];
	v59 =	vmul.f32 $1.442695020e+00, v52;
	(erf) = vpow2.f32 v57  }
0x297: {  	s12 =	sor.u32 $0x14000, s15;
	v61 =	vmul.f32 $1.442695020e+00, v54;
	v2 =	vpop (erf);
	(erf) = vpow2.f32 v5  }
0x298: {  	s13 =	sor.u32 $0x14080, s15;
	v62 =	vmul.f32 $1.442695020e+00, v56;
	s14 =	sor.u32 s8, s12;
	v39 =	vpop (erf);
	(erf) = vpow2.f32 v59  }
0x299: {  	v9 =	vld [tilespmem:s14+$0x0];
	s14 =	sor.u32 s8, s13;
	v4 =	vmul.f32 $1.442695020e+00, v58;
	v35 =	vpop (erf);
	(erf) = vpow2.f32 v61  }
0x29a: {  	s15 =	sor.u32 $0x14100, s15;
	v10 =	vld [tilespmem:s14+$0x0];
	v11 =	vmul.f32 $1.442695020e+00, v8;
	v28 =	vpop (erf);
	(erf) = vpow2.f32 v62  }
0x29b: {  	s14 =	sor.u32 s8, s15;
	v12 =	vmul.f32 $1.442695020e+00, v60;
	v25 =	vpop (erf);
	(erf) = vpow2.f32 v4  }
0x29c: {  	v13 =	vld [tilespmem:s14+$0x0];
	v17 =	vpop (erf);
	(erf) = vpow2.f32 v11  }
0x29d: {  	v36 =	vpop (erf);
	(erf) = vpow2.f32 v12  }
0x29e: {  	v14 =	vmul.f32 $1.442695020e+00, v9;
	v37 =	vpop (erf)  }
0x29f: {  	v15 =	vmul.f32 $1.442695020e+00, v10;
	v38 =	vpop (erf)  }
0x2a0: {  	(erf) = vpow2.f32 v14;
	v49 =	vpop (erf)  }
0x2a1: {  	v16 =	vmul.f32 $1.442695020e+00, v13;
	(erf) = vpow2.f32 v15;
	v56 =	vpop (erf)  }
0x2a2: {  	v41 =	vpop (erf)  }
0x2a3: {  	v33 =	vpop (erf);
	(erf) = vpow2.f32 v16  }
0x2a4: {  	v18 =	vadd.f32 v39, v2;
	v19 =	vadd.f32 v28, v35;
	v8 =	vpop (erf)  }
0x2a5: {  	v20 =	vadd.f32 v17, v25;
	v21 =	vadd.f32 v37, v36;
	v10 =	vpop (erf)  }
0x2a6: {  	v22 =	vadd.f32 v49, v38;
	v9 =	vadd.f32 v41, v56;
	v3 =	vpop (erf)  }
0x2a7: {  	v11 =	vadd.f32 v8, v33;
	v12 =	vadd.f32 v3, v10  }
0x2a8: {  	v0 =	vadd.f32 v19, v18;
	v23 =	vadd.f32 v21, v20  }
0x2a9: {  	s8 =	sor.u32 $0x10, s8;
	v24 =	vadd.f32 v9, v22;
	v31 =	vpop (erf);
	v26 =	vadd.f32 v12, v11  }
0x2aa: {  	s5 =	sor.u32 s8, s5;
	v0 =	vadd.f32 v23, v0;
	v29 =	vpop (erf)  }
0x2ab: {  	v42 =	vld [tilespmem:s5+$0x0];
	v27 =	vadd.f32 v29, v31;
	v40 =	vadd.f32 v26, v24  }
0x2ac: {  	v43 =	vld [tilespmem:s5+$0x80];
	v32 =	vpop (erf)  }
0x2ad: {  	v44 =	vld [tilespmem:s5+$0x100];
	v7 =	vadd.f32 v32, v27;
	v0 =	vadd.f32 v40, v0  }
0x2ae: {  	v45 =	vld [tilespmem:s5+$0x180]  }
0x2af: {  	s2 =	sadd.s32 $0x10, s2;
	v46 =	vld [tilespmem:s5+$0x200];
	v0 =	vadd.f32 v7, v0  }
0x2b0: {  	s14 =	sor.u32 $0x300, s2;
	v47 =	vld [tilespmem:s5+$0x280];
	v5 =	vmul.f32 $1.442695020e+00, v42  }
0x2b1: {  	s2 =	sor.u32 $0x380, s2;
	v48 =	vld [tilespmem:s14+$0xC000];
	v50 =	vmul.f32 $1.442695020e+00, v43;
	(erf) = vrcp.f32 v0  }
0x2b2: {  	s9 =	sor.u32 s8, s9;
	v51 =	vld [tilespmem:s2+$0xC000];
	v4 =	vmul.f32 $1.442695020e+00, v44;
	(erf) = vpow2.f32 v5  }
0x2b3: {  	v52 =	vld [tilespmem:s9+$0x0];
	s14 =	sor.u32 s8, s10;
	v53 =	vmul.f32 $1.442695020e+00, v45;
	(erf) = vpow2.f32 v50  }
0x2b4: {  	s21 =	sor.u32 s8, s21;
	v54 =	vld [tilespmem:s14+$0x0];
	v55 =	vmul.f32 $1.442695020e+00, v46;
	(erf) = vpow2.f32 v4  }
0x2b5: {  	s23 =	sor.u32 s8, s23;
	v57 =	vld [tilespmem:s21+$0x0];
	v58 =	vmul.f32 $1.442695020e+00, v47;
	(erf) = vpow2.f32 v53  }
0x2b6: {  	s5 =	sor.u32 s8, s17;
	v59 =	vld [tilespmem:s23+$0x0];
	v62 =	vmul.f32 $1.442695020e+00, v48;
	(erf) = vpow2.f32 v55  }
0x2b7: {  	s9 =	sor.u32 s8, s18;
	v18 =	vmul.f32 $1.442695020e+00, v51;
	v16 =	vld [tilespmem:s5+$0x0];
	(erf) = vpow2.f32 v58  }
0x2b8: {  	s10 =	sor.u32 s8, s16;
	v19 =	vld [tilespmem:s9+$0x0];
	v20 =	vmul.f32 $1.442695020e+00, v52;
	(erf) = vpow2.f32 v62  }
0x2b9: {  	s11 =	sor.u32 s8, s11;
	v21 =	vld [tilespmem:s10+$0x0];
	v22 =	vmul.f32 $1.442695020e+00, v54;
	(erf) = vpow2.f32 v18  }
0x2ba: {  	v13 =	vld [tilespmem:s11+$0x0];
	v23 =	vmul.f32 $1.442695020e+00, v57;
	v9 =	vpop (erf);
	(erf) = vpow2.f32 v20  }
0x2bb: {  	v24 =	vmul.f32 $1.442695020e+00, v59;
	v61 =	vpop (erf);
	(erf) = vpow2.f32 v22  }
0x2bc: {  	s12 =	sor.u32 s8, s12;
	v26 =	vmul.f32 $1.442695020e+00, v16;
	v59 =	vpop (erf);
	(erf) = vpow2.f32 v23  }
0x2bd: {  	s13 =	sor.u32 s8, s13;
	v30 =	vmul.f32 $1.442695020e+00, v19;
	v27 =	vld [tilespmem:s12+$0x0];
	v60 =	vpop (erf);
	(erf) = vpow2.f32 v24  }
0x2be: {  	v34 =	vld [tilespmem:s13+$0x0];
	v43 =	vmul.f32 $1.442695020e+00, v21;
	v42 =	vpop (erf);
	(erf) = vpow2.f32 v26  }
0x2bf: {  	s14 =	sor.u32 s8, s15;
	v45 =	vmul.f32 $1.442695020e+00, v13;
	v47 =	vpop (erf);
	(erf) = vpow2.f32 v30  }
0x2c0: {  	v46 =	vld [tilespmem:s14+$0x0];
	v53 =	vpop (erf);
	(erf) = vpow2.f32 v43  }
0x2c1: {  	v51 =	vpop (erf);
	(erf) = vpow2.f32 v45  }
0x2c2: {  	v50 =	vmul.f32 $1.442695020e+00, v27;
	v55 =	vpop (erf)  }
0x2c3: {  	v52 =	vmul.f32 $1.442695020e+00, v34;
	v27 =	vpop (erf)  }
0x2c4: {  	(erf) = vpow2.f32 v50;
	v24 =	vpop (erf)  }
0x2c5: {  	v54 =	vmul.f32 $1.442695020e+00, v46;
	(erf) = vpow2.f32 v52;
	v23 =	vpop (erf)  }
0x2c6: {  	v21 =	vpop (erf)  }
0x2c7: {  	v20 =	vpop (erf);
	(erf) = vpow2.f32 v54  }
0x2c8: {  	v57 =	vadd.f32 v59, v61;
	v58 =	vadd.f32 v42, v60;
	v19 =	vpop (erf)  }
0x2c9: {  	v62 =	vadd.f32 v53, v47;
	v0 =	vadd.f32 v55, v51;
	v1 =	vpop (erf)  }
0x2ca: {  	v22 =	vadd.f32 v24, v27;
	v14 =	vadd.f32 v21, v23;
	v4 =	vpop (erf)  }
0x2cb: {  	s16 =	sadd.s32 $0x100, s31;
	s15 =	sadd.s32 $0x20, s22;
	v15 =	vadd.f32 v19, v20;
	v16 =	vadd.f32 v4, v1  }
0x2cc: {  	s17 =	sand.u32 $0x7C00, s16;
	s2 =	sand.u32 $0x60, s15;
	v7 =	vadd.f32 v58, v57;
	v11 =	vadd.f32 v0, v62  }
0x2cd: {  	s2 =	sor.u32 s2, s17;
	v26 =	vadd.f32 v14, v22;
	v6 =	vpop (erf);
	v30 =	vadd.f32 v16, v15  }
0x2ce: {  	s18 =	sand.u32 $0x3, s1;
	v46 =	vld [tilespmem:s2+$0xC180];
	v7 =	vadd.f32 v11, v7;
	v5 =	vpop (erf)  }
0x2cf: {  	s9 =	sshll.u32 s18, $0x5;
	v43 =	vld [tilespmem:s2+$0xC000];
	v34 =	vadd.f32 v5, v6;
	v40 =	vadd.f32 v30, v26  }
0x2d0: {  	v44 =	vld [tilespmem:s2+$0xC080];
	s5 =	sadd.s32 s9, s16;
	v50 =	vpop (erf)  }
0x2d1: {  	s9 =	sor.u32 $0x300, s5;
	s5 =	sor.u32 $0x380, s5;
	v45 =	vld [tilespmem:s2+$0xC100];
	v14 =	vadd.f32 v50, v34;
	v7 =	vadd.f32 v40, v7  }
0x2d2: {  	v58 =	vld [tilespmem:s5+$0xC000]  }
0x2d3: {  	v48 =	vld [tilespmem:s2+$0xC200];
	v7 =	vadd.f32 v14, v7  }
0x2d4: {  	v52 =	vld [tilespmem:s2+$0xC280];
	v12 =	vmul.f32 $1.442695020e+00, v43;
	v62 =	vmul.f32 $1.442695020e+00, v46  }
0x2d5: {  	v57 =	vld [tilespmem:s9+$0xC000];
	v54 =	vmul.f32 $1.442695020e+00, v44;
	(erf) = vrcp.f32 v7  }
0x2d6: {  	v0 =	vld [tilespmem:s2+$0x10000];
	v11 =	vmul.f32 $1.442695020e+00, v45;
	(erf) = vpow2.f32 v12  }
0x2d7: {  	v43 =	vld [tilespmem:s2+$0x10180];
	v44 =	vmul.f32 $1.442695020e+00, v58;
	(erf) = vpow2.f32 v54  }
0x2d8: {  	v22 =	vmul.f32 $1.442695020e+00, v48;
	v26 =	vld [tilespmem:s2+$0x10080];
	(erf) = vpow2.f32 v11  }
0x2d9: {  	v30 =	vmul.f32 $1.442695020e+00, v52;
	v34 =	vld [tilespmem:s2+$0x10100];
	(erf) = vpow2.f32 v62  }
0x2da: {  	v45 =	vld [tilespmem:s2+$0x10200];
	v40 =	vmul.f32 $1.442695020e+00, v57;
	(erf) = vpow2.f32 v22  }
0x2db: {  	v46 =	vmul.f32 $1.442695020e+00, v0;
	(erf) = vpow2.f32 v30  }
0x2dc: {  	v48 =	vld [tilespmem:s2+$0x10280];
	v13 =	vmul.f32 $1.442695020e+00, v43;
	(erf) = vpow2.f32 v40  }
0x2dd: {  	v14 =	vmul.f32 $1.442695020e+00, v26;
	v22 =	vld [tilespmem:s2+$0x10300];
	(erf) = vpow2.f32 v44  }
0x2de: {  	v52 =	vmul.f32 $1.442695020e+00, v34;
	v7 =	vpop (erf);
	(erf) = vpow2.f32 v46  }
0x2df: {  	v54 =	vld [tilespmem:s2+$0x10380];
	v62 =	vmul.f32 $1.442695020e+00, v45;
	v58 =	vpop (erf);
	(erf) = vpow2.f32 v14  }
0x2e0: {  	v30 =	vpop (erf);
	(erf) = vpow2.f32 v52  }
0x2e1: {  	v40 =	vmul.f32 $1.442695020e+00, v48;
	v26 =	vpop (erf);
	(erf) = vpow2.f32 v13  }
0x2e2: {  	v0 =	vld [tilespmem:s2+$0x14000];
	v46 =	vmul.f32 $1.442695020e+00, v22;
	v18 =	vpop (erf);
	(erf) = vpow2.f32 v62  }
0x2e3: {  	v43 =	vld [tilespmem:s2+$0x14080];
	v62 =	vpop (erf)  }
0x2e4: {  	v48 =	vmul.f32 $1.442695020e+00, v54;
	v52 =	vld [tilespmem:s2+$0x14100];
	(erf) = vpow2.f32 v40;
	v34 =	vpop (erf)  }
0x2e5: {  	(erf) = vpow2.f32 v46;
	v57 =	vpop (erf)  }
0x2e6: {  	(erf) = vpow2.f32 v48;
	v46 =	vpop (erf)  }
0x2e7: {  	v12 =	vmul.f32 $1.442695020e+00, v0;
	v40 =	vpop (erf)  }
0x2e8: {  	v54 =	vmul.f32 $1.442695020e+00, v43;
	v43 =	vpop (erf)  }
0x2e9: {  	v11 =	vmul.f32 $1.442695020e+00, v52;
	(erf) = vpow2.f32 v12;
	v44 =	vpop (erf)  }
0x2ea: {  	(erf) = vpow2.f32 v54;
	v45 =	vpop (erf)  }
0x2eb: {  	v0 =	vpop (erf);
	(erf) = vpow2.f32 v11;
	_ =	sdelay $0x1  }
0x2ec: {  	v13 =	vadd.f32 v34, v62;
	v12 =	vadd.f32 v18, v26;
	v22 =	vpop (erf)  }
0x2ed: {  	v14 =	vadd.f32 v46, v57;
	v15 =	vadd.f32 v43, v40;
	v52 =	vpop (erf)  }
0x2ee: {  	v11 =	vadd.f32 v30, v58;
	v16 =	vadd.f32 v45, v44;
	[tilespmem:$0x1F300] =	vst v22;
	v48 =	vpop (erf)  }
0x2ef: {  	v22 =	vadd.f32 v22, v0;
	[tilespmem:$0x1F320] =	vst v48;
	v48 =	vadd.f32 v48, v52  }
0x2f0: {  	s21 =	sadd.s32 $0x30, s22;
	s23 =	sadd.s32 $0x180, s31;
	[tilespmem:$0x1F2F0] =	vst v0;
	v11 =	vadd.f32 v12, v11;
	v12 =	vadd.f32 v14, v13  }
0x2f1: {  	s5 =	sand.u32 $0x7C00, s23;
	s2 =	sand.u32 $0x70, s21;
	v0 =	vadd.f32 v16, v15;
	[tilespmem:$0x1F310] =	vst v52;
	v54 =	vpop (erf);
	v48 =	vadd.f32 v48, v22  }
0x2f2: {  	s5 =	sor.u32 s2, s5;
	v11 =	vadd.f32 v12, v11;
	[tilespmem:$0x1F330] =	vst v54;
	v52 =	vpop (erf)  }
0x2f3: {  	[tilespmem:$0x1F340] =	vst v52;
	v52 =	vadd.f32 v52, v54;
	v54 =	vadd.f32 v48, v0;
	v0 =	vld [tilespmem:s5+$0xC000];
	v16 =	vpop (erf)  }
0x2f4: {  	[tilespmem:$0x1F350] =	vst v16  }
0x2f5: {  	v14 =	vadd.f32 v16, v52;
	v11 =	vadd.f32 v54, v11;
	v22 =	vld [tilespmem:s5+$0xC080]  }
0x2f6: {  	v48 =	vld [tilespmem:s5+$0xC100]  }
0x2f7: {  	v52 =	vld [tilespmem:s5+$0xC180];
	v11 =	vadd.f32 v14, v11  }
0x2f8: {  	v54 =	vld [tilespmem:s5+$0xC200];
	v13 =	vmul.f32 $1.442695020e+00, v0  }
0x2f9: {  	(erf) = vrcp.f32 v11  }
0x2fa: {  	v11 =	vmul.f32 $2.550000000e+02, v9;
	(erf) = vpow2.f32 v13  }
0x2fb: {  	v12 =	vmul.f32 $1.442695020e+00, v22;
	v15 =	vmul.f32 $1.442695020e+00, v48  }
0x2fc: {  	s10 =	sand.u32 $0x7, s26;
	v9 =	vld [tilespmem:s30+$0xFFFFFFD0];
	v48 =	vmul.f32 $1.442695020e+00, v52;
	v2 =	vmul.f32 v11, v2  }
0x2fd: {  	s2 =	sshll.u32 s10, $0x4;
	v52 =	vmul.f32 $1.442695020e+00, v54;
	v17 =	vmul.f32 v11, v17  }
0x2fe: {  	s2 =	sadd.s32 s31, s2;
	v22 =	vld [tilespmem:s5+$0xC280];
	v8 =	vmul.f32 v11, v8;
	v10 =	vmul.f32 v11, v10  }
0x2ff: {  	s2 =	sadd.s32 $0x190, s2;
	v3 =	vmul.f32 v11, v3;
	v29 =	vmul.f32 v11, v29  }
0x300: {  	s2 =	sor.u32 $0x300, s2;
	v14 =	vld [tilespmem:s5+$0xC300];
	(erf) = vpow2.f32 v12;
	v54 =	vadd.f32 $5.000000000e-01, v2;
	v2 =	vsub.f32 $5.119500000e+03, v2  }
0x301: {  	(erf) = vpow2.f32 v15;
	v15 =	vld [tilespmem:s2+$0xC000];
	vm0 =	veq.s32 v9, $0x0;
	vm12 =	veq.s32 v9, $0x1  }
0x302: {  	vm13 =	veq.s32 v9, $0x2;
	(erf) = vpow2.f32 v48;
	v48 =	vmul.f32 v11, v39;
	v39 =	vld [tilespmem:s5+$0x10080]  }
0x303: {  	vm14 =	veq.s32 v9, $0x3;
	vm15 =	veq.s32 v9, $0x4;
	v13 =	vmul.f32 $1.442695020e+00, v22;
	v22 =	vld [tilespmem:s5+$0x10000]  }
0x304: {  	vm4 =	veq.s32 v9, $0x5;
	vm5 =	veq.s32 v9, $0x6;
	v2 =	vsel vm0, v2, v54  }
0x305: {  	(erf) = vpow2.f32 v52;
	v52 =	vmul.f32 $1.442695020e+00, v14;
	v54 =	vadd.f32 $2.565000000e+02, v48  }
0x306: {  	v12 =	vsub.f32 $5.375500000e+03, v48;
	(erf) = vpow2.f32 v13;
	v48 =	vmul.f32 $1.442695020e+00, v15  }
0x307: {  	vm1 =	veq.s32 v9, $0x7;
	v15 =	vld [tilespmem:s5+$0x10100];
	(erf) = vpow2.f32 v52;
	v52 =	vmul.f32 v11, v35  }
0x308: {  	v16 =	vld [tilespmem:s5+$0x10180];
	v12 =	vsel vm12, v12, v54;
	v39 =	vmul.f32 $1.442695020e+00, v39;
	v54 =	vmul.f32 $1.442695020e+00, v22  }
0x309: {  	vm6 =	veq.s32 v9, $0x8;
	(erf) = vpow2.f32 v48;
	v22 =	vld [tilespmem:s5+$0x10200];
	v48 =	vmul.f32 v11, v28  }
0x30a: {  	[tilespmem:$0x1F3C0] =	vst v2;
	v35 =	vadd.f32 $5.125000000e+02, v52;
	v2 =	vsub.f32 $5.631500000e+03, v52;
	v28 =	vld [tilespmem:s5+$0x10280];
	(erf) = vpow2.f32 v54  }
0x30b: {  	[tilespmem:$0x1F3D0] =	vst v12;
	v54 =	vadd.f32 $7.685000000e+02, v48;
	v12 =	vsub.f32 $5.887500000e+03, v48;
	(erf) = vpow2.f32 v39  }
0x30c: {  	vm7 =	veq.s32 v9, $0x9;
	v52 =	vmul.f32 $1.442695020e+00, v15;
	v15 =	vld [tilespmem:s5+$0x10300];
	v39 =	vmul.f32 v11, v25  }
0x30d: {  	v2 =	vsel vm13, v2, v35;
	v35 =	vmul.f32 $1.442695020e+00, v16;
	v12 =	vsel vm14, v12, v54  }
0x30e: {  	[tilespmem:$0x1F3E0] =	vst v2;
	(erf) = vpow2.f32 v52;
	v48 =	vmul.f32 $1.442695020e+00, v22;
	v52 =	vadd.f32 $1.024500000e+03, v39  }
0x30f: {  	v25 =	vld [tilespmem:s5+$0x10380];
	v54 =	vsub.f32 $6.143500000e+03, v39;
	v0 =	vmul.f32 $1.442695020e+00, v28;
	v39 =	vadd.f32 $1.280500000e+03, v17  }
0x310: {  	v2 =	vpop (erf);
	[tilespmem:$0x1F3F0] =	vst v12;
	v12 =	vsub.f32 $6.399500000e+03, v17;
	v17 =	vmul.f32 v11, v36;
	(erf) = vpow2.f32 v35  }
0x311: {  	vm8 =	veq.s32 v9, $0xA;
	v28 =	vpop (erf);
	(erf) = vpow2.f32 v48;
	v22 =	vmul.f32 $1.442695020e+00, v15  }
0x312: {  	v35 =	vpop (erf);
	v13 =	vsel vm15, v54, v52;
	v12 =	vsel vm4, v12, v39;
	(erf) = vpow2.f32 v0  }
0x313: {  	v14 =	vadd.f32 $1.536500000e+03, v17;
	v48 =	vpop (erf);
	(erf) = vpow2.f32 v22;
	v22 =	vmul.f32 v11, v37  }
0x314: {  	[tilespmem:$0x1F400] =	vst v13;
	v0 =	vmul.f32 $1.442695020e+00, v25;
	v13 =	vsub.f32 $6.655500000e+03, v17;
	v15 =	vmul.f32 v11, v38;
	v25 =	vpop (erf)  }
0x315: {  	vm9 =	veq.s32 v9, $0xB;
	[tilespmem:$0x1F410] =	vst v12;
	v52 =	vpop (erf);
	v17 =	vadd.f32 $1.792500000e+03, v22;
	v12 =	vsub.f32 $6.911500000e+03, v22  }
0x316: {  	vm10 =	veq.s32 v9, $0xC;
	v16 =	vld [tilespmem:s5+$0x14000];
	v54 =	vpop (erf);
	v22 =	vadd.f32 $2.048500000e+03, v15;
	v15 =	vsub.f32 $7.167500000e+03, v15  }
0x317: {  	vm11 =	veq.s32 v9, $0xD;
	[tilespmem:$0x1F360] =	vst v48;
	v13 =	vsel vm5, v13, v14;
	v14 =	vadd.f32 v35, v28;
	v38 =	vpop (erf)  }
0x318: {  	[tilespmem:$0x1F370] =	vst v25;
	(erf) = vpow2.f32 v0;
	v0 =	vpop (erf);
	v36 =	vsel vm6, v15, v22;
	v15 =	vadd.f32 v25, v48  }
0x319: {  	[tilespmem:$0x1F420] =	vst v13;
	v12 =	vsel vm1, v12, v17;
	v17 =	vadd.f32 v54, v52;
	v39 =	vpop (erf);
	v22 =	vadd.f32 v0, v38  }
0x31a: {  	vm12 =	veq.s32 v9, $0xE;
	vm13 =	veq.s32 v9, $0xF;
	v25 =	vmul.f32 v11, v49;
	[tilespmem:$0x1F430] =	vst v12;
	v12 =	vld [tilespmem:s5+$0x14080];
	v37 =	vpop (erf)  }
0x31b: {  	v16 =	vmul.f32 $1.442695020e+00, v16;
	v13 =	vld [tilespmem:s5+$0x14100];
	[tilespmem:$0x1F440] =	vst v36;
	v14 =	vadd.f32 v15, v14;
	v36 =	vpop (erf);
	v15 =	vadd.f32 v22, v17  }
0x31c: {  	vm14 =	veq.s32 v9, $0x10;
	[tilespmem:$0x1F3A0] =	vst v38;
	v17 =	vadd.f32 $2.304500000e+03, v25;
	v22 =	vsub.f32 $7.423500000e+03, v25;
	v48 =	vpop (erf)  }
0x31d: {  	[tilespmem:$0x1F3B0] =	vst v0;
	v38 =	vadd.f32 v37, v39;
	(erf) = vpow2.f32 v16;
	v0 =	vadd.f32 v48, v36  }
0x31e: {  	[tilespmem:$0x1F380] =	vst v52;
	v25 =	vmul.f32 v11, v56;
	v49 =	vpop (erf);
	v17 =	vsel vm7, v22, v17;
	v14 =	vadd.f32 v15, v14  }
0x31f: {  	[tilespmem:$0x1F390] =	vst v54;
	v22 =	vmul.f32 v11, v33;
	v52 =	vpop (erf);
	v12 =	vmul.f32 $1.442695020e+00, v12;
	v16 =	vadd.f32 v0, v38  }
0x320: {  	v13 =	vmul.f32 $1.442695020e+00, v13;
	v54 =	vpop (erf);
	v0 =	vadd.f32 $2.560500000e+03, v25;
	v25 =	vsub.f32 $7.679500000e+03, v25  }
0x321: {  	v33 =	vadd.f32 $3.072500000e+03, v22;
	v15 =	vsub.f32 $8.191500000e+03, v22;
	v56 =	vpop (erf);
	(erf) = vpow2.f32 v12  }
0x322: {  	v12 =	vadd.f32 v52, v49;
	v38 =	vadd.f32 v56, v54;
	(erf) = vpow2.f32 v13  }
0x323: {  	v13 =	vsel vm8, v25, v0;
	v0 =	vmul.f32 v11, v41;
	v41 =	vadd.f32 $3.328500000e+03, v8  }
0x324: {  	s13 =	sadd.s32 $0x200, s31;
	vm15 =	veq.s32 v9, $0x11;
	v8 =	vsub.f32 $8.447500000e+03, v8;
	v12 =	vadd.f32 v38, v12  }
0x325: {  	s12 =	sadd.s32 $0x40, s22;
	vm4 =	veq.s32 v9, $0x12;
	[tilespmem:$0x1F460] =	vst v13;
	v25 =	vadd.f32 $2.816500000e+03, v0;
	v13 =	vsub.f32 $7.935500000e+03, v0  }
0x326: {  	s11 =	sand.u32 $0x780, s22;
	s14 =	sand.u32 $0x7C00, s13;
	s5 =	sand.u32 $0x60, s12;
	v8 =	vsel vm11, v8, v41;
	v41 =	vadd.f32 $3.840500000e+03, v3;
	v3 =	vsub.f32 $8.959500000e+03, v3  }
0x327: {  	s2 =	sor.u32 s8, s11;
	s8 =	sor.u32 s5, s14;
	v22 =	vsub.f32 $8.703500000e+03, v10;
	[tilespmem:$0x1F490] =	vst v8;
	v8 =	vmul.f32 $2.550000000e+02, v7;
	v12 =	vadd.f32 v12, v16  }
0x328: {  	v38 =	vsel vm10, v15, v33;
	v0 =	vld [tilespmem:s8+$0xC080];
	v13 =	vsel vm9, v13, v25;
	v3 =	vsel vm13, v3, v41  }
0x329: {  	v60 =	vmul.f32 v8, v60;
	v12 =	vadd.f32 v12, v14;
	v14 =	vadd.f32 $3.584500000e+03, v10  }
0x32a: {  	v41 =	vadd.f32 $4.352500000e+03, v29;
	[tilespmem:$0x1F4B0] =	vst v3;
	v3 =	vld [tilespmem:s2+$0x18800];
	v53 =	vmul.f32 v8, v53;
	v6 =	vmul.f32 v8, v6;
	v25 =	vpop (erf)  }
0x32b: {  	[tilespmem:$0x1F480] =	vst v38;
	v5 =	vmul.f32 v8, v5;
	v33 =	vpop (erf);
	v14 =	vsel vm12, v22, v14;
	v22 =	vmul.f32 v11, v31  }
0x32c: {  	v11 =	vmul.f32 v11, v32;
	v38 =	vadd.f32 v33, v25;
	[tilespmem:$0x1F4A0] =	vst v14;
	v14 =	vsub.f32 $9.471500000e+03, v29  }
0x32d: {  	v7 =	vmul.f32 $1.442695020e+00, v0;
	v31 =	vadd.f32 $4.096500000e+03, v22;
	v32 =	vsub.f32 $9.215500000e+03, v22  }
0x32e: {  	v29 =	vmul.f32 v8, v61;
	v22 =	vadd.f32 $4.608500000e+03, v11;
	v11 =	vsub.f32 $9.727500000e+03, v11  }
0x32f: {  	vm5 =	veq.s32 v3, $0x0;
	vm6 =	veq.s32 v3, $0x1;
	vm7 =	veq.s32 v3, $0x2  }
0x330: {  	vm8 =	veq.s32 v3, $0x3;
	vm9 =	veq.s32 v3, $0x4;
	vm10 =	veq.s32 v3, $0x5  }
0x331: {  	v10 =	vpop (erf);
	vm11 =	veq.s32 v3, $0x6;
	vm12 =	veq.s32 v3, $0x7;
	vm13 =	veq.s32 v3, $0x8  }
0x332: {  	[tilespmem:$0x1F450] =	vst v17;
	v17 =	vadd.f32 v10, v38;
	v14 =	vsel vm15, v14, v41;
	v9 =	vsub.f32 $5.119500000e+03, v29  }
0x333: {  	[tilespmem:$0x1F470] =	vst v13;
	v41 =	vmul.f32 v8, v59;
	vm15 =	veq.s32 v3, $0xA;
	v13 =	vsel vm14, v32, v31  }
0x334: {  	v38 =	vld [tilespmem:s8+$0xC000];
	v11 =	vsel vm4, v11, v22;
	v32 =	vadd.f32 $5.000000000e-01, v29;
	v22 =	vadd.f32 $5.125000000e+02, v60  }
0x335: {  	v31 =	vld [tilespmem:s8+$0xC100];
	v29 =	vmul.f32 v8, v42;
	v42 =	vmul.f32 v8, v47;
	vm14 =	veq.s32 v3, $0x9  }
0x336: {  	[tilespmem:$0x1F4D0] =	vst v14;
	v14 =	vld [tilespmem:s8+$0xC200];
	vm4 =	veq.s32 v3, $0xB;
	v12 =	vadd.f32 v17, v12;
	v61 =	vadd.f32 $2.565000000e+02, v41  }
0x337: {  	v0 =	vsub.f32 $5.375500000e+03, v41;
	v59 =	vsel vm5, v9, v32;
	v9 =	vsub.f32 $5.631500000e+03, v60  }
0x338: {  	s15 =	sand.u32 $0x3, s0;
	[tilespmem:$0x1F4C0] =	vst v13;
	v41 =	vsub.f32 $5.887500000e+03, v29;
	v13 =	vsub.f32 $6.143500000e+03, v42;
	vm5 =	veq.s32 v3, $0xC  }
0x339: {  	s2 =	sshll.u32 s15, $0x5;
	v32 =	vld [tilespmem:s8+$0xC280];
	(erf) = vrcp.f32 v12;
	v60 =	vsel vm6, v0, v61;
	v0 =	vadd.f32 $1.024500000e+03, v42  }
0x33a: {  	s2 =	sadd.s32 s2, s13;
	[tilespmem:$0x1F4E0] =	vst v11;
	vm6 =	veq.s32 v3, $0xD;
	v38 =	vmul.f32 $1.442695020e+00, v38;
	v11 =	vmul.f32 $1.442695020e+00, v31  }
0x33b: {  	s16 =	sor.u32 $0x300, s2;
	v12 =	vld [tilespmem:s8+$0xC180];
	v31 =	vsel vm7, v9, v22;
	v14 =	vmul.f32 $1.442695020e+00, v14;
	v9 =	vsub.f32 $6.399500000e+03, v53  }
0x33c: {  	v61 =	vld [tilespmem:s16+$0xC000];
	vm7 =	veq.s32 v3, $0xE;
	(erf) = vpow2.f32 v38;
	[tilespmem:$0x1F4F0] =	vst v31;
	v31 =	vmul.f32 v8, v51  }
0x33d: {  	v38 =	vadd.f32 $7.685000000e+02, v29;
	v51 =	vmul.f32 v8, v55;
	v55 =	vmul.f32 v8, v27  }
0x33e: {  	v29 =	vadd.f32 $1.280500000e+03, v53;
	(erf) = vpow2.f32 v7;
	v7 =	vmul.f32 $1.442695020e+00, v32  }
0x33f: {  	v32 =	vsel vm9, v13, v0;
	vm9 =	veq.s32 v3, $0x10;
	(erf) = vpow2.f32 v11  }
0x340: {  	s2 =	sor.u32 $0x380, s2;
	v12 =	vmul.f32 $1.442695020e+00, v12;
	v47 =	vsel vm8, v41, v38;
	v38 =	vsel vm10, v9, v29  }
0x341: {  	v22 =	vld [tilespmem:s2+$0xC000];
	v42 =	vadd.f32 $1.536500000e+03, v31;
	v11 =	vmul.f32 $1.442695020e+00, v61;
	v13 =	vsub.f32 $6.911500000e+03, v51  }
0x342: {  	v29 =	vadd.f32 $2.048500000e+03, v55;
	v9 =	vsub.f32 $7.167500000e+03, v55;
	v55 =	vmul.f32 v8, v21  }
0x343: {  	vm8 =	veq.s32 v3, $0xF;
	[tilespmem:$0x1F500] =	vst v47;
	v47 =	vsub.f32 $6.655500000e+03, v31;
	v31 =	vmul.f32 v8, v24  }
0x344: {  	v41 =	vld [tilespmem:s8+$0x10000];
	vm10 =	veq.s32 v3, $0x11;
	v24 =	vmul.f32 v8, v20;
	(erf) = vpow2.f32 v12  }
0x345: {  	v61 =	vld [tilespmem:s8+$0x10080];
	[tilespmem:$0x1F520] =	vst v38;
	v38 =	vsel vm13, v9, v29;
	v9 =	vsub.f32 $7.935500000e+03, v55;
	(erf) = vpow2.f32 v14  }
0x346: {  	v14 =	vmul.f32 $1.442695020e+00, v22;
	v53 =	vsel vm11, v47, v42;
	v22 =	vadd.f32 $1.792500000e+03, v51  }
0x347: {  	v27 =	vld [tilespmem:s8+$0x10100];
	v42 =	vadd.f32 $2.304500000e+03, v31;
	v47 =	vsub.f32 $7.423500000e+03, v31;
	v51 =	vmul.f32 v8, v23  }
0x348: {  	[tilespmem:$0x1F550] =	vst v38;
	v38 =	vsub.f32 $8.191500000e+03, v24;
	vm11 =	veq.s32 v3, $0x12;
	(erf) = vpow2.f32 v7  }
0x349: {  	[tilespmem:$0x1F510] =	vst v32;
	(erf) = vpow2.f32 v11;
	v7 =	vmul.f32 $1.442695020e+00, v41;
	v32 =	vsel vm12, v13, v22  }
0x34a: {  	v31 =	vld [tilespmem:s8+$0x10300];
	[tilespmem:$0x1F530] =	vst v53;
	v11 =	vmul.f32 $1.442695020e+00, v61;
	v53 =	vsel vm14, v47, v42;
	v0 =	vadd.f32 $2.560500000e+03, v51  }
0x34b: {  	v13 =	vsub.f32 $7.679500000e+03, v51;
	v22 =	vadd.f32 $2.816500000e+03, v55;
	v47 =	vmul.f32 v8, v1  }
0x34c: {  	v21 =	vld [tilespmem:s8+$0x10280];
	(erf) = vpow2.f32 v14;
	[tilespmem:$0x1F540] =	vst v32;
	v14 =	vmul.f32 $1.442695020e+00, v27;
	v32 =	vadd.f32 $3.072500000e+03, v24  }
0x34d: {  	v41 =	vld [tilespmem:s8+$0x10180];
	(erf) = vpow2.f32 v7;
	v27 =	vsel vm15, v13, v0;
	v29 =	vsel vm4, v9, v22  }
0x34e: {  	v61 =	vld [tilespmem:s8+$0x10200];
	v20 =	vadd.f32 $3.584500000e+03, v47;
	v0 =	vsub.f32 $8.703500000e+03, v47;
	(erf) = vpow2.f32 v11  }
0x34f: {  	[tilespmem:$0x1F580] =	vst v29;
	v42 =	vsel vm5, v38, v32;
	v9 =	vmul.f32 $1.442695020e+00, v31;
	v29 =	vadd.f32 $4.096500000e+03, v6  }
0x350: {  	[tilespmem:$0x1F570] =	vst v27;
	v27 =	vmul.f32 v8, v50;
	v6 =	vsub.f32 $9.215500000e+03, v6;
	v32 =	vadd.f32 $4.352500000e+03, v5  }
0x351: {  	[tilespmem:$0x1F560] =	vst v53;
	v53 =	vld [tilespmem:s8+$0x10380];
	v5 =	vsub.f32 $9.471500000e+03, v5;
	(erf) = vpow2.f32 v14;
	v14 =	vmul.f32 $1.442695020e+00, v21  }
0x352: {  	v31 =	vld [tilespmem:s8+$0x14000];
	v21 =	vmul.f32 v8, v4;
	v0 =	vsel vm7, v0, v20;
	v23 =	vmul.f32 $1.442695020e+00, v41  }
0x353: {  	v11 =	vmul.f32 $1.442695020e+00, v61;
	v41 =	vmul.f32 v8, v19;
	v38 =	vsel vm9, v6, v29  }
0x354: {  	v7 =	vpop (erf);
	[tilespmem:$0x1F590] =	vst v42;
	v20 =	vld [tilespmem:s30+$0xFFFFFFF0];
	v42 =	vsel vm10, v5, v32;
	v24 =	vsub.f32 $8.959500000e+03, v21;
	(erf) = vpow2.f32 v23  }
0x355: {  	v19 =	vpop (erf);
	v55 =	vadd.f32 $3.328500000e+03, v41;
	v23 =	vadd.f32 $3.840500000e+03, v21;
	v21 =	vmul.f32 $2.550000000e+02, v2  }
0x356: {  	v51 =	vpop (erf);
	v61 =	vsub.f32 $8.447500000e+03, v41;
	(erf) = vpow2.f32 v11;
	v11 =	vmul.f32 $1.442695020e+00, v53  }
0x357: {  	v47 =	vadd.f32 $4.608500000e+03, v27;
	v4 =	vpop (erf);
	v2 =	vmul.f32 $1.442695020e+00, v31;
	(erf) = vpow2.f32 v14  }
0x358: {  	[tilespmem:$0x1F5B0] =	vst v0;
	v15 =	vpop (erf);
	v22 =	vsel vm6, v61, v55;
	v0 =	vsel vm8, v24, v23;
	v41 =	vmul.f32 v21, v58  }
0x359: {  	v58 =	vadd.f32 v51, v19;
	v61 =	vadd.f32 v15, v4;
	vm12 =	veq.s32 v20, $0x0  }
0x35a: {  	v18 =	vmul.f32 v21, v18;
	vm13 =	veq.s32 v20, $0x1;
	vm14 =	veq.s32 v20, $0x2  }
0x35b: {  	v31 =	vmul.f32 v21, v34;
	vm15 =	veq.s32 v20, $0x3;
	v46 =	vmul.f32 v21, v46  }
0x35c: {  	vm4 =	veq.s32 v20, $0x4;
	vm5 =	veq.s32 v20, $0x5;
	vm6 =	veq.s32 v20, $0x6  }
0x35d: {  	v16 =	vpop (erf);
	vm7 =	veq.s32 v20, $0x7;
	v44 =	vmul.f32 v21, v44;
	vm8 =	veq.s32 v20, $0x8  }
0x35e: {  	v12 =	vld [tilespmem:s8+$0x14080];
	vm9 =	veq.s32 v20, $0x9;
	vm10 =	veq.s32 v20, $0xA;
	[tilespmem:$0x1F5A0] =	vst v22;
	(erf) = vpow2.f32 v9;
	v14 =	vpop (erf)  }
0x35f: {  	v55 =	vld [tilespmem:s8+$0x14100];
	[tilespmem:$0x1F5C0] =	vst v0;
	v0 =	vsub.f32 $9.727500000e+03, v27;
	v22 =	vmul.f32 v21, v40;
	v13 =	vpop (erf);
	v50 =	vadd.f32 $5.000000000e-01, v41  }
0x360: {  	(erf) = vpow2.f32 v11;
	v53 =	vsub.f32 $5.119500000e+03, v41;
	v41 =	vadd.f32 v14, v16;
	v11 =	vpop (erf)  }
0x361: {  	[tilespmem:$0x1F5E0] =	vst v42;
	v0 =	vsel vm11, v0, v47;
	v40 =	vadd.f32 $2.048500000e+03, v22;
	vm11 =	veq.s32 v20, $0xB;
	v8 =	vpop (erf)  }
0x362: {  	v42 =	vadd.f32 v11, v13;
	[tilespmem:$0x1F5F0] =	vst v0;
	v47 =	vsel vm12, v53, v50;
	(erf) = vpow2.f32 v2;
	v9 =	vpop (erf)  }
0x363: {  	v0 =	vadd.f32 v61, v58;
	v53 =	vmul.f32 $1.442695020e+00, v12;
	[tilespmem:$0x1F600] =	vst v47;
	v47 =	vmul.f32 v21, v30;
	v6 =	vpop (erf)  }
0x364: {  	v55 =	vmul.f32 $1.442695020e+00, v55;
	v50 =	vadd.f32 v42, v41;
	v58 =	vadd.f32 v9, v8;
	v23 =	vpop (erf)  }
0x365: {  	(erf) = vpow2.f32 v53;
	v53 =	vadd.f32 $2.565000000e+02, v47;
	v17 =	vsub.f32 $5.375500000e+03, v47;
	v29 =	vpop (erf)  }
0x366: {  	v61 =	vadd.f32 v23, v6;
	v0 =	vadd.f32 v50, v0;
	v50 =	vmul.f32 v21, v26;
	v24 =	vpop (erf)  }
0x367: {  	[tilespmem:$0x1F5D0] =	vst v38;
	v26 =	vmul.f32 v21, v62;
	v62 =	vsub.f32 $6.911500000e+03, v46;
	v38 =	vadd.f32 v24, v29  }
0x368: {  	s17 =	sadd.s32 $0x50, s22;
	s18 =	sadd.s32 $0x280, s31;
	(erf) = vpow2.f32 v55;
	v27 =	vpop (erf);
	v42 =	vadd.f32 v61, v58;
	v55 =	vadd.f32 $5.125000000e+02, v50  }
0x369: {  	s5 =	sand.u32 $0x7C00, s18;
	s2 =	sand.u32 $0x70, s17;
	vm12 =	veq.s32 v20, $0xC;
	v2 =	vsub.f32 $5.631500000e+03, v50;
	v61 =	vadd.f32 $7.685000000e+02, v18;
	v12 =	vpop (erf)  }
0x36a: {  	s21 =	sor.u32 s2, s5;
	v58 =	vsel vm13, v17, v53;
	v18 =	vsub.f32 $5.887500000e+03, v18;
	v41 =	vadd.f32 v12, v27  }
0x36b: {  	v34 =	vadd.f32 $1.024500000e+03, v26;
	vm13 =	veq.s32 v20, $0xD;
	[tilespmem:$0x1F610] =	vst v58;
	v58 =	vld [tilespmem:s21+$0xC000];
	v30 =	vsel vm14, v2, v55  }
0x36c: {  	v32 =	vsel vm15, v18, v61;
	v3 =	vadd.f32 v41, v38;
	v38 =	vsub.f32 $6.143500000e+03, v26  }
0x36d: {  	v2 =	vsub.f32 $6.399500000e+03, v31;
	v41 =	vmul.f32 v21, v57;
	v57 =	vadd.f32 $1.792500000e+03, v46  }
0x36e: {  	[tilespmem:$0x1F620] =	vst v30;
	v26 =	vpop (erf);
	v3 =	vadd.f32 v3, v42;
	v42 =	vadd.f32 $1.280500000e+03, v31;
	v47 =	vsel vm4, v38, v34;
	v38 =	vld [tilespmem:s21+$0xC080]  }
0x36f: {  	s23 =	sand.u32 $0x7, s28;
	[tilespmem:$0x1F630] =	vst v32;
	v30 =	vpop (erf);
	v50 =	vadd.f32 $1.536500000e+03, v41;
	v55 =	vsub.f32 $6.655500000e+03, v41;
	v32 =	vsel vm7, v62, v57;
	v57 =	vld [tilespmem:s21+$0xC180]  }
0x370: {  	s2 =	sshll.u32 s23, $0x4;
	v53 =	vadd.f32 v30, v26;
	v41 =	vsub.f32 $7.167500000e+03, v22;
	v46 =	vmul.f32 $1.442695020e+00, v58;
	v62 =	vld [tilespmem:s21+$0xC280]  }
0x371: {  	s2 =	sadd.s32 s31, s2;
	v17 =	vpop (erf);
	v58 =	vmul.f32 v21, v45;
	v61 =	vsel vm5, v2, v42;
	v42 =	vmul.f32 v21, v43;
	v43 =	vld [tilespmem:s21+$0xC100]  }
0x372: {  	s2 =	sadd.s32 $0x290, s2;
	[tilespmem:$0x1F640] =	vst v47;
	v0 =	vadd.f32 v3, v0;
	v5 =	vadd.f32 v17, v53;
	v47 =	vsel vm8, v41, v40;
	v41 =	vld [tilespmem:s21+$0xC300]  }
0x373: {  	v31 =	vsel vm6, v55, v50;
	v55 =	vadd.f32 $2.560500000e+03, v44;
	v40 =	vsub.f32 $7.935500000e+03, v58;
	[tilespmem:$0x1F650] =	vst v61;
	v61 =	vld [tilespmem:s21+$0xC200]  }
0x374: {  	s2 =	sor.u32 $0x300, s2;
	vm14 =	veq.s32 v20, $0xE;
	[tilespmem:$0x1F660] =	vst v31;
	v31 =	vsub.f32 $7.679500000e+03, v44;
	v44 =	vld [tilespmem:$0x1F300];
	v0 =	vadd.f32 v5, v0  }
0x375: {  	[tilespmem:$0x1F680] =	vst v47;
	v47 =	vld [tilespmem:s2+$0xC000];
	v50 =	vadd.f32 $2.304500000e+03, v42;
	v53 =	vsub.f32 $7.423500000e+03, v42  }
0x376: {  	v42 =	vld [tilespmem:$0x1F2F0];
	v2 =	vmul.f32 $1.442695020e+00, v38;
	v5 =	vsel vm10, v31, v55;
	(erf) = vrcp.f32 v0  }
0x377: {  	v31 =	vadd.f32 $2.816500000e+03, v58;
	v18 =	vmul.f32 $1.442695020e+00, v57;
	v57 =	vld [tilespmem:s21+$0x10000];
	(erf) = vpow2.f32 v46  }
0x378: {  	v38 =	vld [tilespmem:$0x1F330];
	v0 =	vsel vm9, v53, v50;
	v22 =	vmul.f32 $1.442695020e+00, v43;
	v46 =	vmul.f32 $1.442695020e+00, v62  }
0x379: {  	v58 =	vld [tilespmem:s21+$0x10080];
	[tilespmem:$0x1F690] =	vst v0;
	v0 =	vsel vm11, v40, v31;
	v3 =	vmul.f32 $1.442695020e+00, v41;
	(erf) = vpow2.f32 v2  }
0x37a: {  	vm15 =	veq.s32 v20, $0xF;
	v62 =	vld [tilespmem:s21+$0x10100];
	[tilespmem:$0x1F6B0] =	vst v0;
	v0 =	vmul.f32 v21, v44;
	v45 =	vmul.f32 $1.442695020e+00, v61  }
0x37b: {  	vm4 =	veq.s32 v20, $0x10;
	v61 =	vld [tilespmem:$0x1F310];
	v44 =	vmul.f32 $1.442695020e+00, v47;
	(erf) = vpow2.f32 v22  }
0x37c: {  	vm5 =	veq.s32 v20, $0x11;
	v41 =	vld [tilespmem:s21+$0x10180];
	v43 =	vmul.f32 v21, v42;
	(erf) = vpow2.f32 v18  }
0x37d: {  	[tilespmem:$0x1F6A0] =	vst v5;
	v55 =	vadd.f32 $3.328500000e+03, v0;
	v5 =	vmul.f32 v21, v38;
	v38 =	vld [tilespmem:s21+$0x14100];
	(erf) = vpow2.f32 v45  }
0x37e: {  	v0 =	vsub.f32 $8.447500000e+03, v0;
	v50 =	vadd.f32 $3.072500000e+03, v43;
	v45 =	vld [tilespmem:$0x1F320];
	(erf) = vpow2.f32 v46  }
0x37f: {  	v53 =	vsub.f32 $8.191500000e+03, v43;
	v46 =	vmul.f32 $1.442695020e+00, v57;
	v57 =	vmul.f32 $1.442695020e+00, v62  }
0x380: {  	v47 =	vld [tilespmem:s21+$0x10200];
	v0 =	vsel vm13, v0, v55;
	v34 =	vmul.f32 v21, v61;
	(erf) = vpow2.f32 v3  }
0x381: {  	v55 =	vld [tilespmem:s21+$0x10280];
	v40 =	vsel vm12, v53, v50;
	v53 =	vmul.f32 $1.442695020e+00, v58;
	(erf) = vpow2.f32 v44  }
0x382: {  	v62 =	vld [tilespmem:s21+$0x10300];
	[tilespmem:$0x1F6D0] =	vst v0;
	v0 =	vmul.f32 $1.442695020e+00, v41;
	v42 =	vadd.f32 $3.584500000e+03, v34;
	(erf) = vpow2.f32 v46  }
0x383: {  	[tilespmem:$0x1F6C0] =	vst v40;
	v40 =	vld [tilespmem:s21+$0x10380];
	v43 =	vsub.f32 $8.703500000e+03, v34;
	v31 =	vpop (erf);
	v2 =	vmul.f32 $1.442695020e+00, v38;
	v22 =	vmul.f32 v21, v45  }
0x384: {  	vm6 =	veq.s32 v20, $0x12;
	(erf) = vpow2.f32 v53;
	v53 =	vld [tilespmem:s21+$0x14000];
	v31 =	vmul.f32 $2.550000000e+02, v31  }
0x385: {  	v45 =	vld [tilespmem:s30+$0x0];
	v50 =	vsel vm14, v43, v42;
	(erf) = vpow2.f32 v57;
	v42 =	vmul.f32 $1.442695020e+00, v47  }
0x386: {  	v43 =	vadd.f32 $4.096500000e+03, v5;
	v5 =	vsub.f32 $9.215500000e+03, v5;
	v3 =	vmul.f32 $1.442695020e+00, v55  }
0x387: {  	v58 =	vadd.f32 $3.840500000e+03, v22;
	v61 =	vsub.f32 $8.959500000e+03, v22;
	(erf) = vpow2.f32 v0  }
0x388: {  	v47 =	vpop (erf);
	v57 =	vmul.f32 $1.442695020e+00, v62;
	[tilespmem:$0x1F6E0] =	vst v50;
	v50 =	vld [tilespmem:$0x1F340];
	(erf) = vpow2.f32 v42;
	v55 =	vsel vm4, v5, v43  }
0x389: {  	v1 =	vld [tilespmem:$0x1F350];
	v46 =	vpop (erf);
	v62 =	vmul.f32 $1.442695020e+00, v40;
	v41 =	vsel vm15, v61, v58;
	(erf) = vpow2.f32 v3  }
0x38a: {  	v44 =	vpop (erf);
	(erf) = vpow2.f32 v57;
	v18 =	vmul.f32 $1.442695020e+00, v53;
	vm7 =	veq.s32 v45, $0x0  }
0x38b: {  	v58 =	vld [tilespmem:s21+$0x14080];
	vm8 =	veq.s32 v45, $0x1;
	vm9 =	veq.s32 v45, $0x2;
	vm10 =	veq.s32 v45, $0x3  }
0x38c: {  	vm11 =	veq.s32 v45, $0x4;
	vm12 =	veq.s32 v45, $0x5;
	vm13 =	veq.s32 v45, $0x6  }
0x38d: {  	vm14 =	veq.s32 v45, $0x7;
	vm15 =	veq.s32 v45, $0x8;
	v0 =	vmul.f32 v21, v50  }
0x38e: {  	[tilespmem:$0x1F670] =	vst v32;
	v43 =	vpop (erf);
	(erf) = vpow2.f32 v62;
	v62 =	vadd.f32 v46, v47;
	v21 =	vmul.f32 v21, v1  }
0x38f: {  	[tilespmem:$0x1F850] =	vst v46;
	vm4 =	veq.s32 v45, $0x9;
	v61 =	vadd.f32 $4.352500000e+03, v0;
	v0 =	vsub.f32 $9.471500000e+03, v0  }
0x390: {  	[tilespmem:$0x1F870] =	vst v43;
	v32 =	vpop (erf);
	v43 =	vadd.f32 v43, v44;
	v42 =	vsub.f32 $9.727500000e+03, v21;
	v3 =	vmul.f32 $1.442695020e+00, v58  }
0x391: {  	[tilespmem:$0x1F6F0] =	vst v41;
	v1 =	vpop (erf);
	(erf) = vpow2.f32 v18;
	v41 =	vadd.f32 $4.608500000e+03, v21;
	v0 =	vsel vm5, v0, v61  }
0x392: {  	v34 =	vpop (erf);
	v46 =	vadd.f32 v1, v32;
	(erf) = vpow2.f32 v3;
	[tilespmem:$0x1F710] =	vst v0;
	v0 =	vmul.f32 $2.550000000e+02, v7  }
0x393: {  	[tilespmem:$0x1F840] =	vst v47;
	v53 =	vpop (erf);
	v5 =	vsel vm6, v42, v41;
	vm5 =	veq.s32 v45, $0xA;
	(erf) = vpow2.f32 v2  }
0x394: {  	[tilespmem:$0x1F700] =	vst v55;
	v2 =	vadd.f32 v43, v62;
	v43 =	vld [tilespmem:$0x1F380];
	v42 =	vpop (erf);
	v50 =	vmul.f32 v0, v28;
	v55 =	vmul.f32 v0, v35  }
0x395: {  	[tilespmem:$0x1F860] =	vst v44;
	v41 =	vpop (erf);
	v28 =	vadd.f32 v53, v34;
	v36 =	vmul.f32 v0, v36;
	v52 =	vmul.f32 v0, v52  }
0x396: {  	v22 =	vmul.f32 v0, v56;
	v18 =	vmul.f32 v0, v25;
	[tilespmem:$0x1F8D0] =	vst v41;
	v41 =	vadd.f32 v41, v42  }
0x397: {  	[tilespmem:$0x1F8B0] =	vst v53;
	v10 =	vmul.f32 v0, v10;
	v57 =	vadd.f32 $5.000000000e-01, v50;
	v58 =	vsub.f32 $5.119500000e+03, v50  }
0x398: {  	[tilespmem:$0x1F720] =	vst v5;
	v25 =	vmul.f32 v31, v13;
	v40 =	vpop (erf);
	v61 =	vadd.f32 $2.565000000e+02, v55;
	v5 =	vsub.f32 $5.375500000e+03, v55  }
0x399: {  	[tilespmem:$0x1F8C0] =	vst v42;
	v38 =	vpop (erf);
	v3 =	vadd.f32 v28, v46;
	v55 =	vld [tilespmem:$0x1F360];
	v21 =	vmul.f32 v0, v43;
	v43 =	vmul.f32 v0, v48  }
0x39a: {  	[tilespmem:$0x1F8E0] =	vst v40;
	v46 =	vld [tilespmem:$0x1F390];
	v44 =	vpop (erf);
	v42 =	vadd.f32 v38, v40;
	v40 =	vmul.f32 v31, v11;
	v48 =	vmul.f32 v31, v9  }
0x39b: {  	v9 =	vmul.f32 v31, v30;
	[tilespmem:$0x1F900] =	vst v44;
	v47 =	vsel vm7, v58, v57;
	v50 =	vsel vm8, v5, v61;
	v61 =	vld [tilespmem:$0x1F370]  }
0x39c: {  	v11 =	vmul.f32 v31, v17;
	v53 =	vpop (erf);
	v2 =	vadd.f32 v3, v2;
	v3 =	vmul.f32 v0, v33;
	[tilespmem:$0x1F730] =	vst v47;
	v47 =	vld [tilespmem:$0x1F3A0]  }
0x39d: {  	[tilespmem:$0x1F910] =	vst v53;
	v44 =	vadd.f32 v53, v44;
	v7 =	vadd.f32 v42, v41;
	v53 =	vld [tilespmem:$0x1F3B0];
	v41 =	vmul.f32 v0, v39  }
0x39e: {  	vm6 =	veq.s32 v45, $0xB;
	v42 =	vmul.f32 v0, v37;
	v58 =	vpop (erf);
	v57 =	vmul.f32 v0, v55  }
0x39f: {  	[tilespmem:$0x1F880] =	vst v32;
	vm7 =	veq.s32 v45, $0xC;
	v62 =	vpop (erf);
	v32 =	vmul.f32 v0, v46;
	v46 =	vmul.f32 v0, v49  }
0x3a0: {  	v55 =	vmul.f32 v0, v54;
	v49 =	vmul.f32 v31, v6;
	v28 =	vadd.f32 v62, v58  }
0x3a1: {  	[tilespmem:$0x1F8A0] =	vst v34;
	v20 =	vmul.f32 v0, v61;
	v54 =	vadd.f32 $5.125000000e+02, v57;
	v5 =	vsub.f32 $5.631500000e+03, v57  }
0x3a2: {  	[tilespmem:$0x1F8F0] =	vst v38;
	v13 =	vsub.f32 $6.399500000e+03, v32;
	v34 =	vmul.f32 v0, v47;
	v38 =	vmul.f32 v0, v53  }
0x3a3: {  	[tilespmem:$0x1F740] =	vst v50;
	v50 =	vadd.f32 v28, v44;
	v0 =	vmul.f32 v31, v19;
	v47 =	vmul.f32 v31, v8  }
0x3a4: {  	v17 =	vld [tilespmem:$0x1F3E0];
	v44 =	vmul.f32 v31, v23;
	v53 =	vmul.f32 v31, v24;
	v56 =	vsel vm9, v5, v54  }
0x3a5: {  	v30 =	vld [tilespmem:$0x1F420];
	[tilespmem:$0x1F930] =	vst v62;
	v62 =	vadd.f32 $7.685000000e+02, v20;
	v20 =	vsub.f32 $5.887500000e+03, v20;
	v5 =	vmul.f32 v31, v16  }
0x3a6: {  	[tilespmem:$0x1F890] =	vst v1;
	v24 =	vld [tilespmem:$0x1F400];
	v57 =	vpop (erf);
	v54 =	vmul.f32 v31, v14;
	v7 =	vadd.f32 v50, v7;
	v50 =	vadd.f32 $1.024500000e+03, v21  }
0x3a7: {  	v14 =	vld [tilespmem:$0x1F3C0];
	[tilespmem:$0x1F750] =	vst v56;
	v61 =	vpop (erf);
	v56 =	vmul.f32 v31, v27;
	v19 =	vadd.f32 $1.536500000e+03, v34;
	v27 =	vsub.f32 $6.911500000e+03, v38  }
0x3a8: {  	[tilespmem:$0x1F950] =	vst v61;
	v1 =	vadd.f32 v61, v57;
	v61 =	vmul.f32 v31, v26;
	v26 =	vadd.f32 $1.792500000e+03, v38;
	v38 =	vld [tilespmem:$0x1F440]  }
0x3a9: {  	[tilespmem:$0x1F940] =	vst v57;
	v37 =	vsel vm10, v20, v62;
	v20 =	vsub.f32 $6.655500000e+03, v34;
	v34 =	vsub.f32 $7.167500000e+03, v41;
	v57 =	vld [tilespmem:$0x1F450]  }
0x3aa: {  	[tilespmem:$0x1F920] =	vst v58;
	v58 =	vadd.f32 v7, v2;
	v2 =	vmul.f32 v31, v4;
	v4 =	vmul.f32 v31, v15;
	v15 =	vld [tilespmem:$0x1F3D0]  }
0x3ab: {  	[tilespmem:$0x1F820] =	vst v9;
	v33 =	vpop (erf);
	v62 =	vadd.f32 $2.304500000e+03, v42;
	v7 =	vmul.f32 v31, v51;
	v51 =	vmul.f32 v31, v29;
	v29 =	vld [tilespmem:$0x1F410]  }
0x3ac: {  	[tilespmem:$0x1F960] =	vst v33;
	v35 =	vadd.f32 v33, v1;
	v1 =	vsub.f32 $6.143500000e+03, v21;
	v21 =	vld [tilespmem:$0x1F3F0];
	v23 =	vsel vm13, v20, v19  }
0x3ad: {  	v33 =	vadd.f32 $2.048500000e+03, v41;
	v20 =	vld [tilespmem:$0x1F480];
	v9 =	vtrunc.f32 v14;
	[tilespmem:$0x1F7A0] =	vst v23;
	v23 =	vsub.f32 $7.679500000e+03, v36  }
0x3ae: {  	v39 =	vadd.f32 v35, v58;
	v58 =	vmul.f32 v31, v12;
	v12 =	vadd.f32 $1.280500000e+03, v32;
	v32 =	vld [tilespmem:$0x1F430]  }
0x3af: {  	[tilespmem:$0x1F830] =	vst v11;
	v6 =	vsel vm11, v1, v50;
	v31 =	vsel vm14, v27, v26;
	v41 =	vsel vm15, v34, v33;
	v27 =	vld [tilespmem:$0x1F4A0]  }
0x3b0: {  	v1 =	vsub.f32 $7.423500000e+03, v42;
	v34 =	vld [tilespmem:$0x1F4D0];
	[tilespmem:$0x1F770] =	vst v6;
	v6 =	vtrunc.f32 v17;
	(erf) = vrcp.f32 v39  }
0x3b1: {  	v42 =	vld [tilespmem:$0x1F4E0];
	[tilespmem:$0x1F7C0] =	vst v41;
	v41 =	vsub.f32 $8.191500000e+03, v46;
	v11 =	vtrunc.f32 v15;
	v39 =	vcvt.f32.s32 v9  }
0x3b2: {  	v17 =	vld [tilespmem:$0x1F470];
	v16 =	vsel vm12, v13, v12;
	v35 =	vcvt.f32.s32 v6;
	v9 =	vtrunc.f32 v29  }
0x3b3: {  	[tilespmem:$0x1F7B0] =	vst v31;
	v31 =	vld [tilespmem:$0x1F4B0];
	v19 =	vsel vm4, v1, v62;
	v29 =	vadd.f32 $2.816500000e+03, v43;
	v28 =	vcvt.f32.s32 v11  }
0x3b4: {  	[tilespmem:$0x1F780] =	vst v16;
	v6 =	vtrunc.f32 v21;
	v11 =	vtrunc.f32 v30;
	v16 =	vld [tilespmem:$0x1F460];
	v21 =	vadd.f32 $2.560500000e+03, v36  }
0x3b5: {  	[tilespmem:$0x1F760] =	vst v37;
	v30 =	vsub.f32 $7.935500000e+03, v43;
	v37 =	vcvt.f32.s32 v6;
	v6 =	vtrunc.f32 v24;
	v24 =	vld [tilespmem:$0x1F490]  }
0x3b6: {  	[tilespmem:$0x1F790] =	vst v44;
	v36 =	vadd.f32 $3.072500000e+03, v46;
	v44 =	vcvt.f32.s32 v6;
	v6 =	vtrunc.f32 v32;
	v32 =	vld [tilespmem:$0x1F4C0]  }
0x3b7: {  	v62 =	vtrunc.f32 v60;
	v50 =	vcvt.f32.s32 v9;
	v33 =	vsel vm6, v30, v29;
	v30 =	vld [tilespmem:$0x1F4F0]  }
0x3b8: {  	v43 =	vsel vm7, v41, v36;
	v36 =	vadd.f32 $3.584500000e+03, v55;
	v41 =	vsub.f32 $8.703500000e+03, v55;
	v55 =	vld [tilespmem:$0x1F530]  }
0x3b9: {  	v12 =	vtrunc.f32 v20;
	v46 =	vtrunc.f32 v59;
	v26 =	vsel vm5, v23, v21;
	[tilespmem:$0x1F7F0] =	vst v33;
	v33 =	vld [tilespmem:$0x1F500]  }
0x3ba: {  	vm9 =	veq.s32 v45, $0xE;
	v15 =	vcvt.f32.s32 v12;
	[tilespmem:$0x1F7E0] =	vst v26;
	v26 =	vcvt.f32.s32 v46;
	v46 =	vld [tilespmem:$0x1F520]  }
0x3bb: {  	v8 =	vcvt.f32.s32 v6;
	v6 =	vtrunc.f32 v38;
	v1 =	vsel vm9, v41, v36;
	v36 =	vld [tilespmem:$0x1F560]  }
0x3bc: {  	v14 =	vtrunc.f32 v17;
	v17 =	vtrunc.f32 v31;
	v41 =	vld [tilespmem:$0x1F570]  }
0x3bd: {  	v9 =	vcvt.f32.s32 v6;
	v6 =	vtrunc.f32 v57;
	[tilespmem:v39+s20+$0x0] =	vst.idx.add.f32.msk $0xffff, v63  }
0x3be: {  	v59 =	vsub.f32 $8.447500000e+03, v52;
	v13 =	vtrunc.f32 v16;
	v16 =	vtrunc.f32 v34;
	v39 =	vld [tilespmem:$0x1F5F0]  }
0x3bf: {  	v57 =	vadd.f32 $3.328500000e+03, v52;
	v20 =	vcvt.f32.s32 v16;
	v16 =	vtrunc.f32 v42;
	v42 =	vld [tilespmem:$0x1F510]  }
0x3c0: {  	vm8 =	veq.s32 v45, $0xD;
	v38 =	vcvt.f32.s32 v6;
	v6 =	vcvt.f32.s32 v13;
	[tilespmem:v28+s20+$0x0] =	vst.idx.add.f32.msk $0xffff, v63  }
0x3c1: {  	[tilespmem:$0x1F7D0] =	vst v19;
	v12 =	vtrunc.f32 v24;
	v19 =	vtrunc.f32 v32;
	v32 =	vsel vm8, v59, v57;
	v57 =	vld [tilespmem:$0x1F540]  }
0x3c2: {  	v52 =	vadd.f32 $3.840500000e+03, v22;
	v13 =	vcvt.f32.s32 v12;
	v12 =	vtrunc.f32 v27;
	v59 =	vld [tilespmem:$0x1F550]  }
0x3c3: {  	v22 =	vsub.f32 $8.959500000e+03, v22;
	[tilespmem:v35+s20+$0x0] =	vst.idx.add.f32.msk $0xffff, v63;
	v21 =	vcvt.f32.s32 v12;
	v12 =	vcvt.f32.s32 v17  }
0x3c4: {  	vm10 =	veq.s32 v45, $0xF;
	v17 =	vcvt.f32.s32 v19;
	v29 =	vtrunc.f32 v46;
	v46 =	vld [tilespmem:$0x1F590]  }
0x3c5: {  	v19 =	vcvt.f32.s32 v16;
	v16 =	vcvt.f32.s32 v62;
	v62 =	vsel vm10, v22, v52;
	v52 =	vld [tilespmem:$0x1F5A0]  }
0x3c6: {  	v11 =	vcvt.f32.s32 v11;
	[tilespmem:v37+s20+$0x0] =	vst.idx.add.f32.msk $0xffff, v63  }
0x3c7: {  	[tilespmem:v44+s20+$0x0] =	vst.idx.add.f32.msk $0xffff, v63  }
0x3c8: {  	v44 =	vld [tilespmem:$0x1F620]  }
0x3c9: {  	[tilespmem:v26+s20+$0x0] =	vst.idx.add.f32.msk $0xffff, v63  }
0x3ca: {  	v26 =	vld [tilespmem:$0x1F700]  }
0x3cb: {  	[tilespmem:v50+s20+$0x0] =	vst.idx.add.f32.msk $0xffff, v63  }
0x3cc: {  	[tilespmem:v11+s20+$0x0] =	vst.idx.add.f32.msk $0xffff, v63  }
0x3cd: {  	[tilespmem:$0x1F800] =	vst v43;
	v43 =	vtrunc.f32 v42;
	v11 =	vld [tilespmem:$0x1F640]  }
0x3ce: {  	v31 =	vtrunc.f32 v30;
	v24 =	vcvt.f32.s32 v43;
	v43 =	vld [tilespmem:$0x1F580]  }
0x3cf: {  	v27 =	vcvt.f32.s32 v31;
	v31 =	vtrunc.f32 v57;
	v57 =	vld [tilespmem:$0x1F5B0]  }
0x3d0: {  	v42 =	vadd.f32 $4.352500000e+03, v3;
	v3 =	vsub.f32 $9.471500000e+03, v3;
	[tilespmem:v8+s20+$0x0] =	vst.idx.add.f32.msk $0xffff, v63  }
0x3d1: {  	vm12 =	veq.s32 v45, $0x11;
	v30 =	vtrunc.f32 v55;
	v8 =	vld [tilespmem:$0x1F650]  }
0x3d2: {  	v22 =	vcvt.f32.s32 v30;
	v30 =	vtrunc.f32 v59;
	v59 =	vsel vm12, v3, v42;
	v3 =	vld [tilespmem:s30+$0x10]  }
0x3d3: {  	[tilespmem:v9+s20+$0x0] =	vst.idx.add.f32.msk $0xffff, v63  }
0x3d4: {  	v14 =	vcvt.f32.s32 v14;
	[tilespmem:v38+s20+$0x0] =	vst.idx.add.f32.msk $0xffff, v63  }
0x3d5: {  	v34 =	vtrunc.f32 v33;
	v38 =	vld [tilespmem:$0x1F670]  }
0x3d6: {  	v23 =	vcvt.f32.s32 v34;
	[tilespmem:v16+s20+$0x0] =	vst.idx.add.f32.msk $0xffff, v63  }
0x3d7: {  	[tilespmem:v6+s20+$0x0] =	vst.idx.add.f32.msk $0xffff, v63  }
0x3d8: {  	[tilespmem:v27+s20+$0x0] =	vst.idx.add.f32.msk $0xffff, v63  }
0x3d9: {  	v27 =	vld [tilespmem:$0x1F720]  }
0x3da: {  	vm13 =	veq.s32 v45, $0x12;
	vm11 =	veq.s32 v45, $0x10;
	v60 =	vadd.f32 $4.096500000e+03, v18;
	[tilespmem:v14+s20+$0x0] =	vst.idx.add.f32.msk $0xffff, v63  }
0x3db: {  	v18 =	vsub.f32 $9.215500000e+03, v18;
	v55 =	vadd.f32 $4.608500000e+03, v10;
	[tilespmem:$0x1F810] =	vst v32;
	v32 =	vcvt.f32.s32 v29;
	v14 =	vld [tilespmem:$0x1F690]  }
0x3dc: {  	v10 =	vsub.f32 $9.727500000e+03, v10;
	v33 =	vtrunc.f32 v36;
	v29 =	vcvt.f32.s32 v31;
	[tilespmem:v23+s20+$0x0] =	vst.idx.add.f32.msk $0xffff, v63  }
0x3dd: {  	v60 =	vsel vm11, v18, v60;
	v31 =	vcvt.f32.s32 v33;
	v33 =	vtrunc.f32 v43;
	v43 =	vld [tilespmem:$0x1F5C0]  }
0x3de: {  	v18 =	vtrunc.f32 v41;
	v36 =	vtrunc.f32 v57;
	v57 =	vsel vm13, v10, v55;
	v55 =	vld [tilespmem:$0x1F5E0]  }
0x3df: {  	v41 =	vcvt.f32.s32 v18;
	[tilespmem:v15+s20+$0x0] =	vst.idx.add.f32.msk $0xffff, v63  }
0x3e0: {  	v18 =	vcvt.f32.s32 v33;
	v33 =	vtrunc.f32 v52;
	v52 =	vld [tilespmem:$0x1F5D0]  }
0x3e1: {  	[tilespmem:v13+s20+$0x0] =	vst.idx.add.f32.msk $0xffff, v63  }
0x3e2: {  	[tilespmem:v24+s20+$0x0] =	vst.idx.add.f32.msk $0xffff, v63  }
0x3e3: {  	[tilespmem:v21+s20+$0x0] =	vst.idx.add.f32.msk $0xffff, v63  }
0x3e4: {  	v21 =	vld [tilespmem:$0x1F6C0]  }
0x3e5: {  	[tilespmem:v32+s20+$0x0] =	vst.idx.add.f32.msk $0xffff, v63  }
0x3e6: {  	v32 =	vld [tilespmem:$0x1F750]  }
0x3e7: {  	v15 =	vadd.f32 $1.280500000e+03, v54;
	v6 =	vtrunc.f32 v38;
	v38 =	vsub.f32 $6.399500000e+03, v54;
	[tilespmem:v12+s20+$0x0] =	vst.idx.add.f32.msk $0xffff, v63  }
0x3e8: {  	v30 =	vcvt.f32.s32 v30;
	vm7 =	veq.s32 v3, $0x5;
	[tilespmem:v22+s20+$0x0] =	vst.idx.add.f32.msk $0xffff, v63  }
0x3e9: {  	v38 =	vsel vm7, v38, v15;
	v15 =	vld [tilespmem:$0x1F6B0]  }
0x3ea: {  	[tilespmem:v17+s20+$0x0] =	vst.idx.add.f32.msk $0xffff, v63  }
0x3eb: {  	[tilespmem:v29+s20+$0x0] =	vst.idx.add.f32.msk $0xffff, v63  }
0x3ec: {  	[tilespmem:v20+s20+$0x0] =	vst.idx.add.f32.msk $0xffff, v63  }
0x3ed: {  	v34 =	vtrunc.f32 v46;
	v20 =	vld [tilespmem:$0x1F6F0]  }
0x3ee: {  	v42 =	vcvt.f32.s32 v34;
	[tilespmem:v30+s20+$0x0] =	vst.idx.add.f32.msk $0xffff, v63  }
0x3ef: {  	v10 =	vtrunc.f32 v43;
	v34 =	vtrunc.f32 v52;
	v52 =	vld [tilespmem:$0x1F600]  }
0x3f0: {  	v46 =	vcvt.f32.s32 v10;
	v10 =	vld [tilespmem:$0x1F610]  }
0x3f1: {  	v33 =	vcvt.f32.s32 v33;
	[tilespmem:v19+s20+$0x0] =	vst.idx.add.f32.msk $0xffff, v63  }
0x3f2: {  	[tilespmem:v31+s20+$0x0] =	vst.idx.add.f32.msk $0xffff, v63  }
0x3f3: {  	v45 =	vadd.f32 $5.000000000e-01, v0;
	v0 =	vsub.f32 $5.119500000e+03, v0;
	v36 =	vcvt.f32.s32 v36;
	[tilespmem:v41+s20+$0x0] =	vst.idx.add.f32.msk $0xffff, v63  }
0x3f4: {  	vm14 =	veq.s32 v3, $0x0;
	[tilespmem:v18+s20+$0x0] =	vst.idx.add.f32.msk $0xffff, v63  }
0x3f5: {  	v43 =	vtrunc.f32 v55;
	v55 =	vsel vm14, v0, v45;
	[tilespmem:v42+s20+$0x0] =	vst.idx.add.f32.msk $0xffff, v63  }
0x3f6: {  	v0 =	vtrunc.f32 v39;
	v45 =	vadd.f32 $2.565000000e+02, v7;
	v7 =	vsub.f32 $5.375500000e+03, v7;
	v42 =	vld [tilespmem:$0x1F7C0]  }
0x3f7: {  	vm15 =	veq.s32 v3, $0x1;
	v43 =	vcvt.f32.s32 v43;
	v34 =	vcvt.f32.s32 v34;
	[tilespmem:v33+s20+$0x0] =	vst.idx.add.f32.msk $0xffff, v63  }
0x3f8: {  	v39 =	vcvt.f32.s32 v0;
	v0 =	vtrunc.f32 v52;
	v52 =	vsel vm15, v7, v45;
	v45 =	vld [tilespmem:$0x1F630]  }
0x3f9: {  	[tilespmem:v36+s20+$0x0] =	vst.idx.add.f32.msk $0xffff, v63  }
0x3fa: {  	v7 =	vtrunc.f32 v44;
	[tilespmem:v46+s20+$0x0] =	vst.idx.add.f32.msk $0xffff, v63  }
0x3fb: {  	v28 =	vadd.f32 $5.125000000e+02, v2;
	v35 =	vcvt.f32.s32 v0;
	v0 =	vtrunc.f32 v10;
	v46 =	vld [tilespmem:$0x1F7D0]  }
0x3fc: {  	v2 =	vsub.f32 $5.631500000e+03, v2;
	v37 =	vcvt.f32.s32 v0;
	v0 =	vtrunc.f32 v11;
	v11 =	vld [tilespmem:$0x1F660]  }
0x3fd: {  	v44 =	vadd.f32 $7.685000000e+02, v4;
	[tilespmem:v34+s20+$0x0] =	vst.idx.add.f32.msk $0xffff, v63;
	v10 =	vtrunc.f32 v45;
	v45 =	vsub.f32 $5.887500000e+03, v4  }
0x3fe: {  	v59 =	vtrunc.f32 v59;
	vm5 =	veq.s32 v3, $0x3;
	v7 =	vcvt.f32.s32 v7;
	[tilespmem:v43+s20+$0x0] =	vst.idx.add.f32.msk $0xffff, v63  }
0x3ff: {  	vm4 =	veq.s32 v3, $0x2;
	v36 =	vtrunc.f32 v42;
	v45 =	vsel vm5, v45, v44;
	v44 =	vld [tilespmem:$0x1F680]  }
0x400: {  	v50 =	vsel vm4, v2, v28;
	v42 =	vcvt.f32.s32 v59;
	v59 =	vld [tilespmem:$0x1F840];
	v28 =	vcvt.f32.s32 v10  }
0x401: {  	[tilespmem:v39+s20+$0x0] =	vst.idx.add.f32.msk $0xffff, v63;
	v4 =	vcvt.f32.s32 v0;
	v0 =	vtrunc.f32 v8  }
0x402: {  	v2 =	vcvt.f32.s32 v0;
	v0 =	vtrunc.f32 v11;
	[tilespmem:v35+s20+$0x0] =	vst.idx.add.f32.msk $0xffff, v63  }
0x403: {  	v10 =	vcvt.f32.s32 v0;
	v0 =	vadd.f32 $1.024500000e+03, v5;
	v5 =	vsub.f32 $6.143500000e+03, v5;
	[tilespmem:v37+s20+$0x0] =	vst.idx.add.f32.msk $0xffff, v63  }
0x404: {  	vm6 =	veq.s32 v3, $0x4;
	[tilespmem:v7+s20+$0x0] =	vst.idx.add.f32.msk $0xffff, v63;
	v8 =	vtrunc.f32 v44  }
0x405: {  	v44 =	vsel vm6, v5, v0;
	v0 =	vcvt.f32.s32 v6;
	v6 =	vtrunc.f32 v14;
	v14 =	vld [tilespmem:$0x1F6A0]  }
0x406: {  	[tilespmem:v28+s20+$0x0] =	vst.idx.add.f32.msk $0xffff, v63  }
0x407: {  	v9 =	vsub.f32 $6.655500000e+03, v25;
	v5 =	vcvt.f32.s32 v8;
	v8 =	vadd.f32 $1.536500000e+03, v25;
	v25 =	vld [tilespmem:$0x1F6D0]  }
0x408: {  	[tilespmem:v4+s20+$0x0] =	vst.idx.add.f32.msk $0xffff, v63  }
0x409: {  	[tilespmem:v2+s20+$0x0] =	vst.idx.add.f32.msk $0xffff, v63  }
0x40a: {  	v54 =	vcvt.f32.s32 v6;
	[tilespmem:v10+s20+$0x0] =	vst.idx.add.f32.msk $0xffff, v63;
	v6 =	vtrunc.f32 v14  }
0x40b: {  	v13 =	vcvt.f32.s32 v6;
	v6 =	vtrunc.f32 v15;
	v15 =	vld [tilespmem:$0x1F6E0]  }
0x40c: {  	vm8 =	veq.s32 v3, $0x6;
	vm9 =	veq.s32 v3, $0x7;
	v19 =	vsub.f32 $6.911500000e+03, v40;
	[tilespmem:v0+s20+$0x0] =	vst.idx.add.f32.msk $0xffff, v63  }
0x40d: {  	v12 =	vtrunc.f32 v25;
	v25 =	vsel vm8, v9, v8;
	v9 =	vadd.f32 $1.792500000e+03, v40;
	v0 =	vld [tilespmem:s30+$0x20]  }
0x40e: {  	vm10 =	veq.s32 v3, $0x8;
	v40 =	vadd.f32 $2.048500000e+03, v47;
	v47 =	vsub.f32 $7.167500000e+03, v47;
	[tilespmem:v5+s20+$0x0] =	vst.idx.add.f32.msk $0xffff, v63  }
0x40f: {  	v17 =	vcvt.f32.s32 v12;
	v12 =	vsel vm9, v19, v9;
	v9 =	vtrunc.f32 v26;
	v26 =	vld [tilespmem:$0x1F710]  }
0x410: {  	v11 =	vtrunc.f32 v21;
	v6 =	vcvt.f32.s32 v6;
	v16 =	vsel vm10, v47, v40;
	v40 =	vld [tilespmem:$0x1F730]  }
0x411: {  	v21 =	vtrunc.f32 v20;
	v14 =	vcvt.f32.s32 v11;
	[tilespmem:v54+s20+$0x0] =	vst.idx.add.f32.msk $0xffff, v63  }
0x412: {  	v54 =	vtrunc.f32 v45;
	v45 =	vld [tilespmem:$0x1F850];
	v8 =	vtrunc.f32 v15  }
0x413: {  	v15 =	vcvt.f32.s32 v21;
	v21 =	vtrunc.f32 v32;
	v32 =	vld [tilespmem:$0x1F780]  }
0x414: {  	v20 =	vtrunc.f32 v27;
	v47 =	vadd.f32 $2.304500000e+03, v48;
	v11 =	vcvt.f32.s32 v9;
	[tilespmem:v13+s20+$0x0] =	vst.idx.add.f32.msk $0xffff, v63  }
0x415: {  	v48 =	vsub.f32 $7.423500000e+03, v48;
	v8 =	vcvt.f32.s32 v8;
	v19 =	vtrunc.f32 v26;
	v26 =	vld [tilespmem:$0x1F740]  }
0x416: {  	vm11 =	veq.s32 v3, $0x9;
	v9 =	vtrunc.f32 v40;
	[tilespmem:v6+s20+$0x0] =	vst.idx.add.f32.msk $0xffff, v63;
	v23 =	vcvt.f32.s32 v19  }
0x417: {  	v19 =	vcvt.f32.s32 v20;
	v20 =	vcvt.f32.s32 v9;
	v9 =	vsel vm11, v48, v47;
	v48 =	vld [tilespmem:$0x1F760]  }
0x418: {  	v40 =	vadd.f32 $2.560500000e+03, v49;
	v47 =	vsub.f32 $7.679500000e+03, v49;
	v49 =	vld [tilespmem:$0x1F770]  }
0x419: {  	[tilespmem:v14+s20+$0x0] =	vst.idx.add.f32.msk $0xffff, v63  }
0x41a: {  	vm12 =	veq.s32 v3, $0xA;
	[tilespmem:v17+s20+$0x0] =	vst.idx.add.f32.msk $0xffff, v63  }
0x41b: {  	v27 =	vtrunc.f32 v26;
	v26 =	vsel vm12, v47, v40;
	v40 =	vld [tilespmem:$0x1F790]  }
0x41c: {  	v47 =	vld [tilespmem:$0x1F7A0]  }
0x41d: {  	v33 =	vcvt.f32.s32 v36;
	v12 =	vtrunc.f32 v12;
	[tilespmem:v8+s20+$0x0] =	vst.idx.add.f32.msk $0xffff, v63  }
0x41e: {  	v22 =	vcvt.f32.s32 v27;
	v27 =	vtrunc.f32 v48;
	v48 =	vld [tilespmem:$0x1F7B0]  }
0x41f: {  	v16 =	vtrunc.f32 v16;
	v12 =	vcvt.f32.s32 v12;
	[tilespmem:v15+s20+$0x0] =	vst.idx.add.f32.msk $0xffff, v63  }
0x420: {  	v29 =	vtrunc.f32 v49;
	v49 =	vadd.f32 $3.072500000e+03, v51;
	v51 =	vsub.f32 $8.191500000e+03, v51;
	[tilespmem:v11+s20+$0x0] =	vst.idx.add.f32.msk $0xffff, v63  }
0x421: {  	vm14 =	veq.s32 v3, $0xC;
	v16 =	vcvt.f32.s32 v16;
	v21 =	vcvt.f32.s32 v21;
	[tilespmem:v20+s20+$0x0] =	vst.idx.add.f32.msk $0xffff, v63  }
0x422: {  	v14 =	vcvt.f32.s32 v54;
	v18 =	vtrunc.f32 v32;
	v32 =	vsel vm14, v51, v49;
	v51 =	vld [tilespmem:$0x1F7F0]  }
0x423: {  	v9 =	vtrunc.f32 v9;
	[tilespmem:v23+s20+$0x0] =	vst.idx.add.f32.msk $0xffff, v63;
	v41 =	vadd.f32 $2.816500000e+03, v40;
	v30 =	vsub.f32 $7.935500000e+03, v40  }
0x424: {  	vm13 =	veq.s32 v3, $0xB;
	v27 =	vcvt.f32.s32 v27;
	v24 =	vcvt.f32.s32 v29;
	[tilespmem:v19+s20+$0x0] =	vst.idx.add.f32.msk $0xffff, v63  }
0x425: {  	v49 =	vsub.f32 $8.447500000e+03, v53;
	v31 =	vtrunc.f32 v47;
	v47 =	vld [tilespmem:$0x1F7E0];
	v29 =	vsel vm13, v30, v41  }
0x426: {  	v30 =	vcvt.f32.s32 v31;
	v31 =	vtrunc.f32 v48;
	v48 =	vadd.f32 $3.328500000e+03, v53;
	v53 =	vld [tilespmem:$0x1F800]  }
0x427: {  	vm4 =	veq.s32 v3, $0xE;
	v9 =	vcvt.f32.s32 v9;
	v18 =	vcvt.f32.s32 v18;
	[tilespmem:v22+s20+$0x0] =	vst.idx.add.f32.msk $0xffff, v63  }
0x428: {  	vm15 =	veq.s32 v3, $0xD;
	v54 =	vtrunc.f32 v26;
	v40 =	vtrunc.f32 v46;
	[tilespmem:v21+s20+$0x0] =	vst.idx.add.f32.msk $0xffff, v63  }
0x429: {  	v34 =	vcvt.f32.s32 v40;
	v31 =	vcvt.f32.s32 v31;
	v35 =	vsel vm15, v49, v48;
	v48 =	vld [tilespmem:$0x1F810]  }
0x42a: {  	vm7 =	veq.s32 v3, $0x11;
	v49 =	vtrunc.f32 v1;
	v1 =	vtrunc.f32 v55;
	v55 =	vld [tilespmem:$0x1F830]  }
0x42b: {  	vm5 =	veq.s32 v3, $0xF;
	v39 =	vtrunc.f32 v51;
	v51 =	vtrunc.f32 v62;
	[tilespmem:v27+s20+$0x0] =	vst.idx.add.f32.msk $0xffff, v63  }
0x42c: {  	v46 =	vadd.f32 $3.584500000e+03, v56;
	v62 =	vtrunc.f32 v57;
	v21 =	vcvt.f32.s32 v54;
	[tilespmem:v24+s20+$0x0] =	vst.idx.add.f32.msk $0xffff, v63  }
0x42d: {  	v39 =	vcvt.f32.s32 v39;
	v36 =	vtrunc.f32 v47;
	v47 =	vsub.f32 $8.703500000e+03, v56;
	[tilespmem:v18+s20+$0x0] =	vst.idx.add.f32.msk $0xffff, v63  }
0x42e: {  	v56 =	vsub.f32 $8.959500000e+03, v58;
	v40 =	vtrunc.f32 v53;
	v53 =	vadd.f32 $3.840500000e+03, v58;
	[tilespmem:v30+s20+$0x0] =	vst.idx.add.f32.msk $0xffff, v63  }
0x42f: {  	vm6 =	veq.s32 v3, $0x10;
	v43 =	vcvt.f32.s32 v1;
	v7 =	vtrunc.f32 v48;
	v48 =	vld [tilespmem:$0x1F820]  }
0x430: {  	v10 =	vsel vm5, v56, v53;
	v56 =	vadd.f32 $4.608500000e+03, v55;
	v57 =	vsub.f32 $9.727500000e+03, v55;
	v55 =	vld [tilespmem:$0x1F870]  }
0x431: {  	vm8 =	veq.s32 v3, $0x12;
	v4 =	vcvt.f32.s32 v51;
	v5 =	vcvt.f32.s32 v62;
	[tilespmem:v31+s20+$0x0] =	vst.idx.add.f32.msk $0xffff, v63  }
0x432: {  	v36 =	vcvt.f32.s32 v36;
	v28 =	vsel vm4, v47, v46;
	v58 =	vtrunc.f32 v60;
	[tilespmem:v33+s20+$0x0] =	vst.idx.add.f32.msk $0xffff, v63  }
0x433: {  	v60 =	vadd.f32 $4.096500000e+03, v61;
	v61 =	vsub.f32 $9.215500000e+03, v61;
	v47 =	vtrunc.f32 v52;
	[tilespmem:v34+s20+$0x0] =	vst.idx.add.f32.msk $0xffff, v63  }
0x434: {  	vm9 =	veq.s32 v0, $0x0;
	v52 =	vtrunc.f32 v50;
	v37 =	vcvt.f32.s32 v40;
	v34 =	vld [tilespmem:$0x1F890]  }
0x435: {  	v46 =	vsel vm6, v61, v60;
	v61 =	vtrunc.f32 v38;
	v33 =	vtrunc.f32 v28;
	[tilespmem:v43+s20+$0x0] =	vst.idx.add.f32.msk $0xffff, v63  }
0x436: {  	vm10 =	veq.s32 v0, $0x1;
	v38 =	vtrunc.f32 v46;
	v26 =	vcvt.f32.s32 v33;
	v33 =	vld [tilespmem:$0x1F8F0]  }
0x437: {  	vm11 =	veq.s32 v0, $0x2;
	v6 =	vcvt.f32.s32 v47;
	v46 =	vcvt.f32.s32 v38;
	v38 =	vld [tilespmem:$0x1F910]  }
0x438: {  	vm12 =	veq.s32 v0, $0x3;
	v40 =	vcvt.f32.s32 v49;
	v41 =	vcvt.f32.s32 v58;
	[tilespmem:v36+s20+$0x0] =	vst.idx.add.f32.msk $0xffff, v63  }
0x439: {  	vm14 =	veq.s32 v0, $0x5;
	v58 =	vtrunc.f32 v44;
	v44 =	vtrunc.f32 v25;
	v53 =	vpop (erf);
	[tilespmem:v39+s20+$0x0] =	vst.idx.add.f32.msk $0xffff, v63  }
0x43a: {  	vm13 =	veq.s32 v0, $0x4;
	v7 =	vcvt.f32.s32 v7;
	v2 =	vmul.f32 $2.550000000e+02, v53;
	v39 =	vld [tilespmem:$0x1F8A0]  }
0x43b: {  	v3 =	vcvt.f32.s32 v58;
	v11 =	vcvt.f32.s32 v44;
	v8 =	vsel vm8, v57, v56;
	[tilespmem:v37+s20+$0x0] =	vst.idx.add.f32.msk $0xffff, v63  }
0x43c: {  	v49 =	vadd.f32 $4.352500000e+03, v48;
	v51 =	vsub.f32 $9.471500000e+03, v48;
	v56 =	vmul.f32 v2, v55;
	v55 =	vld [tilespmem:$0x1F8C0]  }
0x43d: {  	vm15 =	veq.s32 v0, $0x6;
	v15 =	vcvt.f32.s32 v61;
	v60 =	vmul.f32 v2, v59;
	[tilespmem:v6+s20+$0x0] =	vst.idx.add.f32.msk $0xffff, v63  }
0x43e: {  	v10 =	vtrunc.f32 v10;
	v57 =	vtrunc.f32 v29;
	v13 =	vsel vm7, v51, v49;
	v51 =	vld [tilespmem:$0x1F860]  }
0x43f: {  	v10 =	vcvt.f32.s32 v10;
	v62 =	vadd.f32 $5.000000000e-01, v60;
	v17 =	vsub.f32 $5.119500000e+03, v60;
	v60 =	vld [tilespmem:$0x1F880]  }
0x440: {  	vm4 =	veq.s32 v0, $0x7;
	v48 =	vcvt.f32.s32 v52;
	v47 =	vmul.f32 v2, v45;
	[tilespmem:v7+s20+$0x0] =	vst.idx.add.f32.msk $0xffff, v63  }
0x441: {  	v18 =	vcvt.f32.s32 v57;
	v58 =	vadd.f32 $7.685000000e+02, v56;
	v23 =	vsub.f32 $5.887500000e+03, v56;
	[tilespmem:v40+s20+$0x0] =	vst.idx.add.f32.msk $0xffff, v63  }
0x442: {  	v59 =	vtrunc.f32 v32;
	v49 =	vadd.f32 $2.565000000e+02, v47;
	v50 =	vsub.f32 $5.375500000e+03, v47;
	[tilespmem:v4+s20+$0x0] =	vst.idx.add.f32.msk $0xffff, v63  }
0x443: {  	v13 =	vtrunc.f32 v13;
	v22 =	vsel vm12, v23, v58;
	v23 =	vcvt.f32.s32 v59;
	v59 =	vld [tilespmem:$0x1F8D0]  }
0x444: {  	v17 =	vsel vm9, v17, v62;
	v62 =	vtrunc.f32 v35;
	v35 =	vmul.f32 v2, v34;
	[tilespmem:v41+s20+$0x0] =	vst.idx.add.f32.msk $0xffff, v63  }
0x445: {  	v19 =	vsel vm10, v50, v49;
	v44 =	vmul.f32 v2, v39;
	v50 =	vtrunc.f32 v8;
	[tilespmem:v42+s20+$0x0] =	vst.idx.add.f32.msk $0xffff, v63  }
0x446: {  	vm5 =	veq.s32 v0, $0x8;
	v13 =	vcvt.f32.s32 v13;
	v24 =	vcvt.f32.s32 v62;
	[tilespmem:v48+s20+$0x0] =	vst.idx.add.f32.msk $0xffff, v63  }
0x447: {  	v4 =	vcvt.f32.s32 v50;
	v47 =	vadd.f32 $1.536500000e+03, v44;
	v49 =	vsub.f32 $6.655500000e+03, v44;
	v44 =	vld [tilespmem:$0x1F920]  }
0x448: {  	vm6 =	veq.s32 v0, $0x9;
	v17 =	vtrunc.f32 v17;
	v52 =	vmul.f32 v2, v51;
	v51 =	vld [tilespmem:$0x1F8B0]  }
0x449: {  	vm8 =	veq.s32 v0, $0xB;
	v54 =	vtrunc.f32 v19;
	v56 =	vmul.f32 v2, v55;
	[tilespmem:v5+s20+$0x0] =	vst.idx.add.f32.msk $0xffff, v63  }
0x44a: {  	v22 =	vtrunc.f32 v22;
	v36 =	vadd.f32 $1.280500000e+03, v35;
	v28 =	vsub.f32 $6.399500000e+03, v35;
	[tilespmem:v14+s20+$0x0] =	vst.idx.add.f32.msk $0xffff, v63  }
0x44b: {  	v17 =	vcvt.f32.s32 v17;
	v58 =	vadd.f32 $2.048500000e+03, v56;
	v19 =	vsub.f32 $7.167500000e+03, v56;
	v56 =	vld [tilespmem:$0x1F950]  }
0x44c: {  	vm7 =	veq.s32 v0, $0xA;
	v61 =	vmul.f32 v2, v60;
	v5 =	vcvt.f32.s32 v54;
	[tilespmem:v3+s20+$0x0] =	vst.idx.add.f32.msk $0xffff, v63  }
0x44d: {  	v45 =	vsel vm14, v28, v36;
	v36 =	vld [tilespmem:$0x1F900];
	v53 =	vadd.f32 $5.125000000e+02, v52;
	v20 =	vsub.f32 $5.631500000e+03, v52  }
0x44e: {  	v28 =	vsel vm15, v49, v47;
	v32 =	vadd.f32 $1.024500000e+03, v61;
	v25 =	vsub.f32 $6.143500000e+03, v61;
	[tilespmem:v15+s20+$0x0] =	vst.idx.add.f32.msk $0xffff, v63  }
0x44f: {  	v29 =	vmul.f32 v2, v59;
	v60 =	vsel vm5, v19, v58;
	v61 =	vcvt.f32.s32 v22;
	[tilespmem:v11+s20+$0x0] =	vst.idx.add.f32.msk $0xffff, v63  }
0x450: {  	v7 =	vtrunc.f32 v45;
	v31 =	vtrunc.f32 v28;
	v25 =	vsel vm13, v25, v32;
	[tilespmem:v12+s20+$0x0] =	vst.idx.add.f32.msk $0xffff, v63  }
0x451: {  	v1 =	vadd.f32 $2.304500000e+03, v29;
	v62 =	vtrunc.f32 v25;
	v25 =	vsub.f32 $7.423500000e+03, v29;
	v29 =	vld [tilespmem:$0x1F8E0]  }
0x452: {  	vm9 =	veq.s32 v0, $0xC;
	v7 =	vcvt.f32.s32 v7;
	v14 =	vtrunc.f32 v60;
	[tilespmem:v16+s20+$0x0] =	vst.idx.add.f32.msk $0xffff, v63  }
0x453: {  	v20 =	vsel vm11, v20, v53;
	v12 =	vcvt.f32.s32 v31;
	v14 =	vcvt.f32.s32 v14;
	[tilespmem:v17+s20+$0x0] =	vst.idx.add.f32.msk $0xffff, v63  }
0x454: {  	vm10 =	veq.s32 v0, $0xD;
	v52 =	vmul.f32 v2, v51;
	v57 =	vtrunc.f32 v20;
	[tilespmem:v9+s20+$0x0] =	vst.idx.add.f32.msk $0xffff, v63  }
0x455: {  	vm12 =	veq.s32 v0, $0xF;
	v16 =	vmul.f32 v2, v33;
	v20 =	vmul.f32 v2, v38;
	[tilespmem:v21+s20+$0x0] =	vst.idx.add.f32.msk $0xffff, v63  }
0x456: {  	vm14 =	veq.s32 v0, $0x11;
	v6 =	vcvt.f32.s32 v57;
	v3 =	vcvt.f32.s32 v62;
	[tilespmem:v18+s20+$0x0] =	vst.idx.add.f32.msk $0xffff, v63  }
0x457: {  	v53 =	vadd.f32 $1.792500000e+03, v52;
	v8 =	vsub.f32 $6.911500000e+03, v52;
	v30 =	vsel vm6, v25, v1;
	[tilespmem:v23+s20+$0x0] =	vst.idx.add.f32.msk $0xffff, v63  }
0x458: {  	v35 =	vadd.f32 $2.816500000e+03, v16;
	v16 =	vsub.f32 $7.935500000e+03, v16;
	v15 =	vmul.f32 v2, v29;
	[tilespmem:v24+s20+$0x0] =	vst.idx.add.f32.msk $0xffff, v63  }
0x459: {  	v41 =	vadd.f32 $3.328500000e+03, v20;
	v42 =	vsub.f32 $8.447500000e+03, v20;
	v11 =	vtrunc.f32 v30;
	[tilespmem:v26+s20+$0x0] =	vst.idx.add.f32.msk $0xffff, v63  }
0x45a: {  	v8 =	vsel vm4, v8, v53;
	v32 =	vadd.f32 $2.560500000e+03, v15;
	v15 =	vsub.f32 $7.679500000e+03, v15;
	[tilespmem:v10+s20+$0x0] =	vst.idx.add.f32.msk $0xffff, v63  }
0x45b: {  	v11 =	vcvt.f32.s32 v11;
	v8 =	vtrunc.f32 v8;
	[tilespmem:v46+s20+$0x0] =	vst.idx.add.f32.msk $0xffff, v63;
	v46 =	vsel vm10, v42, v41  }
0x45c: {  	v47 =	vld [tilespmem:$0x1F930];
	v34 =	vsel vm7, v15, v32;
	v15 =	vsel vm8, v16, v35;
	v16 =	vmul.f32 v2, v36  }
0x45d: {  	vm15 =	veq.s32 v0, $0x12;
	v8 =	vcvt.f32.s32 v8;
	[tilespmem:v13+s20+$0x0] =	vst.idx.add.f32.msk $0xffff, v63;
	v13 =	vtrunc.f32 v46  }
0x45e: {  	v52 =	vld [tilespmem:$0x1F940];
	v9 =	vtrunc.f32 v34;
	v15 =	vtrunc.f32 v15;
	v37 =	vadd.f32 $3.072500000e+03, v16  }
0x45f: {  	[tilespmem:v5+s20+$0x0] =	vst.idx.add.f32.msk $0xffff, v63;
	v16 =	vsub.f32 $8.191500000e+03, v16;
	v39 =	vcvt.f32.s32 v15;
	v15 =	vmul.f32 v2, v44  }
0x460: {  	vm11 =	veq.s32 v0, $0xE;
	v57 =	vld [tilespmem:$0x1F960];
	v50 =	vcvt.f32.s32 v13;
	v9 =	vcvt.f32.s32 v9  }
0x461: {  	[tilespmem:v6+s20+$0x0] =	vst.idx.add.f32.msk $0xffff, v63;
	v40 =	vsel vm9, v16, v37;
	v48 =	vadd.f32 $3.584500000e+03, v15;
	v15 =	vsub.f32 $8.703500000e+03, v15  }
0x462: {  	vm13 =	veq.s32 v0, $0x10;
	[tilespmem:v61+s20+$0x0] =	vst.idx.add.f32.msk $0xffff, v63;
	v16 =	vmul.f32 v2, v47;
	v43 =	vtrunc.f32 v40  }
0x463: {  	[tilespmem:v3+s20+$0x0] =	vst.idx.add.f32.msk $0xffff, v63;
	v45 =	vcvt.f32.s32 v43;
	v51 =	vsel vm11, v15, v48;
	v15 =	vmul.f32 v2, v52  }
0x464: {  	[tilespmem:v4+s20+$0x0] =	vst.idx.add.f32.msk $0xffff, v63;
	v49 =	vadd.f32 $3.840500000e+03, v16;
	v16 =	vsub.f32 $8.959500000e+03, v16;
	v13 =	vtrunc.f32 v51  }
0x465: {  	[tilespmem:v7+s20+$0x0] =	vst.idx.add.f32.msk $0xffff, v63;
	v54 =	vadd.f32 $4.096500000e+03, v15;
	v55 =	vsub.f32 $9.215500000e+03, v15;
	v15 =	vmul.f32 v2, v56  }
0x466: {  	[tilespmem:v12+s20+$0x0] =	vst.idx.add.f32.msk $0xffff, v63;
	v5 =	vsel vm12, v16, v49;
	v53 =	vcvt.f32.s32 v13;
	v2 =	vmul.f32 v2, v57  }
0x467: {  	[tilespmem:v8+s20+$0x0] =	vst.idx.add.f32.msk $0xffff, v63;
	v5 =	vtrunc.f32 v5;
	v58 =	vadd.f32 $4.352500000e+03, v15;
	v59 =	vsub.f32 $9.471500000e+03, v15  }
0x468: {  	[tilespmem:v14+s20+$0x0] =	vst.idx.add.f32.msk $0xffff, v63;
	v7 =	vsel vm13, v55, v54;
	v60 =	vadd.f32 $4.608500000e+03, v2;
	v2 =	vsub.f32 $9.727500000e+03, v2  }
0x469: {  	[tilespmem:v11+s20+$0x0] =	vst.idx.add.f32.msk $0xffff, v63;
	v5 =	vcvt.f32.s32 v5;
	v7 =	vtrunc.f32 v7;
	v8 =	vsel vm14, v59, v58  }
0x46a: {  	[tilespmem:v9+s20+$0x0] =	vst.idx.add.f32.msk $0xffff, v63;
	v61 =	vcvt.f32.s32 v7;
	v2 =	vsel vm15, v2, v60;
	v62 =	vtrunc.f32 v8  }
0x46b: {  	[tilespmem:v39+s20+$0x0] =	vst.idx.add.f32.msk $0xffff, v63;
	v2 =	vtrunc.f32 v2;
	v7 =	vcvt.f32.s32 v62  }
0x46c: {  	s29 =	sadd.s32 $0x6, s29;
	[tilespmem:v45+s20+$0x0] =	vst.idx.add.f32.msk $0xffff, v63;
	v2 =	vcvt.f32.s32 v2  }
0x46d: {  	p0 =	slt.u32 s29, $0x78;
	[tilespmem:v50+s20+$0x0] =	vst.idx.add.f32.msk $0xffff, v63  }
.Ltmp3:
0x46e: {  	[tilespmem:v53+s20+$0x0] =	vst.idx.add.f32.msk $0xffff, v63;
	(pc) =	sbr.rel @p0 .LBB2_8-.Ltmp3, $4  }
0x46f: {  	[tilespmem:v5+s20+$0x0] =	vst.idx.add.f32.msk $0xffff, v63  }
0x470: {  	s7 =	sadd.s32 $0x3, s7;
	s1 =	sadd.s32 $0x3, s1;
	s0 =	sadd.s32 $0x3, s0;
	[tilespmem:v61+s20+$0x0] =	vst.idx.add.f32.msk $0xffff, v63  }
0x471: {  	s26 =	sadd.s32 $0x6, s26;
	s22 =	sadd.s32 $0x60, s22;
	s28 =	sadd.s32 $0x6, s28;
	[tilespmem:v7+s20+$0x0] =	vst.idx.add.f32.msk $0xffff, v63  }
0x472: {  	s31 =	sadd.s32 $0x300, s31;
	s8 =	simm.s32 $0x3F60;
	s30 =	sadd.s32 $0x60, s30;
	[tilespmem:v2+s20+$0x0] =	vst.idx.add.f32.msk $0xffff, v63  }
.LBB2_9:
0x473: {  	s0 =	sshra.s32 s25, $0x2  }
0x474: {  	v0 =	vld [tilespmem:s0+$0xFC60]  }
0x475: {  	v2 =	vld [tilespmem:s0+$0xFCE0]  }
0x476: {  	v3 =	vld [tilespmem:s0+$0xFD60]  }
0x477: {  	v4 =	vld [tilespmem:s0+$0xFDE0]  }
0x478: {  	v5 =	vld [tilespmem:s0+$0xFE60]  }
0x479: {  	v6 =	vld [tilespmem:s0+$0xFEE0];
	v0 =	vmul.f32 $1.442695020e+00, v0  }
0x47a: {  	s1 =	sor.u32 $0x380, s8;
	v7 =	vld [tilespmem:s0+$0xFF60];
	v2 =	vmul.f32 $1.442695020e+00, v2  }
0x47b: {  	v36 =	vld [tilespmem:s1+$0xC000];
	v35 =	vmul.f32 $1.442695020e+00, v3;
	(erf) = vpow2.f32 v0  }
0x47c: {  	v38 =	vld [tilespmem:s0+$0x13C60];
	v37 =	vmul.f32 $1.442695020e+00, v4;
	(erf) = vpow2.f32 v2  }
0x47d: {  	v40 =	vld [tilespmem:s0+$0x13CE0];
	v39 =	vmul.f32 $1.442695020e+00, v5;
	(erf) = vpow2.f32 v35  }
0x47e: {  	v42 =	vld [tilespmem:s0+$0x13D60];
	v41 =	vmul.f32 $1.442695020e+00, v6;
	(erf) = vpow2.f32 v37  }
0x47f: {  	v44 =	vld [tilespmem:s0+$0x13DE0];
	v43 =	vmul.f32 $1.442695020e+00, v7;
	(erf) = vpow2.f32 v39  }
0x480: {  	v46 =	vld [tilespmem:s0+$0x13E60];
	v45 =	vmul.f32 $1.442695020e+00, v36;
	(erf) = vpow2.f32 v41  }
0x481: {  	v48 =	vld [tilespmem:s0+$0x13EE0];
	v47 =	vmul.f32 $1.442695020e+00, v38;
	(erf) = vpow2.f32 v43  }
0x482: {  	v50 =	vld [tilespmem:s0+$0x13F60];
	v49 =	vmul.f32 $1.442695020e+00, v40;
	(erf) = vpow2.f32 v45  }
0x483: {  	v52 =	vld [tilespmem:s0+$0x13FE0];
	v51 =	vmul.f32 $1.442695020e+00, v42;
	(erf) = vpow2.f32 v47  }
0x484: {  	v53 =	vmul.f32 $1.442695020e+00, v44;
	v8 =	vpop (erf);
	(erf) = vpow2.f32 v49  }
0x485: {  	v55 =	vmul.f32 $1.442695020e+00, v46;
	v54 =	vpop (erf);
	(erf) = vpow2.f32 v51  }
0x486: {  	v56 =	vld [tilespmem:s0+$0x17C60];
	v57 =	vmul.f32 $1.442695020e+00, v48;
	v9 =	vpop (erf);
	(erf) = vpow2.f32 v53  }
0x487: {  	v58 =	vld [tilespmem:s0+$0x17CE0];
	v59 =	vmul.f32 $1.442695020e+00, v50;
	v10 =	vpop (erf);
	(erf) = vpow2.f32 v55  }
0x488: {  	v61 =	vmul.f32 $1.442695020e+00, v52;
	v60 =	vpop (erf);
	(erf) = vpow2.f32 v57  }
0x489: {  	v25 =	vld [tilespmem:s0+$0x17D60];
	v62 =	vpop (erf);
	(erf) = vpow2.f32 v59  }
0x48a: {  	v11 =	vpop (erf);
	(erf) = vpow2.f32 v61  }
0x48b: {  	v26 =	vmul.f32 $1.442695020e+00, v56;
	v12 =	vpop (erf)  }
0x48c: {  	v27 =	vmul.f32 $1.442695020e+00, v58;
	v13 =	vpop (erf)  }
0x48d: {  	(erf) = vpow2.f32 v26;
	v14 =	vpop (erf)  }
0x48e: {  	v0 =	vmul.f32 $1.442695020e+00, v25;
	(erf) = vpow2.f32 v27;
	v15 =	vpop (erf)  }
0x48f: {  	v16 =	vpop (erf)  }
0x490: {  	(erf) = vpow2.f32 v0;
	v17 =	vpop (erf)  }
0x491: {  	v28 =	vadd.f32 v54, v8;
	v29 =	vadd.f32 v10, v9;
	v18 =	vpop (erf)  }
0x492: {  	v30 =	vadd.f32 v62, v60;
	v20 =	vadd.f32 v12, v11;
	v19 =	vpop (erf)  }
0x493: {  	v22 =	vadd.f32 v14, v13;
	v23 =	vadd.f32 v16, v15;
	v21 =	vpop (erf)  }
0x494: {  	v24 =	vadd.f32 v18, v17;
	v25 =	vadd.f32 v21, v19  }
0x495: {  	v0 =	vadd.f32 v29, v28;
	v3 =	vadd.f32 v20, v30  }
0x496: {  	v33 =	vadd.f32 v23, v22;
	v31 =	vpop (erf);
	v34 =	vadd.f32 v25, v24  }
0x497: {  	v0 =	vadd.f32 v3, v0;
	v32 =	vpop (erf)  }
0x498: {  	v35 =	vadd.f32 v32, v31;
	v20 =	vadd.f32 v34, v33  }
0x499: {  	v36 =	vpop (erf)  }
0x49a: {  	v37 =	vadd.f32 v36, v35;
	v0 =	vadd.f32 v20, v0;
	_ =	sdelay $0x1  }
0x49b: {  	v0 =	vadd.f32 v37, v0;
	_ =	sdelay $0x1  }
0x49c: {  	(erf) = vrcp.f32 v0;
	_ =	sdelay $0x3  }
0x49d: {  	v39 =	vld [tilespmem:s0+$0x18FE0];
	_ =	sdelay $0x4  }
0x49e: {  	vm0 =	veq.s32 v39, $0x0;
	vm10 =	veq.s32 v39, $0x1;
	v38 =	vpop (erf)  }
0x49f: {  	vm11 =	veq.s32 v39, $0x2;
	vm12 =	veq.s32 v39, $0x3;
	v20 =	vmul.f32 $2.550000000e+02, v38  }
0x4a0: {  	vm13 =	veq.s32 v39, $0x4;
	vm14 =	veq.s32 v39, $0x5;
	vm15 =	veq.s32 v39, $0x6  }
0x4a1: {  	vm4 =	veq.s32 v39, $0x7;
	vm5 =	veq.s32 v39, $0x8;
	v8 =	vmul.f32 v20, v8  }
0x4a2: {  	vm6 =	veq.s32 v39, $0x9;
	vm7 =	veq.s32 v39, $0xA;
	v7 =	vmul.f32 v20, v54  }
0x4a3: {  	v9 =	vmul.f32 v20, v9;
	v40 =	vadd.f32 $5.000000000e-01, v8;
	v8 =	vsub.f32 $5.119500000e+03, v8  }
0x4a4: {  	v10 =	vmul.f32 v20, v10;
	v41 =	vadd.f32 $2.565000000e+02, v7;
	v7 =	vsub.f32 $5.375500000e+03, v7  }
0x4a5: {  	v5 =	vmul.f32 v20, v60;
	v42 =	vadd.f32 $5.125000000e+02, v9;
	v9 =	vsub.f32 $5.631500000e+03, v9  }
0x4a6: {  	v6 =	vmul.f32 v20, v62;
	v43 =	vadd.f32 $7.685000000e+02, v10;
	v10 =	vsub.f32 $5.887500000e+03, v10  }
0x4a7: {  	v11 =	vmul.f32 v20, v11;
	v44 =	vadd.f32 $1.024500000e+03, v5;
	v5 =	vsub.f32 $6.143500000e+03, v5  }
0x4a8: {  	v12 =	vmul.f32 v20, v12;
	v45 =	vadd.f32 $1.280500000e+03, v6;
	v6 =	vsub.f32 $6.399500000e+03, v6  }
0x4a9: {  	v13 =	vmul.f32 v20, v13;
	v46 =	vadd.f32 $1.536500000e+03, v11;
	v11 =	vsub.f32 $6.655500000e+03, v11  }
0x4aa: {  	v14 =	vmul.f32 v20, v14;
	v47 =	vadd.f32 $1.792500000e+03, v12;
	v12 =	vsub.f32 $6.911500000e+03, v12  }
0x4ab: {  	v15 =	vmul.f32 v20, v15;
	v48 =	vadd.f32 $2.048500000e+03, v13;
	v13 =	vsub.f32 $7.167500000e+03, v13  }
0x4ac: {  	v16 =	vmul.f32 v20, v16;
	v49 =	vadd.f32 $2.304500000e+03, v14;
	v14 =	vsub.f32 $7.423500000e+03, v14  }
0x4ad: {  	v17 =	vmul.f32 v20, v17;
	v50 =	vadd.f32 $2.560500000e+03, v15;
	v15 =	vsub.f32 $7.679500000e+03, v15  }
0x4ae: {  	v18 =	vmul.f32 v20, v18;
	v51 =	vadd.f32 $2.816500000e+03, v16;
	v16 =	vsub.f32 $7.935500000e+03, v16  }
0x4af: {  	v19 =	vmul.f32 v20, v19;
	v52 =	vadd.f32 $3.072500000e+03, v17;
	v17 =	vsub.f32 $8.191500000e+03, v17  }
0x4b0: {  	v21 =	vmul.f32 v20, v21;
	v53 =	vadd.f32 $3.328500000e+03, v18;
	v18 =	vsub.f32 $8.447500000e+03, v18  }
0x4b1: {  	v4 =	vmul.f32 v20, v31;
	v55 =	vadd.f32 $3.584500000e+03, v19;
	v19 =	vsub.f32 $8.703500000e+03, v19  }
0x4b2: {  	v2 =	vmul.f32 v20, v32;
	v56 =	vadd.f32 $3.840500000e+03, v21;
	v21 =	vsub.f32 $8.959500000e+03, v21  }
0x4b3: {  	v3 =	vmul.f32 v20, v36;
	v59 =	vadd.f32 $4.096500000e+03, v4;
	v4 =	vsub.f32 $9.215500000e+03, v4  }
0x4b4: {  	vm8 =	veq.s32 v39, $0xB;
	v60 =	vadd.f32 $4.352500000e+03, v2;
	v2 =	vsub.f32 $9.471500000e+03, v2  }
0x4b5: {  	vm9 =	veq.s32 v39, $0xC;
	v61 =	vadd.f32 $4.608500000e+03, v3;
	v3 =	vsub.f32 $9.727500000e+03, v3  }
0x4b6: {  	v8 =	vsel vm0, v8, v40;
	v7 =	vsel vm10, v7, v41;
	v9 =	vsel vm11, v9, v42  }
0x4b7: {  	v10 =	vsel vm12, v10, v43;
	v5 =	vsel vm13, v5, v44;
	v6 =	vsel vm14, v6, v45  }
0x4b8: {  	v11 =	vsel vm15, v11, v46;
	v12 =	vsel vm4, v12, v47;
	v8 =	vtrunc.f32 v8  }
0x4b9: {  	v13 =	vsel vm5, v13, v48;
	v7 =	vtrunc.f32 v7;
	v8 =	vcvt.f32.s32 v8  }
0x4ba: {  	v14 =	vsel vm6, v14, v49;
	v9 =	vtrunc.f32 v9;
	v7 =	vcvt.f32.s32 v7  }
0x4bb: {  	v15 =	vsel vm7, v15, v50;
	v10 =	vtrunc.f32 v10;
	v9 =	vcvt.f32.s32 v9  }
0x4bc: {  	v16 =	vsel vm8, v16, v51;
	v5 =	vtrunc.f32 v5;
	v10 =	vcvt.f32.s32 v10  }
0x4bd: {  	v17 =	vsel vm9, v17, v52;
	v6 =	vtrunc.f32 v6;
	v5 =	vcvt.f32.s32 v5  }
0x4be: {  	vm10 =	veq.s32 v39, $0xD;
	v11 =	vtrunc.f32 v11;
	v6 =	vcvt.f32.s32 v6  }
0x4bf: {  	vm11 =	veq.s32 v39, $0xE;
	v12 =	vtrunc.f32 v12;
	v11 =	vcvt.f32.s32 v11;
	[tilespmem:v8+s20+$0x0] =	vst.idx.add.f32.msk $0xffff, v63  }
0x4c0: {  	vm12 =	veq.s32 v39, $0xF;
	v13 =	vtrunc.f32 v13;
	v12 =	vcvt.f32.s32 v12;
	[tilespmem:v7+s20+$0x0] =	vst.idx.add.f32.msk $0xffff, v63  }
0x4c1: {  	vm13 =	veq.s32 v39, $0x10;
	v14 =	vtrunc.f32 v14;
	v13 =	vcvt.f32.s32 v13;
	[tilespmem:v9+s20+$0x0] =	vst.idx.add.f32.msk $0xffff, v63  }
0x4c2: {  	vm14 =	veq.s32 v39, $0x11;
	v15 =	vtrunc.f32 v15;
	v14 =	vcvt.f32.s32 v14;
	[tilespmem:v10+s20+$0x0] =	vst.idx.add.f32.msk $0xffff, v63  }
0x4c3: {  	vm15 =	veq.s32 v39, $0x12;
	v16 =	vtrunc.f32 v16;
	v15 =	vcvt.f32.s32 v15;
	[tilespmem:v5+s20+$0x0] =	vst.idx.add.f32.msk $0xffff, v63  }
0x4c4: {  	v17 =	vtrunc.f32 v17;
	v18 =	vsel vm10, v18, v53;
	v16 =	vcvt.f32.s32 v16;
	[tilespmem:v6+s20+$0x0] =	vst.idx.add.f32.msk $0xffff, v63  }
0x4c5: {  	v57 =	vsel vm11, v19, v55;
	v17 =	vcvt.f32.s32 v17;
	v54 =	vtrunc.f32 v18;
	[tilespmem:v11+s20+$0x0] =	vst.idx.add.f32.msk $0xffff, v63  }
0x4c6: {  	v8 =	vcvt.f32.s32 v54;
	v7 =	vsel vm12, v21, v56;
	v9 =	vtrunc.f32 v57;
	[tilespmem:v12+s20+$0x0] =	vst.idx.add.f32.msk $0xffff, v63  }
0x4c7: {  	v4 =	vsel vm13, v4, v59;
	v7 =	vtrunc.f32 v7;
	v58 =	vcvt.f32.s32 v9;
	[tilespmem:v13+s20+$0x0] =	vst.idx.add.f32.msk $0xffff, v63  }
0x4c8: {  	v2 =	vsel vm14, v2, v60;
	v4 =	vtrunc.f32 v4;
	v7 =	vcvt.f32.s32 v7;
	[tilespmem:v14+s20+$0x0] =	vst.idx.add.f32.msk $0xffff, v63  }
0x4c9: {  	v3 =	vsel vm15, v3, v61;
	v2 =	vtrunc.f32 v2;
	v62 =	vcvt.f32.s32 v4;
	[tilespmem:v15+s20+$0x0] =	vst.idx.add.f32.msk $0xffff, v63  }
0x4ca: {  	v3 =	vtrunc.f32 v3;
	v2 =	vcvt.f32.s32 v2;
	[tilespmem:v16+s20+$0x0] =	vst.idx.add.f32.msk $0xffff, v63  }
0x4cb: {  	v3 =	vcvt.f32.s32 v3;
	[tilespmem:v17+s20+$0x0] =	vst.idx.add.f32.msk $0xffff, v63  }
0x4cc: {  	p0 =	sne.s32 s25, $0x40;
	[tilespmem:v8+s20+$0x0] =	vst.idx.add.f32.msk $0xffff, v63  }
.Ltmp4:
0x4cd: {  	[tilespmem:v58+s20+$0x0] =	vst.idx.add.f32.msk $0xffff, v63;
	(pc) =	sbr.rel @p0 .LBB2_9-.Ltmp4, $4  }
0x4ce: {  	[tilespmem:v7+s20+$0x0] =	vst.idx.add.f32.msk $0xffff, v63  }
0x4cf: {  	[tilespmem:v62+s20+$0x0] =	vst.idx.add.f32.msk $0xffff, v63  }
0x4d0: {  	[tilespmem:v2+s20+$0x0] =	vst.idx.add.f32.msk $0xffff, v63  }
0x4d1: {  	s8 =	sadd.s32 $0x90, s8;
	s25 =	sadd.s32 $0x40, s25;
	[tilespmem:v3+s20+$0x0] =	vst.idx.add.f32.msk $0xffff, v63  }
0x4d2: {  	s24 =	sadd.s32 $0x1, s24  }
0x4d3: {  	p0 =	sne.s32 s24, $0x8  }
.Ltmp5:
0x4d4: {  	_ = 	snop;
	(pc) =	sbr.rel @p0 .LBB2_4-.Ltmp5, $1  }
0x4d5: {  	_ =	sdelay $0x3  }
0x4d6: {  	s0 =	simm.s32 $0x1  }
0x4d7: {  	_ =	swait.ge [sflag:s0], $0xC000  }
0x4d8: {  	[sflag:s0] =	ssyncset.done $0x0  }
0x4d9: {  	[sflag:s0] =	ssyncadd.s32 $0xFFFF4000  }
0x4da: {  	_ =	swait.ge [sflag:s19], $0x800  }
0x4db: {  	s1 =	simm.s32 $0x80;
	s2 =	simm.s32 $0x400;
	[sflag:s19] =	ssyncset.done $0x0  }
0x4dc: {  	s30 =	simm.s32 $0x5;
	s29 =	rddreg [dreg:$0x6];
	[sflag:s19] =	ssyncadd.s32 $0xFFFFF800  }
0x4dd: {  	[hbm4b:s29+s1] =	stream.strided.scatter [tilespmem:s20], [sflag:$0x5], $0x2600, s2, s1, $0x38;
	[tilespmem:$0x1B600] =	vst v63  }
0x4de: {  	_ =	swait.ge [sflag:s30], $0x2600  }
0x4df: {  	s9 =	rddreg [dreg:$0x2]  }
0x4e0: {  	s31 =	rddreg [dreg:$0x7];
	s9 =	sadd.s32 $0x1, s9  }
0x4e1: {  	p0 =	sne.s32 s9, s31  }
.Ltmp6:
0x4e2: {  	_ = 	snop;
	(pc) =	sbr.rel @p0 .LBB2_1-.Ltmp6, $3  }
0x4e3: {  	_ =	sdelay $0x1  }
0x4e4: {  	[sflag:s30] =	ssyncset.done $0x0  }
0x4e5: {  	v0 =	vimm.f32 $0.0e+00;
	[sflag:s30] =	ssyncadd.s32 $0xFFFFDA00  }
0x4e6: {  	_ =	sfence.sel $0x180000  }
0x4e7: {  	[bflag:$0x0] =	sbarrier.arrive $0xFFFF  }
0x4e8: {  	_ =	strace $0x90000047  }
0x4e9: {  	s0 =	stileid.u32;
	[bflag:$0x2] =	sbarrier.arrive $0xFFFF  }
0x4ea: {  	p0 =	sne.s32 s0, $0x0;
	s0 =	rddreg [dreg:$0x1]  }
0x4eb: {  	s0 =	sadd.s32 @!p0 $0x100000, s0  }
0x4ec: {  	[sflag:s0] =	ssyncadd.tile.s32 @!p0 $0x1;
	_ =	shalt  }
.Lfunc_end2:
_tile_overlayer_lowered:
.L_overlay_start_2:
0x4ed: {  	(tag) =	ssettag $0x2  }
0x4ee: {  	s0 =	rddreg [dreg:$0x0];
	s2 =	stileid.u32  }
0x4ef: {  	s1 =	rddreg [dreg:$0x1];
	p0 =	sne.s32 s2, $0x0  }
0x4f0: {  	s3 =	rddreg [dreg:$0x2];
	[bflag:$0x3] =	sbarrier.arrive $0xFFFF;
	s2 =	simm.s32 @!p0 $0x1C05  }
0x4f1: {  	[timem:s3], [sflag:s2] =	dma.local @!p0 [hbm:s0], s1  }
0x4f2: {  	s0 =	simm.s32 @!p0 $0x5  }
0x4f3: {  	_ =	swait.ge @!p0 [sflag:s0], s1  }
0x4f4: {  	s1 =	ssub.s32 @!p0 $0x0, s1;
	[sflag:s0] =	ssyncset.done @!p0 $0x0  }
0x4f5: {  	[sflag:s0] =	ssyncadd.s32 @!p0 s1  }
0x4f6: {  	[bflag:$0x3] =	sbarrier.arrive $0xFFFF  }
0x4f7: {  	_ =	shalt  }

</sc_bundles>
